<compile_context>
chip_gen: v7x
topology: tpu7x:2x2x1
jax: 0.10.2.dev20260603
libtpu: 0.0.44.dev20260713+nightly
codegen_flags: <defaults>
</compile_context>

<pallas_src>
import functools

import jax
import jax.numpy as jnp
from jax import lax
from jax.experimental import pallas as pl
from jax.experimental.pallas import tpu as pltpu
from jax.experimental.pallas import tpu_sc as plsc

TEMP = 0.8
K = 50
V = 100000
VPAD = 102400
NBLK = 400
NSUP = 25
NROWS = 128
NW = 32
RPW = NROWS // NW
CAP = 2048
WIN = 6400
NWIN = 16
NEG = float("-inf")
IMAX = 2**31 - 1


def _body(logits_hbm, u_hbm, probs_hbm, tok_hbm,
          rowbuf, l1, l2, gids, cvals, cpos, svals, spos,
          urow, prow, trow, sem0, sem1):
    sems = (sem0, sem1)
    c = lax.axis_index("c")
    s = lax.axis_index("s")
    wid = c * 16 + s
    row0 = wid * RPW

    negv = jnp.full((16,), NEG, jnp.float32)
    imaxv = jnp.full((16,), IMAX, jnp.int32)
    iota = lax.iota(jnp.int32, 16)

    def padtail(i, _):
        rowbuf[pl.ds(V + i * 16, 16)] = negv
        return 0
    lax.fori_loop(0, (VPAD - V) // 16, padtail, 0)
    pltpu.sync_copy(u_hbm, urow.at[pl.ds(0, NROWS)])

    def do_row(rr, _):
        row = row0 + rr
        base = row * V

        def dma(w):
            size = WIN if w < NWIN - 1 else V - (NWIN - 1) * WIN
            return pltpu.async_copy(
                logits_hbm.at[pl.ds(base + w * WIN, size)],
                rowbuf.at[pl.ds(w * WIN, size)],
                sems[w % 2])

        descs = [None] * NWIN
        descs[0] = dma(0)
        descs[1] = dma(1)

        for w in range(NWIN):
            descs[w].wait()
            if w + 2 < NWIN:
                descs[w + 2] = dma(w + 2)

            def blk(b2, l2acc, w=w):
                b = w * 25 + b2
                e = b * 256
                acc = rowbuf[pl.ds(e, 16)]
                for r in range(1, 16):
                    acc = jnp.maximum(acc, rowbuf[pl.ds(e + 16 * r, 16)])
                l1[pl.ds(b * 16, 16)] = acc
                return jnp.maximum(l2acc, acc)

            l2v = lax.fori_loop(0, 25, blk, negv)
            l2[pl.ds(w * 16, 16)] = l2v

        def sup(si, smin):
            return jnp.minimum(smin, jnp.sort(l2[pl.ds(si * 16, 16)]))
        smin = lax.fori_loop(0, NWIN, sup,
                             jnp.full((16,), jnp.inf, jnp.float32))
        tau = smin[12]

        def scan_l1(b, cnt):
            v = l1[pl.ds(b * 16, 16)]
            m = v >= tau
            ids = b * 16 + iota
            plsc.store_compressed(gids.at[pl.ds(cnt, 16)], ids, mask=m)
            return cnt + plsc.all_reduce_population_count(m)[0]
        ng = lax.fori_loop(0, NBLK, scan_l1, jnp.int32(0))

        def gather(g, cnt):
            gid = gids[pl.ds(g, 16)][0]
            basep = (gid >> 4) * 256 + (gid & 15)
            p = basep + 16 * iota
            v = plsc.load_gather(rowbuf, [p])
            m = (v >= tau) & (cnt < CAP - 15)
            plsc.store_compressed(cvals.at[pl.ds(cnt, 16)], v, mask=m)
            plsc.store_compressed(cpos.at[pl.ds(cnt, 16)], p, mask=m)
            return cnt + plsc.all_reduce_population_count(m)[0]
        n = lax.fori_loop(0, ng, gather, jnp.int32(0))
        cvals[pl.ds(n, 16)] = negv
        cpos[pl.ds(n, 16)] = imaxv
        nv = (n + 15) >> 4

        zerov = jnp.zeros((16,), jnp.int32)

        def extract(i, _):
            def scan(j, st):
                bv, bp, bj = st
                v = cvals[pl.ds(j * 16, 16)]
                p = cpos[pl.ds(j * 16, 16)]
                better = (v > bv) | ((v == bv) & (p < bp))
                jv = jnp.full((16,), j, jnp.int32)
                return (jnp.where(better, v, bv), jnp.where(better, p, bp),
                        jnp.where(better, jv, bj))
            bv, bp, bj = lax.fori_loop(0, nv, scan, (negv, imaxv, zerov))
            m = jnp.max(bv)
            lm = bv == m
            pm = jnp.min(jnp.where(lm, bp, IMAX))
            jm = jnp.max(jnp.where(lm & (bp == pm), bj, 0))
            onehot0 = iota == 0
            plsc.store_compressed(svals.at[pl.ds(i, 16)],
                                  jnp.full((16,), m), mask=onehot0)
            plsc.store_compressed(spos.at[pl.ds(i, 16)],
                                  jnp.full((16,), pm), mask=onehot0)
            v = cvals[pl.ds(jm * 16, 16)]
            p = cpos[pl.ds(jm * 16, 16)]
            cvals[pl.ds(jm * 16, 16)] = jnp.where(p == pm, NEG, v)
            return 0

        svals[pl.ds(48, 16)] = negv
        lax.fori_loop(0, K, extract, 0)

        dv = [svals[pl.ds(16 * j, 16)] / TEMP for j in range(4)]
        d0 = dv[0][0]
        e = [jnp.exp(dvj - d0) for dvj in dv]
        ssum = jnp.sum(e[0] + e[1] + e[2] + e[3])
        p4 = [ej / ssum for ej in e]
        uu = urow[pl.ds(row, 16)][0]
        carry = jnp.float32(0.0)
        cnt = jnp.int32(0)
        for j in range(4):
            cdf = plsc.cumsum(p4[j]) + carry
            cnt = cnt + jnp.sum((cdf < uu).astype(jnp.int32))
            carry = carry + jnp.sum(p4[j])
        sel = jnp.clip(cnt, 0, K - 1)
        tok = spos[pl.ds(sel, 16)][0]

        for j in range(4):
            prow[pl.ds(16 * j, 16)] = p4[j]
        plsc.store_compressed(trow.at[pl.ds(0, 16)],
                              jnp.full((16,), tok), mask=iota == 0)
        pltpu.sync_copy(prow, probs_hbm.at[pl.ds(row * 64, 64)])
        pltpu.sync_copy(trow.at[pl.ds(0, 8)],
                        tok_hbm.at[pl.ds(row * 8, 8)])
        return 0

    lax.fori_loop(0, RPW, do_row, 0)


@jax.jit
def _run(logits, u1):
    mesh = plsc.VectorSubcoreMesh(core_axis_name="c", subcore_axis_name="s")
    fn = pl.kernel(
        _body,
        out_type=(
            jax.ShapeDtypeStruct((NROWS * 64,), jnp.float32),
            jax.ShapeDtypeStruct((NROWS * 8,), jnp.int32),
        ),
        mesh=mesh,
        compiler_params=pltpu.CompilerParams(needs_layout_passes=False),
        scratch_types=[
            pltpu.VMEM((VPAD,), jnp.float32),
            pltpu.VMEM((NBLK * 16,), jnp.float32),
            pltpu.VMEM((NWIN * 16,), jnp.float32),
            pltpu.VMEM((NBLK * 16 + 16,), jnp.int32),
            pltpu.VMEM((CAP + 16,), jnp.float32),
            pltpu.VMEM((CAP + 16,), jnp.int32),
            pltpu.VMEM((80,), jnp.float32),
            pltpu.VMEM((80,), jnp.int32),
            pltpu.VMEM((NROWS + 16,), jnp.float32),
            pltpu.VMEM((64,), jnp.float32),
            pltpu.VMEM((16,), jnp.int32),
            pltpu.SemaphoreType.DMA,
            pltpu.SemaphoreType.DMA,
        ],
    )
    return fn(logits, u1)


def kernel(logits, u, top_k):
    del top_k
    probs, tok = _run(logits.reshape(NROWS * V), u.reshape(NROWS))
    return (tok.reshape(NROWS, 8)[:, :1],
            probs.reshape(NROWS, 64)[:, :K])

# --- scband reference (transcript-rebuilt; emitter-appended) ---
"""Pipeline reference for scband-decoder-base-63496796504227 (READ-ONLY COPY).

The authoritative reference and input builder live on the scoring server;
editing this copy changes nothing except your own understanding.
"""

import jax, jax.numpy as jnp
import numpy as np

TEMPERATURE = 0.8
TOP_K = 50

def setup_inputs(seed: int = 0) -> dict:
    key = jax.random.key(seed)
    k1, k2 = jax.random.split(key)
    logits = jax.random.normal(k1, (128, 100000), dtype=jnp.float32)
    u = jax.random.uniform(k2, (128, 1), dtype=jnp.float32)
    return {"logits": logits, "u": u, "top_k": 50}

def reference(logits, u, top_k):
    # Faithful port of DecoderBase.infer sampling step (temperature > 0, top_k set):
    #   output_prob = softmax(output / temperature)
    #   next_token_probs, next_token_indices = topk(next_token_probs, top_k)
    #   next_token_probs = next_token_probs / next_token_probs.sum(-1, keepdim=True)
    #   next_token = multinomial(next_token_probs, 1)  (inverse-CDF with uniform u)
    #   next_token = gather(next_token_indices, -1, next_token)
    probs = jax.nn.softmax(logits / TEMPERATURE, axis=-1)
    topk_probs, topk_idx = jax.lax.top_k(probs, TOP_K)
    topk_probs = topk_probs / jnp.sum(topk_probs, axis=-1, keepdims=True)
    cdf = jnp.cumsum(topk_probs, axis=-1)
    sel = jnp.sum((cdf < u).astype(jnp.int32), axis=-1, keepdims=True)
    sel = jnp.clip(sel, 0, top_k - 1)
    next_token = jnp.take_along_axis(topk_idx, sel, axis=-1)
    return next_token, topk_probs

if __name__ == "__main__":
    import jax
    _d = setup_inputs()
    print(jax.jit(kernel)(*tuple(_d.values())))

</pallas_src>

<mosaic_0001>
#map = affine_map<(d0, d1) -> (0)>
module attributes {stable_mosaic.version = 14 : i64} {
  func.func @_body(%arg0: i32, %arg1: i32, %arg2: memref<12800000xf32, #tpu.memory_space<hbm>>, %arg3: memref<128xf32, #tpu.memory_space<hbm>>, %arg4: memref<8192xf32, #tpu.memory_space<hbm>>, %arg5: memref<1024xi32, #tpu.memory_space<hbm>>, %arg6: memref<102400xf32, #tpu.memory_space<vmem>>, %arg7: memref<6400xf32, #tpu.memory_space<vmem>>, %arg8: memref<256xf32, #tpu.memory_space<vmem>>, %arg9: memref<6416xi32, #tpu.memory_space<vmem>>, %arg10: memref<2064xf32, #tpu.memory_space<vmem>>, %arg11: memref<2064xi32, #tpu.memory_space<vmem>>, %arg12: memref<80xf32, #tpu.memory_space<vmem>>, %arg13: memref<80xi32, #tpu.memory_space<vmem>>, %arg14: memref<144xf32, #tpu.memory_space<vmem>>, %arg15: memref<64xf32, #tpu.memory_space<vmem>>, %arg16: memref<16xi32, #tpu.memory_space<vmem>>, %arg17: memref<!tpu.dma_semaphore, #tpu.memory_space<semaphore_mem>>, %arg18: memref<!tpu.dma_semaphore, #tpu.memory_space<semaphore_mem>>) attributes {dimension_semantics = [#tpu.dimension_semantics<core_parallel>, #tpu.dimension_semantics<subcore_parallel>], iteration_bounds = array<i64: 2, 16>, scalar_prefetch = 0 : i64, scratch_operands = 13 : i64, tpu.core_type = #tpu.core_type<sc_vector_subcore>, window_params = [{transform_indices = #map}, {transform_indices = #map}, {transform_indices = #map}, {transform_indices = #map}]} {
    %mul3A = arith.constant 16 : i32
    %mul3A_0 = arith.muli %arg0, %mul3A : i32
    %add3A = arith.addi %mul3A_0, %arg1 : i32
    %mul3A_1 = arith.constant 4 : i32
    %mul3A_2 = arith.muli %add3A, %mul3A_1 : i32
    %broadcast_in_dim3A = arith.constant 0xFF800000 : f32
    %broadcast_in_dim3A_3 = vector.broadcast %broadcast_in_dim3A : f32 to vector<16xf32>
    %broadcast_in_dim3A_4 = arith.constant 2147483647 : i32
    %broadcast_in_dim3A_5 = vector.broadcast %broadcast_in_dim3A_4 : i32 to vector<16xi32>
    %iota3A = tpu.iota {dimensions = array<i32: 0>} : vector<16xi32>
    %scan3A = arith.constant 0 : i32
    %scan3A_6 = arith.constant 0 : i32
    %scan3A_7 = arith.constant 150 : i32
    %scan3A_8 = arith.addi %scan3A_6, %scan3A_7 : i32
    %scan3A_9 = arith.constant 1 : i32
    %scan3A_10 = scf.for %scan3A_19 = %scan3A_6 to %scan3A_8 step %scan3A_9 iter_args(%scan3A_20 = %scan3A) -> (i32)  : i32 {
      %mul3A_21 = arith.constant 16 : i32
      %mul3A_22 = arith.muli %scan3A_19, %mul3A_21 : i32
      %add3A_23 = arith.constant 100000 : i32
      %add3A_24 = arith.addi %add3A_23, %mul3A_22 : i32
      %swap3A = arith.index_cast %add3A_24 : i32 to index
      %swap3A_25 = tpu.vector_load %arg6[%swap3A] {strides = array<i32>} : memref<102400xf32, #tpu.memory_space<vmem>>, vector<16xf32>,
      tpu.vector_store %arg6[%swap3A], %broadcast_in_dim3A_3 {strides = array<i32>} : memref<102400xf32, #tpu.memory_space<vmem>>, vector<16xf32>,
      %scan3A_26 = arith.constant 0 : i32
      scf.yield %scan3A_26 : i32
    }
    %scan3A_11 = arith.constant 150 : i32
    "tpu.region"() ({
      %run_scoped3A = tpu.sem_alloc : memref<!tpu.dma_semaphore, #tpu.memory_space<semaphore_mem>>
      %dma_start3A = arith.constant 0 : i32
      %dma_start3A_19 = tpu.memref_slice %arg14[%dma_start3A] : memref<144xf32, #tpu.memory_space<vmem>> -> memref<128xf32, #tpu.memory_space<vmem>>
      %dma_start3A_20 = arith.constant 0 : i32
      %dma_start3A_21 = tpu.memref_slice %arg14[%dma_start3A_20] : memref<144xf32, #tpu.memory_space<vmem>> -> memref<128xf32, #tpu.memory_space<vmem>>
      tpu.enqueue_dma source(%arg3 : memref<128xf32, #tpu.memory_space<hbm>>) target(%dma_start3A_21 : memref<128xf32, #tpu.memory_space<vmem>>) target_semaphore(%run_scoped3A : memref<!tpu.dma_semaphore, #tpu.memory_space<semaphore_mem>>)
      %dma_wait3A = arith.constant 0 : i32
      %dma_wait3A_22 = tpu.memref_slice %arg14[%dma_wait3A] : memref<144xf32, #tpu.memory_space<vmem>> -> memref<128xf32, #tpu.memory_space<vmem>>
      %dma_wait3A_23 = arith.constant 0 : i32
      %dma_wait3A_24 = tpu.memref_slice %arg14[%dma_wait3A_23] : memref<144xf32, #tpu.memory_space<vmem>> -> memref<128xf32, #tpu.memory_space<vmem>>
      tpu.wait_dma2 semaphore(%run_scoped3A : memref<!tpu.dma_semaphore, #tpu.memory_space<semaphore_mem>>) src(%arg3 : memref<128xf32, #tpu.memory_space<hbm>>) dst(%dma_wait3A_24 : memref<128xf32, #tpu.memory_space<vmem>>)
      tpu.yield
    }) : () -> ()
    %scan3A_12 = arith.constant 0 : i32
    %scan3A_13 = arith.constant 0 : i32
    %scan3A_14 = arith.constant 4 : i32
    %scan3A_15 = arith.addi %scan3A_13, %scan3A_14 : i32
    %scan3A_16 = arith.constant 1 : i32
    %scan3A_17 = scf.for %scan3A_19 = %scan3A_13 to %scan3A_15 step %scan3A_16 iter_args(%scan3A_20 = %scan3A_12) -> (i32)  : i32 {
      %add3A_21 = arith.addi %mul3A_2, %scan3A_19 : i32
      %mul3A_22 = arith.constant 100000 : i32
      %mul3A_23 = arith.muli %add3A_21, %mul3A_22 : i32
      %add3A_24 = arith.constant 0 : i32
      %add3A_25 = arith.addi %mul3A_23, %add3A_24 : i32
      %dma_start3A = arith.constant 0 : i32
      %dma_start3A_26 = tpu.memref_slice %arg6[%dma_start3A] : memref<102400xf32, #tpu.memory_space<vmem>> -> memref<6400xf32, #tpu.memory_space<vmem>>
      %dma_start3A_27 = tpu.memref_slice %arg2[%add3A_25] : memref<12800000xf32, #tpu.memory_space<hbm>> -> memref<6400xf32, #tpu.memory_space<hbm>>
      %dma_start3A_28 = arith.constant 0 : i32
      %dma_start3A_29 = tpu.memref_slice %arg6[%dma_start3A_28] : memref<102400xf32, #tpu.memory_space<vmem>> -> memref<6400xf32, #tpu.memory_space<vmem>>
      %dma_start3A_30 = tpu.memref_slice %arg2[%add3A_25] : memref<12800000xf32, #tpu.memory_space<hbm>> -> memref<6400xf32, #tpu.memory_space<hbm>>
      tpu.enqueue_dma source(%dma_start3A_30 : memref<6400xf32, #tpu.memory_space<hbm>>) target(%dma_start3A_29 : memref<6400xf32, #tpu.memory_space<vmem>>) target_semaphore(%arg17 : memref<!tpu.dma_semaphore, #tpu.memory_space<semaphore_mem>>)
      %add3A_31 = arith.constant 6400 : i32
      %add3A_32 = arith.addi %mul3A_23, %add3A_31 : i32
      %dma_start3A_33 = arith.constant 6400 : i32
      %dma_start3A_34 = tpu.memref_slice %arg6[%dma_start3A_33] : memref<102400xf32, #tpu.memory_space<vmem>> -> memref<6400xf32, #tpu.memory_space<vmem>>
      %dma_start3A_35 = tpu.memref_slice %arg2[%add3A_32] : memref<12800000xf32, #tpu.memory_space<hbm>> -> memref<6400xf32, #tpu.memory_space<hbm>>
      %dma_start3A_36 = arith.constant 6400 : i32
      %dma_start3A_37 = tpu.memref_slice %arg6[%dma_start3A_36] : memref<102400xf32, #tpu.memory_space<vmem>> -> memref<6400xf32, #tpu.memory_space<vmem>>
      %dma_start3A_38 = tpu.memref_slice %arg2[%add3A_32] : memref<12800000xf32, #tpu.memory_space<hbm>> -> memref<6400xf32, #tpu.memory_space<hbm>>
      tpu.enqueue_dma source(%dma_start3A_38 : memref<6400xf32, #tpu.memory_space<hbm>>) target(%dma_start3A_37 : memref<6400xf32, #tpu.memory_space<vmem>>) target_semaphore(%arg18 : memref<!tpu.dma_semaphore, #tpu.memory_space<semaphore_mem>>)
      %dma_wait3A = arith.constant 0 : i32
      %dma_wait3A_39 = tpu.memref_slice %arg6[%dma_wait3A] : memref<102400xf32, #tpu.memory_space<vmem>> -> memref<6400xf32, #tpu.memory_space<vmem>>
      %dma_wait3A_40 = tpu.memref_slice %arg2[%add3A_25] : memref<12800000xf32, #tpu.memory_space<hbm>> -> memref<6400xf32, #tpu.memory_space<hbm>>
      %dma_wait3A_41 = arith.constant 0 : i32
      %dma_wait3A_42 = tpu.memref_slice %arg6[%dma_wait3A_41] : memref<102400xf32, #tpu.memory_space<vmem>> -> memref<6400xf32, #tpu.memory_space<vmem>>
      %dma_wait3A_43 = tpu.memref_slice %arg2[%add3A_25] : memref<12800000xf32, #tpu.memory_space<hbm>> -> memref<6400xf32, #tpu.memory_space<hbm>>
      tpu.wait_dma2 semaphore(%arg17 : memref<!tpu.dma_semaphore, #tpu.memory_space<semaphore_mem>>) src(%dma_wait3A_43 : memref<6400xf32, #tpu.memory_space<hbm>>) dst(%dma_wait3A_42 : memref<6400xf32, #tpu.memory_space<vmem>>)
      %add3A_44 = arith.constant 12800 : i32
      %add3A_45 = arith.addi %mul3A_23, %add3A_44 : i32
      %dma_start3A_46 = arith.constant 12800 : i32
      %dma_start3A_47 = tpu.memref_slice %arg6[%dma_start3A_46] : memref<102400xf32, #tpu.memory_space<vmem>> -> memref<6400xf32, #tpu.memory_space<vmem>>
      %dma_start3A_48 = tpu.memref_slice %arg2[%add3A_45] : memref<12800000xf32, #tpu.memory_space<hbm>> -> memref<6400xf32, #tpu.memory_space<hbm>>
      %dma_start3A_49 = arith.constant 12800 : i32
      %dma_start3A_50 = tpu.memref_slice %arg6[%dma_start3A_49] : memref<102400xf32, #tpu.memory_space<vmem>> -> memref<6400xf32, #tpu.memory_space<vmem>>
      %dma_start3A_51 = tpu.memref_slice %arg2[%add3A_45] : memref<12800000xf32, #tpu.memory_space<hbm>> -> memref<6400xf32, #tpu.memory_space<hbm>>
      tpu.enqueue_dma source(%dma_start3A_51 : memref<6400xf32, #tpu.memory_space<hbm>>) target(%dma_start3A_50 : memref<6400xf32, #tpu.memory_space<vmem>>) target_semaphore(%arg17 : memref<!tpu.dma_semaphore, #tpu.memory_space<semaphore_mem>>)
      %scan3A_52 = arith.constant 0 : i32
      %scan3A_53 = arith.constant 25 : i32
      %scan3A_54 = arith.addi %scan3A_52, %scan3A_53 : i32
      %scan3A_55 = arith.constant 1 : i32
      %scan3A_56 = scf.for %scan3A_560 = %scan3A_52 to %scan3A_54 step %scan3A_55 iter_args(%scan3A_561 = %broadcast_in_dim3A_3) -> (vector<16xf32>)  : i32 {
        %add3A_562 = arith.constant 0 : i32
        %add3A_563 = arith.addi %add3A_562, %scan3A_560 : i32
        %mul3A_564 = arith.constant 256 : i32
        %mul3A_565 = arith.muli %add3A_563, %mul3A_564 : i32
        %get3A_566 = arith.index_cast %mul3A_565 : i32 to index
        %get3A_567 = tpu.vector_load %arg6[%get3A_566] {strides = array<i32>} : memref<102400xf32, #tpu.memory_space<vmem>>, vector<16xf32>,
        %add3A_568 = arith.constant 16 : i32
        %add3A_569 = arith.addi %mul3A_565, %add3A_568 : i32
        %get3A_570 = arith.index_cast %add3A_569 : i32 to index
        %get3A_571 = tpu.vector_load %arg6[%get3A_570] {strides = array<i32>} : memref<102400xf32, #tpu.memory_space<vmem>>, vector<16xf32>,
        %max3A_572 = arith.maximumf %get3A_567, %get3A_571 : vector<16xf32>
        %add3A_573 = arith.constant 32 : i32
        %add3A_574 = arith.addi %mul3A_565, %add3A_573 : i32
        %get3A_575 = arith.index_cast %add3A_574 : i32 to index
        %get3A_576 = tpu.vector_load %arg6[%get3A_575] {strides = array<i32>} : memref<102400xf32, #tpu.memory_space<vmem>>, vector<16xf32>,
        %max3A_577 = arith.maximumf %max3A_572, %get3A_576 : vector<16xf32>
        %add3A_578 = arith.constant 48 : i32
        %add3A_579 = arith.addi %mul3A_565, %add3A_578 : i32
        %get3A_580 = arith.index_cast %add3A_579 : i32 to index
        %get3A_581 = tpu.vector_load %arg6[%get3A_580] {strides = array<i32>} : memref<102400xf32, #tpu.memory_space<vmem>>, vector<16xf32>,
        %max3A_582 = arith.maximumf %max3A_577, %get3A_581 : vector<16xf32>
        %add3A_583 = arith.constant 64 : i32
        %add3A_584 = arith.addi %mul3A_565, %add3A_583 : i32
        %get3A_585 = arith.index_cast %add3A_584 : i32 to index
        %get3A_586 = tpu.vector_load %arg6[%get3A_585] {strides = array<i32>} : memref<102400xf32, #tpu.memory_space<vmem>>, vector<16xf32>,
        %max3A_587 = arith.maximumf %max3A_582, %get3A_586 : vector<16xf32>
        %add3A_588 = arith.constant 80 : i32
        %add3A_589 = arith.addi %mul3A_565, %add3A_588 : i32
        %get3A_590 = arith.index_cast %add3A_589 : i32 to index
        %get3A_591 = tpu.vector_load %arg6[%get3A_590] {strides = array<i32>} : memref<102400xf32, #tpu.memory_space<vmem>>, vector<16xf32>,
        %max3A_592 = arith.maximumf %max3A_587, %get3A_591 : vector<16xf32>
        %add3A_593 = arith.constant 96 : i32
        %add3A_594 = arith.addi %mul3A_565, %add3A_593 : i32
        %get3A_595 = arith.index_cast %add3A_594 : i32 to index
        %get3A_596 = tpu.vector_load %arg6[%get3A_595] {strides = array<i32>} : memref<102400xf32, #tpu.memory_space<vmem>>, vector<16xf32>,
        %max3A_597 = arith.maximumf %max3A_592, %get3A_596 : vector<16xf32>
        %add3A_598 = arith.constant 112 : i32
        %add3A_599 = arith.addi %mul3A_565, %add3A_598 : i32
        %get3A_600 = arith.index_cast %add3A_599 : i32 to index
        %get3A_601 = tpu.vector_load %arg6[%get3A_600] {strides = array<i32>} : memref<102400xf32, #tpu.memory_space<vmem>>, vector<16xf32>,
        %max3A_602 = arith.maximumf %max3A_597, %get3A_601 : vector<16xf32>
        %add3A_603 = arith.constant 128 : i32
        %add3A_604 = arith.addi %mul3A_565, %add3A_603 : i32
        %get3A_605 = arith.index_cast %add3A_604 : i32 to index
        %get3A_606 = tpu.vector_load %arg6[%get3A_605] {strides = array<i32>} : memref<102400xf32, #tpu.memory_space<vmem>>, vector<16xf32>,
        %max3A_607 = arith.maximumf %max3A_602, %get3A_606 : vector<16xf32>
        %add3A_608 = arith.constant 144 : i32
        %add3A_609 = arith.addi %mul3A_565, %add3A_608 : i32
        %get3A_610 = arith.index_cast %add3A_609 : i32 to index
        %get3A_611 = tpu.vector_load %arg6[%get3A_610] {strides = array<i32>} : memref<102400xf32, #tpu.memory_space<vmem>>, vector<16xf32>,
        %max3A_612 = arith.maximumf %max3A_607, %get3A_611 : vector<16xf32>
        %add3A_613 = arith.constant 160 : i32
        %add3A_614 = arith.addi %mul3A_565, %add3A_613 : i32
        %get3A_615 = arith.index_cast %add3A_614 : i32 to index
        %get3A_616 = tpu.vector_load %arg6[%get3A_615] {strides = array<i32>} : memref<102400xf32, #tpu.memory_space<vmem>>, vector<16xf32>,
        %max3A_617 = arith.maximumf %max3A_612, %get3A_616 : vector<16xf32>
        %add3A_618 = arith.constant 176 : i32
        %add3A_619 = arith.addi %mul3A_565, %add3A_618 : i32
        %get3A_620 = arith.index_cast %add3A_619 : i32 to index
        %get3A_621 = tpu.vector_load %arg6[%get3A_620] {strides = array<i32>} : memref<102400xf32, #tpu.memory_space<vmem>>, vector<16xf32>,
        %max3A_622 = arith.maximumf %max3A_617, %get3A_621 : vector<16xf32>
        %add3A_623 = arith.constant 192 : i32
        %add3A_624 = arith.addi %mul3A_565, %add3A_623 : i32
        %get3A_625 = arith.index_cast %add3A_624 : i32 to index
        %get3A_626 = tpu.vector_load %arg6[%get3A_625] {strides = array<i32>} : memref<102400xf32, #tpu.memory_space<vmem>>, vector<16xf32>,
        %max3A_627 = arith.maximumf %max3A_622, %get3A_626 : vector<16xf32>
        %add3A_628 = arith.constant 208 : i32
        %add3A_629 = arith.addi %mul3A_565, %add3A_628 : i32
        %get3A_630 = arith.index_cast %add3A_629 : i32 to index
        %get3A_631 = tpu.vector_load %arg6[%get3A_630] {strides = array<i32>} : memref<102400xf32, #tpu.memory_space<vmem>>, vector<16xf32>,
        %max3A_632 = arith.maximumf %max3A_627, %get3A_631 : vector<16xf32>
        %add3A_633 = arith.constant 224 : i32
        %add3A_634 = arith.addi %mul3A_565, %add3A_633 : i32
        %get3A_635 = arith.index_cast %add3A_634 : i32 to index
        %get3A_636 = tpu.vector_load %arg6[%get3A_635] {strides = array<i32>} : memref<102400xf32, #tpu.memory_space<vmem>>, vector<16xf32>,
        %max3A_637 = arith.maximumf %max3A_632, %get3A_636 : vector<16xf32>
        %add3A_638 = arith.constant 240 : i32
        %add3A_639 = arith.addi %mul3A_565, %add3A_638 : i32
        %get3A_640 = arith.index_cast %add3A_639 : i32 to index
        %get3A_641 = tpu.vector_load %arg6[%get3A_640] {strides = array<i32>} : memref<102400xf32, #tpu.memory_space<vmem>>, vector<16xf32>,
        %max3A_642 = arith.maximumf %max3A_637, %get3A_641 : vector<16xf32>
        %mul3A_643 = arith.constant 16 : i32
        %mul3A_644 = arith.muli %add3A_563, %mul3A_643 : i32
        %swap3A_645 = arith.index_cast %mul3A_644 : i32 to index
        %swap3A_646 = tpu.vector_load %arg7[%swap3A_645] {strides = array<i32>} : memref<6400xf32, #tpu.memory_space<vmem>>, vector<16xf32>,
        tpu.vector_store %arg7[%swap3A_645], %max3A_642 {strides = array<i32>} : memref<6400xf32, #tpu.memory_space<vmem>>, vector<16xf32>,
        %max3A_647 = arith.maximumf %scan3A_561, %max3A_642 : vector<16xf32>
        scf.yield %max3A_647 : vector<16xf32>
      }
      %scan3A_57 = arith.constant 25 : i32
      %swap3A = arith.constant 0 : index
      %swap3A_58 = tpu.vector_load %arg8[%swap3A] {strides = array<i32>} : memref<256xf32, #tpu.memory_space<vmem>>, vector<16xf32>,
      tpu.vector_store %arg8[%swap3A], %scan3A_56 {strides = array<i32>} : memref<256xf32, #tpu.memory_space<vmem>>, vector<16xf32>,
      %dma_wait3A_59 = arith.constant 6400 : i32
      %dma_wait3A_60 = tpu.memref_slice %arg6[%dma_wait3A_59] : memref<102400xf32, #tpu.memory_space<vmem>> -> memref<6400xf32, #tpu.memory_space<vmem>>
      %dma_wait3A_61 = tpu.memref_slice %arg2[%add3A_32] : memref<12800000xf32, #tpu.memory_space<hbm>> -> memref<6400xf32, #tpu.memory_space<hbm>>
      %dma_wait3A_62 = arith.constant 6400 : i32
      %dma_wait3A_63 = tpu.memref_slice %arg6[%dma_wait3A_62] : memref<102400xf32, #tpu.memory_space<vmem>> -> memref<6400xf32, #tpu.memory_space<vmem>>
      %dma_wait3A_64 = tpu.memref_slice %arg2[%add3A_32] : memref<12800000xf32, #tpu.memory_space<hbm>> -> memref<6400xf32, #tpu.memory_space<hbm>>
      tpu.wait_dma2 semaphore(%arg18 : memref<!tpu.dma_semaphore, #tpu.memory_space<semaphore_mem>>) src(%dma_wait3A_64 : memref<6400xf32, #tpu.memory_space<hbm>>) dst(%dma_wait3A_63 : memref<6400xf32, #tpu.memory_space<vmem>>)
      %add3A_65 = arith.constant 19200 : i32
      %add3A_66 = arith.addi %mul3A_23, %add3A_65 : i32
      %dma_start3A_67 = arith.constant 19200 : i32
      %dma_start3A_68 = tpu.memref_slice %arg6[%dma_start3A_67] : memref<102400xf32, #tpu.memory_space<vmem>> -> memref<6400xf32, #tpu.memory_space<vmem>>
      %dma_start3A_69 = tpu.memref_slice %arg2[%add3A_66] : memref<12800000xf32, #tpu.memory_space<hbm>> -> memref<6400xf32, #tpu.memory_space<hbm>>
      %dma_start3A_70 = arith.constant 19200 : i32
      %dma_start3A_71 = tpu.memref_slice %arg6[%dma_start3A_70] : memref<102400xf32, #tpu.memory_space<vmem>> -> memref<6400xf32, #tpu.memory_space<vmem>>
      %dma_start3A_72 = tpu.memref_slice %arg2[%add3A_66] : memref<12800000xf32, #tpu.memory_space<hbm>> -> memref<6400xf32, #tpu.memory_space<hbm>>
      tpu.enqueue_dma source(%dma_start3A_72 : memref<6400xf32, #tpu.memory_space<hbm>>) target(%dma_start3A_71 : memref<6400xf32, #tpu.memory_space<vmem>>) target_semaphore(%arg18 : memref<!tpu.dma_semaphore, #tpu.memory_space<semaphore_mem>>)
      %scan3A_73 = arith.constant 0 : i32
      %scan3A_74 = arith.constant 25 : i32
      %scan3A_75 = arith.addi %scan3A_73, %scan3A_74 : i32
      %scan3A_76 = arith.constant 1 : i32
      %scan3A_77 = scf.for %scan3A_560 = %scan3A_73 to %scan3A_75 step %scan3A_76 iter_args(%scan3A_561 = %broadcast_in_dim3A_3) -> (vector<16xf32>)  : i32 {
        %add3A_562 = arith.constant 25 : i32
        %add3A_563 = arith.addi %add3A_562, %scan3A_560 : i32
        %mul3A_564 = arith.constant 256 : i32
        %mul3A_565 = arith.muli %add3A_563, %mul3A_564 : i32
        %get3A_566 = arith.index_cast %mul3A_565 : i32 to index
        %get3A_567 = tpu.vector_load %arg6[%get3A_566] {strides = array<i32>} : memref<102400xf32, #tpu.memory_space<vmem>>, vector<16xf32>,
        %add3A_568 = arith.constant 16 : i32
        %add3A_569 = arith.addi %mul3A_565, %add3A_568 : i32
        %get3A_570 = arith.index_cast %add3A_569 : i32 to index
        %get3A_571 = tpu.vector_load %arg6[%get3A_570] {strides = array<i32>} : memref<102400xf32, #tpu.memory_space<vmem>>, vector<16xf32>,
        %max3A_572 = arith.maximumf %get3A_567, %get3A_571 : vector<16xf32>
        %add3A_573 = arith.constant 32 : i32
        %add3A_574 = arith.addi %mul3A_565, %add3A_573 : i32
        %get3A_575 = arith.index_cast %add3A_574 : i32 to index
        %get3A_576 = tpu.vector_load %arg6[%get3A_575] {strides = array<i32>} : memref<102400xf32, #tpu.memory_space<vmem>>, vector<16xf32>,
        %max3A_577 = arith.maximumf %max3A_572, %get3A_576 : vector<16xf32>
        %add3A_578 = arith.constant 48 : i32
        %add3A_579 = arith.addi %mul3A_565, %add3A_578 : i32
        %get3A_580 = arith.index_cast %add3A_579 : i32 to index
        %get3A_581 = tpu.vector_load %arg6[%get3A_580] {strides = array<i32>} : memref<102400xf32, #tpu.memory_space<vmem>>, vector<16xf32>,
        %max3A_582 = arith.maximumf %max3A_577, %get3A_581 : vector<16xf32>
        %add3A_583 = arith.constant 64 : i32
        %add3A_584 = arith.addi %mul3A_565, %add3A_583 : i32
        %get3A_585 = arith.index_cast %add3A_584 : i32 to index
        %get3A_586 = tpu.vector_load %arg6[%get3A_585] {strides = array<i32>} : memref<102400xf32, #tpu.memory_space<vmem>>, vector<16xf32>,
        %max3A_587 = arith.maximumf %max3A_582, %get3A_586 : vector<16xf32>
        %add3A_588 = arith.constant 80 : i32
        %add3A_589 = arith.addi %mul3A_565, %add3A_588 : i32
        %get3A_590 = arith.index_cast %add3A_589 : i32 to index
        %get3A_591 = tpu.vector_load %arg6[%get3A_590] {strides = array<i32>} : memref<102400xf32, #tpu.memory_space<vmem>>, vector<16xf32>,
        %max3A_592 = arith.maximumf %max3A_587, %get3A_591 : vector<16xf32>
        %add3A_593 = arith.constant 96 : i32
        %add3A_594 = arith.addi %mul3A_565, %add3A_593 : i32
        %get3A_595 = arith.index_cast %add3A_594 : i32 to index
        %get3A_596 = tpu.vector_load %arg6[%get3A_595] {strides = array<i32>} : memref<102400xf32, #tpu.memory_space<vmem>>, vector<16xf32>,
        %max3A_597 = arith.maximumf %max3A_592, %get3A_596 : vector<16xf32>
        %add3A_598 = arith.constant 112 : i32
        %add3A_599 = arith.addi %mul3A_565, %add3A_598 : i32
        %get3A_600 = arith.index_cast %add3A_599 : i32 to index
        %get3A_601 = tpu.vector_load %arg6[%get3A_600] {strides = array<i32>} : memref<102400xf32, #tpu.memory_space<vmem>>, vector<16xf32>,
        %max3A_602 = arith.maximumf %max3A_597, %get3A_601 : vector<16xf32>
        %add3A_603 = arith.constant 128 : i32
        %add3A_604 = arith.addi %mul3A_565, %add3A_603 : i32
        %get3A_605 = arith.index_cast %add3A_604 : i32 to index
        %get3A_606 = tpu.vector_load %arg6[%get3A_605] {strides = array<i32>} : memref<102400xf32, #tpu.memory_space<vmem>>, vector<16xf32>,
        %max3A_607 = arith.maximumf %max3A_602, %get3A_606 : vector<16xf32>
        %add3A_608 = arith.constant 144 : i32
        %add3A_609 = arith.addi %mul3A_565, %add3A_608 : i32
        %get3A_610 = arith.index_cast %add3A_609 : i32 to index
        %get3A_611 = tpu.vector_load %arg6[%get3A_610] {strides = array<i32>} : memref<102400xf32, #tpu.memory_space<vmem>>, vector<16xf32>,
        %max3A_612 = arith.maximumf %max3A_607, %get3A_611 : vector<16xf32>
        %add3A_613 = arith.constant 160 : i32
        %add3A_614 = arith.addi %mul3A_565, %add3A_613 : i32
        %get3A_615 = arith.index_cast %add3A_614 : i32 to index
        %get3A_616 = tpu.vector_load %arg6[%get3A_615] {strides = array<i32>} : memref<102400xf32, #tpu.memory_space<vmem>>, vector<16xf32>,
        %max3A_617 = arith.maximumf %max3A_612, %get3A_616 : vector<16xf32>
        %add3A_618 = arith.constant 176 : i32
        %add3A_619 = arith.addi %mul3A_565, %add3A_618 : i32
        %get3A_620 = arith.index_cast %add3A_619 : i32 to index
        %get3A_621 = tpu.vector_load %arg6[%get3A_620] {strides = array<i32>} : memref<102400xf32, #tpu.memory_space<vmem>>, vector<16xf32>,
        %max3A_622 = arith.maximumf %max3A_617, %get3A_621 : vector<16xf32>
        %add3A_623 = arith.constant 192 : i32
        %add3A_624 = arith.addi %mul3A_565, %add3A_623 : i32
        %get3A_625 = arith.index_cast %add3A_624 : i32 to index
        %get3A_626 = tpu.vector_load %arg6[%get3A_625] {strides = array<i32>} : memref<102400xf32, #tpu.memory_space<vmem>>, vector<16xf32>,
        %max3A_627 = arith.maximumf %max3A_622, %get3A_626 : vector<16xf32>
        %add3A_628 = arith.constant 208 : i32
        %add3A_629 = arith.addi %mul3A_565, %add3A_628 : i32
        %get3A_630 = arith.index_cast %add3A_629 : i32 to index
        %get3A_631 = tpu.vector_load %arg6[%get3A_630] {strides = array<i32>} : memref<102400xf32, #tpu.memory_space<vmem>>, vector<16xf32>,
        %max3A_632 = arith.maximumf %max3A_627, %get3A_631 : vector<16xf32>
        %add3A_633 = arith.constant 224 : i32
        %add3A_634 = arith.addi %mul3A_565, %add3A_633 : i32
        %get3A_635 = arith.index_cast %add3A_634 : i32 to index
        %get3A_636 = tpu.vector_load %arg6[%get3A_635] {strides = array<i32>} : memref<102400xf32, #tpu.memory_space<vmem>>, vector<16xf32>,
        %max3A_637 = arith.maximumf %max3A_632, %get3A_636 : vector<16xf32>
        %add3A_638 = arith.constant 240 : i32
        %add3A_639 = arith.addi %mul3A_565, %add3A_638 : i32
        %get3A_640 = arith.index_cast %add3A_639 : i32 to index
        %get3A_641 = tpu.vector_load %arg6[%get3A_640] {strides = array<i32>} : memref<102400xf32, #tpu.memory_space<vmem>>, vector<16xf32>,
        %max3A_642 = arith.maximumf %max3A_637, %get3A_641 : vector<16xf32>
        %mul3A_643 = arith.constant 16 : i32
        %mul3A_644 = arith.muli %add3A_563, %mul3A_643 : i32
        %swap3A_645 = arith.index_cast %mul3A_644 : i32 to index
        %swap3A_646 = tpu.vector_load %arg7[%swap3A_645] {strides = array<i32>} : memref<6400xf32, #tpu.memory_space<vmem>>, vector<16xf32>,
        tpu.vector_store %arg7[%swap3A_645], %max3A_642 {strides = array<i32>} : memref<6400xf32, #tpu.memory_space<vmem>>, vector<16xf32>,
        %max3A_647 = arith.maximumf %scan3A_561, %max3A_642 : vector<16xf32>
        scf.yield %max3A_647 : vector<16xf32>
      }
      %scan3A_78 = arith.constant 25 : i32
      %swap3A_79 = arith.constant 16 : index
      %swap3A_80 = tpu.vector_load %arg8[%swap3A_79] {strides = array<i32>} : memref<256xf32, #tpu.memory_space<vmem>>, vector<16xf32>,
      tpu.vector_store %arg8[%swap3A_79], %scan3A_77 {strides = array<i32>} : memref<256xf32, #tpu.memory_space<vmem>>, vector<16xf32>,
      %dma_wait3A_81 = arith.constant 12800 : i32
      %dma_wait3A_82 = tpu.memref_slice %arg6[%dma_wait3A_81] : memref<102400xf32, #tpu.memory_space<vmem>> -> memref<6400xf32, #tpu.memory_space<vmem>>
      %dma_wait3A_83 = tpu.memref_slice %arg2[%add3A_45] : memref<12800000xf32, #tpu.memory_space<hbm>> -> memref<6400xf32, #tpu.memory_space<hbm>>
      %dma_wait3A_84 = arith.constant 12800 : i32
      %dma_wait3A_85 = tpu.memref_slice %arg6[%dma_wait3A_84] : memref<102400xf32, #tpu.memory_space<vmem>> -> memref<6400xf32, #tpu.memory_space<vmem>>
      %dma_wait3A_86 = tpu.memref_slice %arg2[%add3A_45] : memref<12800000xf32, #tpu.memory_space<hbm>> -> memref<6400xf32, #tpu.memory_space<hbm>>
      tpu.wait_dma2 semaphore(%arg17 : memref<!tpu.dma_semaphore, #tpu.memory_space<semaphore_mem>>) src(%dma_wait3A_86 : memref<6400xf32, #tpu.memory_space<hbm>>) dst(%dma_wait3A_85 : memref<6400xf32, #tpu.memory_space<vmem>>)
      %add3A_87 = arith.constant 25600 : i32
      %add3A_88 = arith.addi %mul3A_23, %add3A_87 : i32
      %dma_start3A_89 = arith.constant 25600 : i32
      %dma_start3A_90 = tpu.memref_slice %arg6[%dma_start3A_89] : memref<102400xf32, #tpu.memory_space<vmem>> -> memref<6400xf32, #tpu.memory_space<vmem>>
      %dma_start3A_91 = tpu.memref_slice %arg2[%add3A_88] : memref<12800000xf32, #tpu.memory_space<hbm>> -> memref<6400xf32, #tpu.memory_space<hbm>>
      %dma_start3A_92 = arith.constant 25600 : i32
      %dma_start3A_93 = tpu.memref_slice %arg6[%dma_start3A_92] : memref<102400xf32, #tpu.memory_space<vmem>> -> memref<6400xf32, #tpu.memory_space<vmem>>
      %dma_start3A_94 = tpu.memref_slice %arg2[%add3A_88] : memref<12800000xf32, #tpu.memory_space<hbm>> -> memref<6400xf32, #tpu.memory_space<hbm>>
      tpu.enqueue_dma source(%dma_start3A_94 : memref<6400xf32, #tpu.memory_space<hbm>>) target(%dma_start3A_93 : memref<6400xf32, #tpu.memory_space<vmem>>) target_semaphore(%arg17 : memref<!tpu.dma_semaphore, #tpu.memory_space<semaphore_mem>>)
      %scan3A_95 = arith.constant 0 : i32
      %scan3A_96 = arith.constant 25 : i32
      %scan3A_97 = arith.addi %scan3A_95, %scan3A_96 : i32
      %scan3A_98 = arith.constant 1 : i32
      %scan3A_99 = scf.for %scan3A_560 = %scan3A_95 to %scan3A_97 step %scan3A_98 iter_args(%scan3A_561 = %broadcast_in_dim3A_3) -> (vector<16xf32>)  : i32 {
        %add3A_562 = arith.constant 50 : i32
        %add3A_563 = arith.addi %add3A_562, %scan3A_560 : i32
        %mul3A_564 = arith.constant 256 : i32
        %mul3A_565 = arith.muli %add3A_563, %mul3A_564 : i32
        %get3A_566 = arith.index_cast %mul3A_565 : i32 to index
        %get3A_567 = tpu.vector_load %arg6[%get3A_566] {strides = array<i32>} : memref<102400xf32, #tpu.memory_space<vmem>>, vector<16xf32>,
        %add3A_568 = arith.constant 16 : i32
        %add3A_569 = arith.addi %mul3A_565, %add3A_568 : i32
        %get3A_570 = arith.index_cast %add3A_569 : i32 to index
        %get3A_571 = tpu.vector_load %arg6[%get3A_570] {strides = array<i32>} : memref<102400xf32, #tpu.memory_space<vmem>>, vector<16xf32>,
        %max3A_572 = arith.maximumf %get3A_567, %get3A_571 : vector<16xf32>
        %add3A_573 = arith.constant 32 : i32
        %add3A_574 = arith.addi %mul3A_565, %add3A_573 : i32
        %get3A_575 = arith.index_cast %add3A_574 : i32 to index
        %get3A_576 = tpu.vector_load %arg6[%get3A_575] {strides = array<i32>} : memref<102400xf32, #tpu.memory_space<vmem>>, vector<16xf32>,
        %max3A_577 = arith.maximumf %max3A_572, %get3A_576 : vector<16xf32>
        %add3A_578 = arith.constant 48 : i32
        %add3A_579 = arith.addi %mul3A_565, %add3A_578 : i32
        %get3A_580 = arith.index_cast %add3A_579 : i32 to index
        %get3A_581 = tpu.vector_load %arg6[%get3A_580] {strides = array<i32>} : memref<102400xf32, #tpu.memory_space<vmem>>, vector<16xf32>,
        %max3A_582 = arith.maximumf %max3A_577, %get3A_581 : vector<16xf32>
        %add3A_583 = arith.constant 64 : i32
        %add3A_584 = arith.addi %mul3A_565, %add3A_583 : i32
        %get3A_585 = arith.index_cast %add3A_584 : i32 to index
        %get3A_586 = tpu.vector_load %arg6[%get3A_585] {strides = array<i32>} : memref<102400xf32, #tpu.memory_space<vmem>>, vector<16xf32>,
        %max3A_587 = arith.maximumf %max3A_582, %get3A_586 : vector<16xf32>
        %add3A_588 = arith.constant 80 : i32
        %add3A_589 = arith.addi %mul3A_565, %add3A_588 : i32
        %get3A_590 = arith.index_cast %add3A_589 : i32 to index
        %get3A_591 = tpu.vector_load %arg6[%get3A_590] {strides = array<i32>} : memref<102400xf32, #tpu.memory_space<vmem>>, vector<16xf32>,
        %max3A_592 = arith.maximumf %max3A_587, %get3A_591 : vector<16xf32>
        %add3A_593 = arith.constant 96 : i32
        %add3A_594 = arith.addi %mul3A_565, %add3A_593 : i32
        %get3A_595 = arith.index_cast %add3A_594 : i32 to index
        %get3A_596 = tpu.vector_load %arg6[%get3A_595] {strides = array<i32>} : memref<102400xf32, #tpu.memory_space<vmem>>, vector<16xf32>,
        %max3A_597 = arith.maximumf %max3A_592, %get3A_596 : vector<16xf32>
        %add3A_598 = arith.constant 112 : i32
        %add3A_599 = arith.addi %mul3A_565, %add3A_598 : i32
        %get3A_600 = arith.index_cast %add3A_599 : i32 to index
        %get3A_601 = tpu.vector_load %arg6[%get3A_600] {strides = array<i32>} : memref<102400xf32, #tpu.memory_space<vmem>>, vector<16xf32>,
        %max3A_602 = arith.maximumf %max3A_597, %get3A_601 : vector<16xf32>
        %add3A_603 = arith.constant 128 : i32
        %add3A_604 = arith.addi %mul3A_565, %add3A_603 : i32
        %get3A_605 = arith.index_cast %add3A_604 : i32 to index
        %get3A_606 = tpu.vector_load %arg6[%get3A_605] {strides = array<i32>} : memref<102400xf32, #tpu.memory_space<vmem>>, vector<16xf32>,
        %max3A_607 = arith.maximumf %max3A_602, %get3A_606 : vector<16xf32>
        %add3A_608 = arith.constant 144 : i32
        %add3A_609 = arith.addi %mul3A_565, %add3A_608 : i32
        %get3A_610 = arith.index_cast %add3A_609 : i32 to index
        %get3A_611 = tpu.vector_load %arg6[%get3A_610] {strides = array<i32>} : memref<102400xf32, #tpu.memory_space<vmem>>, vector<16xf32>,
        %max3A_612 = arith.maximumf %max3A_607, %get3A_611 : vector<16xf32>
        %add3A_613 = arith.constant 160 : i32
        %add3A_614 = arith.addi %mul3A_565, %add3A_613 : i32
        %get3A_615 = arith.index_cast %add3A_614 : i32 to index
        %get3A_616 = tpu.vector_load %arg6[%get3A_615] {strides = array<i32>} : memref<102400xf32, #tpu.memory_space<vmem>>, vector<16xf32>,
        %max3A_617 = arith.maximumf %max3A_612, %get3A_616 : vector<16xf32>
        %add3A_618 = arith.constant 176 : i32
        %add3A_619 = arith.addi %mul3A_565, %add3A_618 : i32
        %get3A_620 = arith.index_cast %add3A_619 : i32 to index
        %get3A_621 = tpu.vector_load %arg6[%get3A_620] {strides = array<i32>} : memref<102400xf32, #tpu.memory_space<vmem>>, vector<16xf32>,
        %max3A_622 = arith.maximumf %max3A_617, %get3A_621 : vector<16xf32>
        %add3A_623 = arith.constant 192 : i32
        %add3A_624 = arith.addi %mul3A_565, %add3A_623 : i32
        %get3A_625 = arith.index_cast %add3A_624 : i32 to index
        %get3A_626 = tpu.vector_load %arg6[%get3A_625] {strides = array<i32>} : memref<102400xf32, #tpu.memory_space<vmem>>, vector<16xf32>,
        %max3A_627 = arith.maximumf %max3A_622, %get3A_626 : vector<16xf32>
        %add3A_628 = arith.constant 208 : i32
        %add3A_629 = arith.addi %mul3A_565, %add3A_628 : i32
        %get3A_630 = arith.index_cast %add3A_629 : i32 to index
        %get3A_631 = tpu.vector_load %arg6[%get3A_630] {strides = array<i32>} : memref<102400xf32, #tpu.memory_space<vmem>>, vector<16xf32>,
        %max3A_632 = arith.maximumf %max3A_627, %get3A_631 : vector<16xf32>
        %add3A_633 = arith.constant 224 : i32
        %add3A_634 = arith.addi %mul3A_565, %add3A_633 : i32
        %get3A_635 = arith.index_cast %add3A_634 : i32 to index
        %get3A_636 = tpu.vector_load %arg6[%get3A_635] {strides = array<i32>} : memref<102400xf32, #tpu.memory_space<vmem>>, vector<16xf32>,
        %max3A_637 = arith.maximumf %max3A_632, %get3A_636 : vector<16xf32>
        %add3A_638 = arith.constant 240 : i32
        %add3A_639 = arith.addi %mul3A_565, %add3A_638 : i32
        %get3A_640 = arith.index_cast %add3A_639 : i32 to index
        %get3A_641 = tpu.vector_load %arg6[%get3A_640] {strides = array<i32>} : memref<102400xf32, #tpu.memory_space<vmem>>, vector<16xf32>,
        %max3A_642 = arith.maximumf %max3A_637, %get3A_641 : vector<16xf32>
        %mul3A_643 = arith.constant 16 : i32
        %mul3A_644 = arith.muli %add3A_563, %mul3A_643 : i32
        %swap3A_645 = arith.index_cast %mul3A_644 : i32 to index
        %swap3A_646 = tpu.vector_load %arg7[%swap3A_645] {strides = array<i32>} : memref<6400xf32, #tpu.memory_space<vmem>>, vector<16xf32>,
        tpu.vector_store %arg7[%swap3A_645], %max3A_642 {strides = array<i32>} : memref<6400xf32, #tpu.memory_space<vmem>>, vector<16xf32>,
        %max3A_647 = arith.maximumf %scan3A_561, %max3A_642 : vector<16xf32>
        scf.yield %max3A_647 : vector<16xf32>
      }
      %scan3A_100 = arith.constant 25 : i32
      %swap3A_101 = arith.constant 32 : index
      %swap3A_102 = tpu.vector_load %arg8[%swap3A_101] {strides = array<i32>} : memref<256xf32, #tpu.memory_space<vmem>>, vector<16xf32>,
      tpu.vector_store %arg8[%swap3A_101], %scan3A_99 {strides = array<i32>} : memref<256xf32, #tpu.memory_space<vmem>>, vector<16xf32>,
      %dma_wait3A_103 = arith.constant 19200 : i32
      %dma_wait3A_104 = tpu.memref_slice %arg6[%dma_wait3A_103] : memref<102400xf32, #tpu.memory_space<vmem>> -> memref<6400xf32, #tpu.memory_space<vmem>>
      %dma_wait3A_105 = tpu.memref_slice %arg2[%add3A_66] : memref<12800000xf32, #tpu.memory_space<hbm>> -> memref<6400xf32, #tpu.memory_space<hbm>>
      %dma_wait3A_106 = arith.constant 19200 : i32
      %dma_wait3A_107 = tpu.memref_slice %arg6[%dma_wait3A_106] : memref<102400xf32, #tpu.memory_space<vmem>> -> memref<6400xf32, #tpu.memory_space<vmem>>
      %dma_wait3A_108 = tpu.memref_slice %arg2[%add3A_66] : memref<12800000xf32, #tpu.memory_space<hbm>> -> memref<6400xf32, #tpu.memory_space<hbm>>
      tpu.wait_dma2 semaphore(%arg18 : memref<!tpu.dma_semaphore, #tpu.memory_space<semaphore_mem>>) src(%dma_wait3A_108 : memref<6400xf32, #tpu.memory_space<hbm>>) dst(%dma_wait3A_107 : memref<6400xf32, #tpu.memory_space<vmem>>)
      %add3A_109 = arith.constant 32000 : i32
      %add3A_110 = arith.addi %mul3A_23, %add3A_109 : i32
      %dma_start3A_111 = arith.constant 32000 : i32
      %dma_start3A_112 = tpu.memref_slice %arg6[%dma_start3A_111] : memref<102400xf32, #tpu.memory_space<vmem>> -> memref<6400xf32, #tpu.memory_space<vmem>>
      %dma_start3A_113 = tpu.memref_slice %arg2[%add3A_110] : memref<12800000xf32, #tpu.memory_space<hbm>> -> memref<6400xf32, #tpu.memory_space<hbm>>
      %dma_start3A_114 = arith.constant 32000 : i32
      %dma_start3A_115 = tpu.memref_slice %arg6[%dma_start3A_114] : memref<102400xf32, #tpu.memory_space<vmem>> -> memref<6400xf32, #tpu.memory_space<vmem>>
      %dma_start3A_116 = tpu.memref_slice %arg2[%add3A_110] : memref<12800000xf32, #tpu.memory_space<hbm>> -> memref<6400xf32, #tpu.memory_space<hbm>>
      tpu.enqueue_dma source(%dma_start3A_116 : memref<6400xf32, #tpu.memory_space<hbm>>) target(%dma_start3A_115 : memref<6400xf32, #tpu.memory_space<vmem>>) target_semaphore(%arg18 : memref<!tpu.dma_semaphore, #tpu.memory_space<semaphore_mem>>)
      %scan3A_117 = arith.constant 0 : i32
      %scan3A_118 = arith.constant 25 : i32
      %scan3A_119 = arith.addi %scan3A_117, %scan3A_118 : i32
      %scan3A_120 = arith.constant 1 : i32
      %scan3A_121 = scf.for %scan3A_560 = %scan3A_117 to %scan3A_119 step %scan3A_120 iter_args(%scan3A_561 = %broadcast_in_dim3A_3) -> (vector<16xf32>)  : i32 {
        %add3A_562 = arith.constant 75 : i32
        %add3A_563 = arith.addi %add3A_562, %scan3A_560 : i32
        %mul3A_564 = arith.constant 256 : i32
        %mul3A_565 = arith.muli %add3A_563, %mul3A_564 : i32
        %get3A_566 = arith.index_cast %mul3A_565 : i32 to index
        %get3A_567 = tpu.vector_load %arg6[%get3A_566] {strides = array<i32>} : memref<102400xf32, #tpu.memory_space<vmem>>, vector<16xf32>,
        %add3A_568 = arith.constant 16 : i32
        %add3A_569 = arith.addi %mul3A_565, %add3A_568 : i32
        %get3A_570 = arith.index_cast %add3A_569 : i32 to index
        %get3A_571 = tpu.vector_load %arg6[%get3A_570] {strides = array<i32>} : memref<102400xf32, #tpu.memory_space<vmem>>, vector<16xf32>,
        %max3A_572 = arith.maximumf %get3A_567, %get3A_571 : vector<16xf32>
        %add3A_573 = arith.constant 32 : i32
        %add3A_574 = arith.addi %mul3A_565, %add3A_573 : i32
        %get3A_575 = arith.index_cast %add3A_574 : i32 to index
        %get3A_576 = tpu.vector_load %arg6[%get3A_575] {strides = array<i32>} : memref<102400xf32, #tpu.memory_space<vmem>>, vector<16xf32>,
        %max3A_577 = arith.maximumf %max3A_572, %get3A_576 : vector<16xf32>
        %add3A_578 = arith.constant 48 : i32
        %add3A_579 = arith.addi %mul3A_565, %add3A_578 : i32
        %get3A_580 = arith.index_cast %add3A_579 : i32 to index
        %get3A_581 = tpu.vector_load %arg6[%get3A_580] {strides = array<i32>} : memref<102400xf32, #tpu.memory_space<vmem>>, vector<16xf32>,
        %max3A_582 = arith.maximumf %max3A_577, %get3A_581 : vector<16xf32>
        %add3A_583 = arith.constant 64 : i32
        %add3A_584 = arith.addi %mul3A_565, %add3A_583 : i32
        %get3A_585 = arith.index_cast %add3A_584 : i32 to index
        %get3A_586 = tpu.vector_load %arg6[%get3A_585] {strides = array<i32>} : memref<102400xf32, #tpu.memory_space<vmem>>, vector<16xf32>,
        %max3A_587 = arith.maximumf %max3A_582, %get3A_586 : vector<16xf32>
        %add3A_588 = arith.constant 80 : i32
        %add3A_589 = arith.addi %mul3A_565, %add3A_588 : i32
        %get3A_590 = arith.index_cast %add3A_589 : i32 to index
        %get3A_591 = tpu.vector_load %arg6[%get3A_590] {strides = array<i32>} : memref<102400xf32, #tpu.memory_space<vmem>>, vector<16xf32>,
        %max3A_592 = arith.maximumf %max3A_587, %get3A_591 : vector<16xf32>
        %add3A_593 = arith.constant 96 : i32
        %add3A_594 = arith.addi %mul3A_565, %add3A_593 : i32
        %get3A_595 = arith.index_cast %add3A_594 : i32 to index
        %get3A_596 = tpu.vector_load %arg6[%get3A_595] {strides = array<i32>} : memref<102400xf32, #tpu.memory_space<vmem>>, vector<16xf32>,
        %max3A_597 = arith.maximumf %max3A_592, %get3A_596 : vector<16xf32>
        %add3A_598 = arith.constant 112 : i32
        %add3A_599 = arith.addi %mul3A_565, %add3A_598 : i32
        %get3A_600 = arith.index_cast %add3A_599 : i32 to index
        %get3A_601 = tpu.vector_load %arg6[%get3A_600] {strides = array<i32>} : memref<102400xf32, #tpu.memory_space<vmem>>, vector<16xf32>,
        %max3A_602 = arith.maximumf %max3A_597, %get3A_601 : vector<16xf32>
        %add3A_603 = arith.constant 128 : i32
        %add3A_604 = arith.addi %mul3A_565, %add3A_603 : i32
        %get3A_605 = arith.index_cast %add3A_604 : i32 to index
        %get3A_606 = tpu.vector_load %arg6[%get3A_605] {strides = array<i32>} : memref<102400xf32, #tpu.memory_space<vmem>>, vector<16xf32>,
        %max3A_607 = arith.maximumf %max3A_602, %get3A_606 : vector<16xf32>
        %add3A_608 = arith.constant 144 : i32
        %add3A_609 = arith.addi %mul3A_565, %add3A_608 : i32
        %get3A_610 = arith.index_cast %add3A_609 : i32 to index
        %get3A_611 = tpu.vector_load %arg6[%get3A_610] {strides = array<i32>} : memref<102400xf32, #tpu.memory_space<vmem>>, vector<16xf32>,
        %max3A_612 = arith.maximumf %max3A_607, %get3A_611 : vector<16xf32>
        %add3A_613 = arith.constant 160 : i32
        %add3A_614 = arith.addi %mul3A_565, %add3A_613 : i32
        %get3A_615 = arith.index_cast %add3A_614 : i32 to index
        %get3A_616 = tpu.vector_load %arg6[%get3A_615] {strides = array<i32>} : memref<102400xf32, #tpu.memory_space<vmem>>, vector<16xf32>,
        %max3A_617 = arith.maximumf %max3A_612, %get3A_616 : vector<16xf32>
        %add3A_618 = arith.constant 176 : i32
        %add3A_619 = arith.addi %mul3A_565, %add3A_618 : i32
        %get3A_620 = arith.index_cast %add3A_619 : i32 to index
        %get3A_621 = tpu.vector_load %arg6[%get3A_620] {strides = array<i32>} : memref<102400xf32, #tpu.memory_space<vmem>>, vector<16xf32>,
        %max3A_622 = arith.maximumf %max3A_617, %get3A_621 : vector<16xf32>
        %add3A_623 = arith.constant 192 : i32
        %add3A_624 = arith.addi %mul3A_565, %add3A_623 : i32
        %get3A_625 = arith.index_cast %add3A_624 : i32 to index
        %get3A_626 = tpu.vector_load %arg6[%get3A_625] {strides = array<i32>} : memref<102400xf32, #tpu.memory_space<vmem>>, vector<16xf32>,
        %max3A_627 = arith.maximumf %max3A_622, %get3A_626 : vector<16xf32>
        %add3A_628 = arith.constant 208 : i32
        %add3A_629 = arith.addi %mul3A_565, %add3A_628 : i32
        %get3A_630 = arith.index_cast %add3A_629 : i32 to index
        %get3A_631 = tpu.vector_load %arg6[%get3A_630] {strides = array<i32>} : memref<102400xf32, #tpu.memory_space<vmem>>, vector<16xf32>,
        %max3A_632 = arith.maximumf %max3A_627, %get3A_631 : vector<16xf32>
        %add3A_633 = arith.constant 224 : i32
        %add3A_634 = arith.addi %mul3A_565, %add3A_633 : i32
        %get3A_635 = arith.index_cast %add3A_634 : i32 to index
        %get3A_636 = tpu.vector_load %arg6[%get3A_635] {strides = array<i32>} : memref<102400xf32, #tpu.memory_space<vmem>>, vector<16xf32>,
        %max3A_637 = arith.maximumf %max3A_632, %get3A_636 : vector<16xf32>
        %add3A_638 = arith.constant 240 : i32
        %add3A_639 = arith.addi %mul3A_565, %add3A_638 : i32
        %get3A_640 = arith.index_cast %add3A_639 : i32 to index
        %get3A_641 = tpu.vector_load %arg6[%get3A_640] {strides = array<i32>} : memref<102400xf32, #tpu.memory_space<vmem>>, vector<16xf32>,
        %max3A_642 = arith.maximumf %max3A_637, %get3A_641 : vector<16xf32>
        %mul3A_643 = arith.constant 16 : i32
        %mul3A_644 = arith.muli %add3A_563, %mul3A_643 : i32
        %swap3A_645 = arith.index_cast %mul3A_644 : i32 to index
        %swap3A_646 = tpu.vector_load %arg7[%swap3A_645] {strides = array<i32>} : memref<6400xf32, #tpu.memory_space<vmem>>, vector<16xf32>,
        tpu.vector_store %arg7[%swap3A_645], %max3A_642 {strides = array<i32>} : memref<6400xf32, #tpu.memory_space<vmem>>, vector<16xf32>,
        %max3A_647 = arith.maximumf %scan3A_561, %max3A_642 : vector<16xf32>
        scf.yield %max3A_647 : vector<16xf32>
      }
      %scan3A_122 = arith.constant 25 : i32
      %swap3A_123 = arith.constant 48 : index
      %swap3A_124 = tpu.vector_load %arg8[%swap3A_123] {strides = array<i32>} : memref<256xf32, #tpu.memory_space<vmem>>, vector<16xf32>,
      tpu.vector_store %arg8[%swap3A_123], %scan3A_121 {strides = array<i32>} : memref<256xf32, #tpu.memory_space<vmem>>, vector<16xf32>,
      %dma_wait3A_125 = arith.constant 25600 : i32
      %dma_wait3A_126 = tpu.memref_slice %arg6[%dma_wait3A_125] : memref<102400xf32, #tpu.memory_space<vmem>> -> memref<6400xf32, #tpu.memory_space<vmem>>
      %dma_wait3A_127 = tpu.memref_slice %arg2[%add3A_88] : memref<12800000xf32, #tpu.memory_space<hbm>> -> memref<6400xf32, #tpu.memory_space<hbm>>
      %dma_wait3A_128 = arith.constant 25600 : i32
      %dma_wait3A_129 = tpu.memref_slice %arg6[%dma_wait3A_128] : memref<102400xf32, #tpu.memory_space<vmem>> -> memref<6400xf32, #tpu.memory_space<vmem>>
      %dma_wait3A_130 = tpu.memref_slice %arg2[%add3A_88] : memref<12800000xf32, #tpu.memory_space<hbm>> -> memref<6400xf32, #tpu.memory_space<hbm>>
      tpu.wait_dma2 semaphore(%arg17 : memref<!tpu.dma_semaphore, #tpu.memory_space<semaphore_mem>>) src(%dma_wait3A_130 : memref<6400xf32, #tpu.memory_space<hbm>>) dst(%dma_wait3A_129 : memref<6400xf32, #tpu.memory_space<vmem>>)
      %add3A_131 = arith.constant 38400 : i32
      %add3A_132 = arith.addi %mul3A_23, %add3A_131 : i32
      %dma_start3A_133 = arith.constant 38400 : i32
      %dma_start3A_134 = tpu.memref_slice %arg6[%dma_start3A_133] : memref<102400xf32, #tpu.memory_space<vmem>> -> memref<6400xf32, #tpu.memory_space<vmem>>
      %dma_start3A_135 = tpu.memref_slice %arg2[%add3A_132] : memref<12800000xf32, #tpu.memory_space<hbm>> -> memref<6400xf32, #tpu.memory_space<hbm>>
      %dma_start3A_136 = arith.constant 38400 : i32
      %dma_start3A_137 = tpu.memref_slice %arg6[%dma_start3A_136] : memref<102400xf32, #tpu.memory_space<vmem>> -> memref<6400xf32, #tpu.memory_space<vmem>>
      %dma_start3A_138 = tpu.memref_slice %arg2[%add3A_132] : memref<12800000xf32, #tpu.memory_space<hbm>> -> memref<6400xf32, #tpu.memory_space<hbm>>
      tpu.enqueue_dma source(%dma_start3A_138 : memref<6400xf32, #tpu.memory_space<hbm>>) target(%dma_start3A_137 : memref<6400xf32, #tpu.memory_space<vmem>>) target_semaphore(%arg17 : memref<!tpu.dma_semaphore, #tpu.memory_space<semaphore_mem>>)
      %scan3A_139 = arith.constant 0 : i32
      %scan3A_140 = arith.constant 25 : i32
      %scan3A_141 = arith.addi %scan3A_139, %scan3A_140 : i32
      %scan3A_142 = arith.constant 1 : i32
      %scan3A_143 = scf.for %scan3A_560 = %scan3A_139 to %scan3A_141 step %scan3A_142 iter_args(%scan3A_561 = %broadcast_in_dim3A_3) -> (vector<16xf32>)  : i32 {
        %add3A_562 = arith.constant 100 : i32
        %add3A_563 = arith.addi %add3A_562, %scan3A_560 : i32
        %mul3A_564 = arith.constant 256 : i32
        %mul3A_565 = arith.muli %add3A_563, %mul3A_564 : i32
        %get3A_566 = arith.index_cast %mul3A_565 : i32 to index
        %get3A_567 = tpu.vector_load %arg6[%get3A_566] {strides = array<i32>} : memref<102400xf32, #tpu.memory_space<vmem>>, vector<16xf32>,
        %add3A_568 = arith.constant 16 : i32
        %add3A_569 = arith.addi %mul3A_565, %add3A_568 : i32
        %get3A_570 = arith.index_cast %add3A_569 : i32 to index
        %get3A_571 = tpu.vector_load %arg6[%get3A_570] {strides = array<i32>} : memref<102400xf32, #tpu.memory_space<vmem>>, vector<16xf32>,
        %max3A_572 = arith.maximumf %get3A_567, %get3A_571 : vector<16xf32>
        %add3A_573 = arith.constant 32 : i32
        %add3A_574 = arith.addi %mul3A_565, %add3A_573 : i32
        %get3A_575 = arith.index_cast %add3A_574 : i32 to index
        %get3A_576 = tpu.vector_load %arg6[%get3A_575] {strides = array<i32>} : memref<102400xf32, #tpu.memory_space<vmem>>, vector<16xf32>,
        %max3A_577 = arith.maximumf %max3A_572, %get3A_576 : vector<16xf32>
        %add3A_578 = arith.constant 48 : i32
        %add3A_579 = arith.addi %mul3A_565, %add3A_578 : i32
        %get3A_580 = arith.index_cast %add3A_579 : i32 to index
        %get3A_581 = tpu.vector_load %arg6[%get3A_580] {strides = array<i32>} : memref<102400xf32, #tpu.memory_space<vmem>>, vector<16xf32>,
        %max3A_582 = arith.maximumf %max3A_577, %get3A_581 : vector<16xf32>
        %add3A_583 = arith.constant 64 : i32
        %add3A_584 = arith.addi %mul3A_565, %add3A_583 : i32
        %get3A_585 = arith.index_cast %add3A_584 : i32 to index
        %get3A_586 = tpu.vector_load %arg6[%get3A_585] {strides = array<i32>} : memref<102400xf32, #tpu.memory_space<vmem>>, vector<16xf32>,
        %max3A_587 = arith.maximumf %max3A_582, %get3A_586 : vector<16xf32>
        %add3A_588 = arith.constant 80 : i32
        %add3A_589 = arith.addi %mul3A_565, %add3A_588 : i32
        %get3A_590 = arith.index_cast %add3A_589 : i32 to index
        %get3A_591 = tpu.vector_load %arg6[%get3A_590] {strides = array<i32>} : memref<102400xf32, #tpu.memory_space<vmem>>, vector<16xf32>,
        %max3A_592 = arith.maximumf %max3A_587, %get3A_591 : vector<16xf32>
        %add3A_593 = arith.constant 96 : i32
        %add3A_594 = arith.addi %mul3A_565, %add3A_593 : i32
        %get3A_595 = arith.index_cast %add3A_594 : i32 to index
        %get3A_596 = tpu.vector_load %arg6[%get3A_595] {strides = array<i32>} : memref<102400xf32, #tpu.memory_space<vmem>>, vector<16xf32>,
        %max3A_597 = arith.maximumf %max3A_592, %get3A_596 : vector<16xf32>
        %add3A_598 = arith.constant 112 : i32
        %add3A_599 = arith.addi %mul3A_565, %add3A_598 : i32
        %get3A_600 = arith.index_cast %add3A_599 : i32 to index
        %get3A_601 = tpu.vector_load %arg6[%get3A_600] {strides = array<i32>} : memref<102400xf32, #tpu.memory_space<vmem>>, vector<16xf32>,
        %max3A_602 = arith.maximumf %max3A_597, %get3A_601 : vector<16xf32>
        %add3A_603 = arith.constant 128 : i32
        %add3A_604 = arith.addi %mul3A_565, %add3A_603 : i32
        %get3A_605 = arith.index_cast %add3A_604 : i32 to index
        %get3A_606 = tpu.vector_load %arg6[%get3A_605] {strides = array<i32>} : memref<102400xf32, #tpu.memory_space<vmem>>, vector<16xf32>,
        %max3A_607 = arith.maximumf %max3A_602, %get3A_606 : vector<16xf32>
        %add3A_608 = arith.constant 144 : i32
        %add3A_609 = arith.addi %mul3A_565, %add3A_608 : i32
        %get3A_610 = arith.index_cast %add3A_609 : i32 to index
        %get3A_611 = tpu.vector_load %arg6[%get3A_610] {strides = array<i32>} : memref<102400xf32, #tpu.memory_space<vmem>>, vector<16xf32>,
        %max3A_612 = arith.maximumf %max3A_607, %get3A_611 : vector<16xf32>
        %add3A_613 = arith.constant 160 : i32
        %add3A_614 = arith.addi %mul3A_565, %add3A_613 : i32
        %get3A_615 = arith.index_cast %add3A_614 : i32 to index
        %get3A_616 = tpu.vector_load %arg6[%get3A_615] {strides = array<i32>} : memref<102400xf32, #tpu.memory_space<vmem>>, vector<16xf32>,
        %max3A_617 = arith.maximumf %max3A_612, %get3A_616 : vector<16xf32>
        %add3A_618 = arith.constant 176 : i32
        %add3A_619 = arith.addi %mul3A_565, %add3A_618 : i32
        %get3A_620 = arith.index_cast %add3A_619 : i32 to index
        %get3A_621 = tpu.vector_load %arg6[%get3A_620] {strides = array<i32>} : memref<102400xf32, #tpu.memory_space<vmem>>, vector<16xf32>,
        %max3A_622 = arith.maximumf %max3A_617, %get3A_621 : vector<16xf32>
        %add3A_623 = arith.constant 192 : i32
        %add3A_624 = arith.addi %mul3A_565, %add3A_623 : i32
        %get3A_625 = arith.index_cast %add3A_624 : i32 to index
        %get3A_626 = tpu.vector_load %arg6[%get3A_625] {strides = array<i32>} : memref<102400xf32, #tpu.memory_space<vmem>>, vector<16xf32>,
        %max3A_627 = arith.maximumf %max3A_622, %get3A_626 : vector<16xf32>
        %add3A_628 = arith.constant 208 : i32
        %add3A_629 = arith.addi %mul3A_565, %add3A_628 : i32
        %get3A_630 = arith.index_cast %add3A_629 : i32 to index
        %get3A_631 = tpu.vector_load %arg6[%get3A_630] {strides = array<i32>} : memref<102400xf32, #tpu.memory_space<vmem>>, vector<16xf32>,
        %max3A_632 = arith.maximumf %max3A_627, %get3A_631 : vector<16xf32>
        %add3A_633 = arith.constant 224 : i32
        %add3A_634 = arith.addi %mul3A_565, %add3A_633 : i32
        %get3A_635 = arith.index_cast %add3A_634 : i32 to index
        %get3A_636 = tpu.vector_load %arg6[%get3A_635] {strides = array<i32>} : memref<102400xf32, #tpu.memory_space<vmem>>, vector<16xf32>,
        %max3A_637 = arith.maximumf %max3A_632, %get3A_636 : vector<16xf32>
        %add3A_638 = arith.constant 240 : i32
        %add3A_639 = arith.addi %mul3A_565, %add3A_638 : i32
        %get3A_640 = arith.index_cast %add3A_639 : i32 to index
        %get3A_641 = tpu.vector_load %arg6[%get3A_640] {strides = array<i32>} : memref<102400xf32, #tpu.memory_space<vmem>>, vector<16xf32>,
        %max3A_642 = arith.maximumf %max3A_637, %get3A_641 : vector<16xf32>
        %mul3A_643 = arith.constant 16 : i32
        %mul3A_644 = arith.muli %add3A_563, %mul3A_643 : i32
        %swap3A_645 = arith.index_cast %mul3A_644 : i32 to index
        %swap3A_646 = tpu.vector_load %arg7[%swap3A_645] {strides = array<i32>} : memref<6400xf32, #tpu.memory_space<vmem>>, vector<16xf32>,
        tpu.vector_store %arg7[%swap3A_645], %max3A_642 {strides = array<i32>} : memref<6400xf32, #tpu.memory_space<vmem>>, vector<16xf32>,
        %max3A_647 = arith.maximumf %scan3A_561, %max3A_642 : vector<16xf32>
        scf.yield %max3A_647 : vector<16xf32>
      }
      %scan3A_144 = arith.constant 25 : i32
      %swap3A_145 = arith.constant 64 : index
      %swap3A_146 = tpu.vector_load %arg8[%swap3A_145] {strides = array<i32>} : memref<256xf32, #tpu.memory_space<vmem>>, vector<16xf32>,
      tpu.vector_store %arg8[%swap3A_145], %scan3A_143 {strides = array<i32>} : memref<256xf32, #tpu.memory_space<vmem>>, vector<16xf32>,
      %dma_wait3A_147 = arith.constant 32000 : i32
      %dma_wait3A_148 = tpu.memref_slice %arg6[%dma_wait3A_147] : memref<102400xf32, #tpu.memory_space<vmem>> -> memref<6400xf32, #tpu.memory_space<vmem>>
      %dma_wait3A_149 = tpu.memref_slice %arg2[%add3A_110] : memref<12800000xf32, #tpu.memory_space<hbm>> -> memref<6400xf32, #tpu.memory_space<hbm>>
      %dma_wait3A_150 = arith.constant 32000 : i32
      %dma_wait3A_151 = tpu.memref_slice %arg6[%dma_wait3A_150] : memref<102400xf32, #tpu.memory_space<vmem>> -> memref<6400xf32, #tpu.memory_space<vmem>>
      %dma_wait3A_152 = tpu.memref_slice %arg2[%add3A_110] : memref<12800000xf32, #tpu.memory_space<hbm>> -> memref<6400xf32, #tpu.memory_space<hbm>>
      tpu.wait_dma2 semaphore(%arg18 : memref<!tpu.dma_semaphore, #tpu.memory_space<semaphore_mem>>) src(%dma_wait3A_152 : memref<6400xf32, #tpu.memory_space<hbm>>) dst(%dma_wait3A_151 : memref<6400xf32, #tpu.memory_space<vmem>>)
      %add3A_153 = arith.constant 44800 : i32
      %add3A_154 = arith.addi %mul3A_23, %add3A_153 : i32
      %dma_start3A_155 = arith.constant 44800 : i32
      %dma_start3A_156 = tpu.memref_slice %arg6[%dma_start3A_155] : memref<102400xf32, #tpu.memory_space<vmem>> -> memref<6400xf32, #tpu.memory_space<vmem>>
      %dma_start3A_157 = tpu.memref_slice %arg2[%add3A_154] : memref<12800000xf32, #tpu.memory_space<hbm>> -> memref<6400xf32, #tpu.memory_space<hbm>>
      %dma_start3A_158 = arith.constant 44800 : i32
      %dma_start3A_159 = tpu.memref_slice %arg6[%dma_start3A_158] : memref<102400xf32, #tpu.memory_space<vmem>> -> memref<6400xf32, #tpu.memory_space<vmem>>
      %dma_start3A_160 = tpu.memref_slice %arg2[%add3A_154] : memref<12800000xf32, #tpu.memory_space<hbm>> -> memref<6400xf32, #tpu.memory_space<hbm>>
      tpu.enqueue_dma source(%dma_start3A_160 : memref<6400xf32, #tpu.memory_space<hbm>>) target(%dma_start3A_159 : memref<6400xf32, #tpu.memory_space<vmem>>) target_semaphore(%arg18 : memref<!tpu.dma_semaphore, #tpu.memory_space<semaphore_mem>>)
      %scan3A_161 = arith.constant 0 : i32
      %scan3A_162 = arith.constant 25 : i32
      %scan3A_163 = arith.addi %scan3A_161, %scan3A_162 : i32
      %scan3A_164 = arith.constant 1 : i32
      %scan3A_165 = scf.for %scan3A_560 = %scan3A_161 to %scan3A_163 step %scan3A_164 iter_args(%scan3A_561 = %broadcast_in_dim3A_3) -> (vector<16xf32>)  : i32 {
        %add3A_562 = arith.constant 125 : i32
        %add3A_563 = arith.addi %add3A_562, %scan3A_560 : i32
        %mul3A_564 = arith.constant 256 : i32
        %mul3A_565 = arith.muli %add3A_563, %mul3A_564 : i32
        %get3A_566 = arith.index_cast %mul3A_565 : i32 to index
        %get3A_567 = tpu.vector_load %arg6[%get3A_566] {strides = array<i32>} : memref<102400xf32, #tpu.memory_space<vmem>>, vector<16xf32>,
        %add3A_568 = arith.constant 16 : i32
        %add3A_569 = arith.addi %mul3A_565, %add3A_568 : i32
        %get3A_570 = arith.index_cast %add3A_569 : i32 to index
        %get3A_571 = tpu.vector_load %arg6[%get3A_570] {strides = array<i32>} : memref<102400xf32, #tpu.memory_space<vmem>>, vector<16xf32>,
        %max3A_572 = arith.maximumf %get3A_567, %get3A_571 : vector<16xf32>
        %add3A_573 = arith.constant 32 : i32
        %add3A_574 = arith.addi %mul3A_565, %add3A_573 : i32
        %get3A_575 = arith.index_cast %add3A_574 : i32 to index
        %get3A_576 = tpu.vector_load %arg6[%get3A_575] {strides = array<i32>} : memref<102400xf32, #tpu.memory_space<vmem>>, vector<16xf32>,
        %max3A_577 = arith.maximumf %max3A_572, %get3A_576 : vector<16xf32>
        %add3A_578 = arith.constant 48 : i32
        %add3A_579 = arith.addi %mul3A_565, %add3A_578 : i32
        %get3A_580 = arith.index_cast %add3A_579 : i32 to index
        %get3A_581 = tpu.vector_load %arg6[%get3A_580] {strides = array<i32>} : memref<102400xf32, #tpu.memory_space<vmem>>, vector<16xf32>,
        %max3A_582 = arith.maximumf %max3A_577, %get3A_581 : vector<16xf32>
        %add3A_583 = arith.constant 64 : i32
        %add3A_584 = arith.addi %mul3A_565, %add3A_583 : i32
        %get3A_585 = arith.index_cast %add3A_584 : i32 to index
        %get3A_586 = tpu.vector_load %arg6[%get3A_585] {strides = array<i32>} : memref<102400xf32, #tpu.memory_space<vmem>>, vector<16xf32>,
        %max3A_587 = arith.maximumf %max3A_582, %get3A_586 : vector<16xf32>
        %add3A_588 = arith.constant 80 : i32
        %add3A_589 = arith.addi %mul3A_565, %add3A_588 : i32
        %get3A_590 = arith.index_cast %add3A_589 : i32 to index
        %get3A_591 = tpu.vector_load %arg6[%get3A_590] {strides = array<i32>} : memref<102400xf32, #tpu.memory_space<vmem>>, vector<16xf32>,
        %max3A_592 = arith.maximumf %max3A_587, %get3A_591 : vector<16xf32>
        %add3A_593 = arith.constant 96 : i32
        %add3A_594 = arith.addi %mul3A_565, %add3A_593 : i32
        %get3A_595 = arith.index_cast %add3A_594 : i32 to index
        %get3A_596 = tpu.vector_load %arg6[%get3A_595] {strides = array<i32>} : memref<102400xf32, #tpu.memory_space<vmem>>, vector<16xf32>,
        %max3A_597 = arith.maximumf %max3A_592, %get3A_596 : vector<16xf32>
        %add3A_598 = arith.constant 112 : i32
        %add3A_599 = arith.addi %mul3A_565, %add3A_598 : i32
        %get3A_600 = arith.index_cast %add3A_599 : i32 to index
        %get3A_601 = tpu.vector_load %arg6[%get3A_600] {strides = array<i32>} : memref<102400xf32, #tpu.memory_space<vmem>>, vector<16xf32>,
        %max3A_602 = arith.maximumf %max3A_597, %get3A_601 : vector<16xf32>
        %add3A_603 = arith.constant 128 : i32
        %add3A_604 = arith.addi %mul3A_565, %add3A_603 : i32
        %get3A_605 = arith.index_cast %add3A_604 : i32 to index
        %get3A_606 = tpu.vector_load %arg6[%get3A_605] {strides = array<i32>} : memref<102400xf32, #tpu.memory_space<vmem>>, vector<16xf32>,
        %max3A_607 = arith.maximumf %max3A_602, %get3A_606 : vector<16xf32>
        %add3A_608 = arith.constant 144 : i32
        %add3A_609 = arith.addi %mul3A_565, %add3A_608 : i32
        %get3A_610 = arith.index_cast %add3A_609 : i32 to index
        %get3A_611 = tpu.vector_load %arg6[%get3A_610] {strides = array<i32>} : memref<102400xf32, #tpu.memory_space<vmem>>, vector<16xf32>,
        %max3A_612 = arith.maximumf %max3A_607, %get3A_611 : vector<16xf32>
        %add3A_613 = arith.constant 160 : i32
        %add3A_614 = arith.addi %mul3A_565, %add3A_613 : i32
        %get3A_615 = arith.index_cast %add3A_614 : i32 to index
        %get3A_616 = tpu.vector_load %arg6[%get3A_615] {strides = array<i32>} : memref<102400xf32, #tpu.memory_space<vmem>>, vector<16xf32>,
        %max3A_617 = arith.maximumf %max3A_612, %get3A_616 : vector<16xf32>
        %add3A_618 = arith.constant 176 : i32
        %add3A_619 = arith.addi %mul3A_565, %add3A_618 : i32
        %get3A_620 = arith.index_cast %add3A_619 : i32 to index
        %get3A_621 = tpu.vector_load %arg6[%get3A_620] {strides = array<i32>} : memref<102400xf32, #tpu.memory_space<vmem>>, vector<16xf32>,
        %max3A_622 = arith.maximumf %max3A_617, %get3A_621 : vector<16xf32>
        %add3A_623 = arith.constant 192 : i32
        %add3A_624 = arith.addi %mul3A_565, %add3A_623 : i32
        %get3A_625 = arith.index_cast %add3A_624 : i32 to index
        %get3A_626 = tpu.vector_load %arg6[%get3A_625] {strides = array<i32>} : memref<102400xf32, #tpu.memory_space<vmem>>, vector<16xf32>,
        %max3A_627 = arith.maximumf %max3A_622, %get3A_626 : vector<16xf32>
        %add3A_628 = arith.constant 208 : i32
        %add3A_629 = arith.addi %mul3A_565, %add3A_628 : i32
        %get3A_630 = arith.index_cast %add3A_629 : i32 to index
        %get3A_631 = tpu.vector_load %arg6[%get3A_630] {strides = array<i32>} : memref<102400xf32, #tpu.memory_space<vmem>>, vector<16xf32>,
        %max3A_632 = arith.maximumf %max3A_627, %get3A_631 : vector<16xf32>
        %add3A_633 = arith.constant 224 : i32
        %add3A_634 = arith.addi %mul3A_565, %add3A_633 : i32
        %get3A_635 = arith.index_cast %add3A_634 : i32 to index
        %get3A_636 = tpu.vector_load %arg6[%get3A_635] {strides = array<i32>} : memref<102400xf32, #tpu.memory_space<vmem>>, vector<16xf32>,
        %max3A_637 = arith.maximumf %max3A_632, %get3A_636 : vector<16xf32>
        %add3A_638 = arith.constant 240 : i32
        %add3A_639 = arith.addi %mul3A_565, %add3A_638 : i32
        %get3A_640 = arith.index_cast %add3A_639 : i32 to index
        %get3A_641 = tpu.vector_load %arg6[%get3A_640] {strides = array<i32>} : memref<102400xf32, #tpu.memory_space<vmem>>, vector<16xf32>,
        %max3A_642 = arith.maximumf %max3A_637, %get3A_641 : vector<16xf32>
        %mul3A_643 = arith.constant 16 : i32
        %mul3A_644 = arith.muli %add3A_563, %mul3A_643 : i32
        %swap3A_645 = arith.index_cast %mul3A_644 : i32 to index
        %swap3A_646 = tpu.vector_load %arg7[%swap3A_645] {strides = array<i32>} : memref<6400xf32, #tpu.memory_space<vmem>>, vector<16xf32>,
        tpu.vector_store %arg7[%swap3A_645], %max3A_642 {strides = array<i32>} : memref<6400xf32, #tpu.memory_space<vmem>>, vector<16xf32>,
        %max3A_647 = arith.maximumf %scan3A_561, %max3A_642 : vector<16xf32>
        scf.yield %max3A_647 : vector<16xf32>
      }
      %scan3A_166 = arith.constant 25 : i32
      %swap3A_167 = arith.constant 80 : index
      %swap3A_168 = tpu.vector_load %arg8[%swap3A_167] {strides = array<i32>} : memref<256xf32, #tpu.memory_space<vmem>>, vector<16xf32>,
      tpu.vector_store %arg8[%swap3A_167], %scan3A_165 {strides = array<i32>} : memref<256xf32, #tpu.memory_space<vmem>>, vector<16xf32>,
      %dma_wait3A_169 = arith.constant 38400 : i32
      %dma_wait3A_170 = tpu.memref_slice %arg6[%dma_wait3A_169] : memref<102400xf32, #tpu.memory_space<vmem>> -> memref<6400xf32, #tpu.memory_space<vmem>>
      %dma_wait3A_171 = tpu.memref_slice %arg2[%add3A_132] : memref<12800000xf32, #tpu.memory_space<hbm>> -> memref<6400xf32, #tpu.memory_space<hbm>>
      %dma_wait3A_172 = arith.constant 38400 : i32
      %dma_wait3A_173 = tpu.memref_slice %arg6[%dma_wait3A_172] : memref<102400xf32, #tpu.memory_space<vmem>> -> memref<6400xf32, #tpu.memory_space<vmem>>
      %dma_wait3A_174 = tpu.memref_slice %arg2[%add3A_132] : memref<12800000xf32, #tpu.memory_space<hbm>> -> memref<6400xf32, #tpu.memory_space<hbm>>
      tpu.wait_dma2 semaphore(%arg17 : memref<!tpu.dma_semaphore, #tpu.memory_space<semaphore_mem>>) src(%dma_wait3A_174 : memref<6400xf32, #tpu.memory_space<hbm>>) dst(%dma_wait3A_173 : memref<6400xf32, #tpu.memory_space<vmem>>)
      %add3A_175 = arith.constant 51200 : i32
      %add3A_176 = arith.addi %mul3A_23, %add3A_175 : i32
      %dma_start3A_177 = arith.constant 51200 : i32
      %dma_start3A_178 = tpu.memref_slice %arg6[%dma_start3A_177] : memref<102400xf32, #tpu.memory_space<vmem>> -> memref<6400xf32, #tpu.memory_space<vmem>>
      %dma_start3A_179 = tpu.memref_slice %arg2[%add3A_176] : memref<12800000xf32, #tpu.memory_space<hbm>> -> memref<6400xf32, #tpu.memory_space<hbm>>
      %dma_start3A_180 = arith.constant 51200 : i32
      %dma_start3A_181 = tpu.memref_slice %arg6[%dma_start3A_180] : memref<102400xf32, #tpu.memory_space<vmem>> -> memref<6400xf32, #tpu.memory_space<vmem>>
      %dma_start3A_182 = tpu.memref_slice %arg2[%add3A_176] : memref<12800000xf32, #tpu.memory_space<hbm>> -> memref<6400xf32, #tpu.memory_space<hbm>>
      tpu.enqueue_dma source(%dma_start3A_182 : memref<6400xf32, #tpu.memory_space<hbm>>) target(%dma_start3A_181 : memref<6400xf32, #tpu.memory_space<vmem>>) target_semaphore(%arg17 : memref<!tpu.dma_semaphore, #tpu.memory_space<semaphore_mem>>)
      %scan3A_183 = arith.constant 0 : i32
      %scan3A_184 = arith.constant 25 : i32
      %scan3A_185 = arith.addi %scan3A_183, %scan3A_184 : i32
      %scan3A_186 = arith.constant 1 : i32
      %scan3A_187 = scf.for %scan3A_560 = %scan3A_183 to %scan3A_185 step %scan3A_186 iter_args(%scan3A_561 = %broadcast_in_dim3A_3) -> (vector<16xf32>)  : i32 {
        %add3A_562 = arith.constant 150 : i32
        %add3A_563 = arith.addi %add3A_562, %scan3A_560 : i32
        %mul3A_564 = arith.constant 256 : i32
        %mul3A_565 = arith.muli %add3A_563, %mul3A_564 : i32
        %get3A_566 = arith.index_cast %mul3A_565 : i32 to index
        %get3A_567 = tpu.vector_load %arg6[%get3A_566] {strides = array<i32>} : memref<102400xf32, #tpu.memory_space<vmem>>, vector<16xf32>,
        %add3A_568 = arith.constant 16 : i32
        %add3A_569 = arith.addi %mul3A_565, %add3A_568 : i32
        %get3A_570 = arith.index_cast %add3A_569 : i32 to index
        %get3A_571 = tpu.vector_load %arg6[%get3A_570] {strides = array<i32>} : memref<102400xf32, #tpu.memory_space<vmem>>, vector<16xf32>,
        %max3A_572 = arith.maximumf %get3A_567, %get3A_571 : vector<16xf32>
        %add3A_573 = arith.constant 32 : i32
        %add3A_574 = arith.addi %mul3A_565, %add3A_573 : i32
        %get3A_575 = arith.index_cast %add3A_574 : i32 to index
        %get3A_576 = tpu.vector_load %arg6[%get3A_575] {strides = array<i32>} : memref<102400xf32, #tpu.memory_space<vmem>>, vector<16xf32>,
        %max3A_577 = arith.maximumf %max3A_572, %get3A_576 : vector<16xf32>
        %add3A_578 = arith.constant 48 : i32
        %add3A_579 = arith.addi %mul3A_565, %add3A_578 : i32
        %get3A_580 = arith.index_cast %add3A_579 : i32 to index
        %get3A_581 = tpu.vector_load %arg6[%get3A_580] {strides = array<i32>} : memref<102400xf32, #tpu.memory_space<vmem>>, vector<16xf32>,
        %max3A_582 = arith.maximumf %max3A_577, %get3A_581 : vector<16xf32>
        %add3A_583 = arith.constant 64 : i32
        %add3A_584 = arith.addi %mul3A_565, %add3A_583 : i32
        %get3A_585 = arith.index_cast %add3A_584 : i32 to index
        %get3A_586 = tpu.vector_load %arg6[%get3A_585] {strides = array<i32>} : memref<102400xf32, #tpu.memory_space<vmem>>, vector<16xf32>,
        %max3A_587 = arith.maximumf %max3A_582, %get3A_586 : vector<16xf32>
        %add3A_588 = arith.constant 80 : i32
        %add3A_589 = arith.addi %mul3A_565, %add3A_588 : i32
        %get3A_590 = arith.index_cast %add3A_589 : i32 to index
        %get3A_591 = tpu.vector_load %arg6[%get3A_590] {strides = array<i32>} : memref<102400xf32, #tpu.memory_space<vmem>>, vector<16xf32>,
        %max3A_592 = arith.maximumf %max3A_587, %get3A_591 : vector<16xf32>
        %add3A_593 = arith.constant 96 : i32
        %add3A_594 = arith.addi %mul3A_565, %add3A_593 : i32
        %get3A_595 = arith.index_cast %add3A_594 : i32 to index
        %get3A_596 = tpu.vector_load %arg6[%get3A_595] {strides = array<i32>} : memref<102400xf32, #tpu.memory_space<vmem>>, vector<16xf32>,
        %max3A_597 = arith.maximumf %max3A_592, %get3A_596 : vector<16xf32>
        %add3A_598 = arith.constant 112 : i32
        %add3A_599 = arith.addi %mul3A_565, %add3A_598 : i32
        %get3A_600 = arith.index_cast %add3A_599 : i32 to index
        %get3A_601 = tpu.vector_load %arg6[%get3A_600] {strides = array<i32>} : memref<102400xf32, #tpu.memory_space<vmem>>, vector<16xf32>,
        %max3A_602 = arith.maximumf %max3A_597, %get3A_601 : vector<16xf32>
        %add3A_603 = arith.constant 128 : i32
        %add3A_604 = arith.addi %mul3A_565, %add3A_603 : i32
        %get3A_605 = arith.index_cast %add3A_604 : i32 to index
        %get3A_606 = tpu.vector_load %arg6[%get3A_605] {strides = array<i32>} : memref<102400xf32, #tpu.memory_space<vmem>>, vector<16xf32>,
        %max3A_607 = arith.maximumf %max3A_602, %get3A_606 : vector<16xf32>
        %add3A_608 = arith.constant 144 : i32
        %add3A_609 = arith.addi %mul3A_565, %add3A_608 : i32
        %get3A_610 = arith.index_cast %add3A_609 : i32 to index
        %get3A_611 = tpu.vector_load %arg6[%get3A_610] {strides = array<i32>} : memref<102400xf32, #tpu.memory_space<vmem>>, vector<16xf32>,
        %max3A_612 = arith.maximumf %max3A_607, %get3A_611 : vector<16xf32>
        %add3A_613 = arith.constant 160 : i32
        %add3A_614 = arith.addi %mul3A_565, %add3A_613 : i32
        %get3A_615 = arith.index_cast %add3A_614 : i32 to index
        %get3A_616 = tpu.vector_load %arg6[%get3A_615] {strides = array<i32>} : memref<102400xf32, #tpu.memory_space<vmem>>, vector<16xf32>,
        %max3A_617 = arith.maximumf %max3A_612, %get3A_616 : vector<16xf32>
        %add3A_618 = arith.constant 176 : i32
        %add3A_619 = arith.addi %mul3A_565, %add3A_618 : i32
        %get3A_620 = arith.index_cast %add3A_619 : i32 to index
        %get3A_621 = tpu.vector_load %arg6[%get3A_620] {strides = array<i32>} : memref<102400xf32, #tpu.memory_space<vmem>>, vector<16xf32>,
        %max3A_622 = arith.maximumf %max3A_617, %get3A_621 : vector<16xf32>
        %add3A_623 = arith.constant 192 : i32
        %add3A_624 = arith.addi %mul3A_565, %add3A_623 : i32
        %get3A_625 = arith.index_cast %add3A_624 : i32 to index
        %get3A_626 = tpu.vector_load %arg6[%get3A_625] {strides = array<i32>} : memref<102400xf32, #tpu.memory_space<vmem>>, vector<16xf32>,
        %max3A_627 = arith.maximumf %max3A_622, %get3A_626 : vector<16xf32>
        %add3A_628 = arith.constant 208 : i32
        %add3A_629 = arith.addi %mul3A_565, %add3A_628 : i32
        %get3A_630 = arith.index_cast %add3A_629 : i32 to index
        %get3A_631 = tpu.vector_load %arg6[%get3A_630] {strides = array<i32>} : memref<102400xf32, #tpu.memory_space<vmem>>, vector<16xf32>,
        %max3A_632 = arith.maximumf %max3A_627, %get3A_631 : vector<16xf32>
        %add3A_633 = arith.constant 224 : i32
        %add3A_634 = arith.addi %mul3A_565, %add3A_633 : i32
        %get3A_635 = arith.index_cast %add3A_634 : i32 to index
        %get3A_636 = tpu.vector_load %arg6[%get3A_635] {strides = array<i32>} : memref<102400xf32, #tpu.memory_space<vmem>>, vector<16xf32>,
        %max3A_637 = arith.maximumf %max3A_632, %get3A_636 : vector<16xf32>
        %add3A_638 = arith.constant 240 : i32
        %add3A_639 = arith.addi %mul3A_565, %add3A_638 : i32
        %get3A_640 = arith.index_cast %add3A_639 : i32 to index
        %get3A_641 = tpu.vector_load %arg6[%get3A_640] {strides = array<i32>} : memref<102400xf32, #tpu.memory_space<vmem>>, vector<16xf32>,
        %max3A_642 = arith.maximumf %max3A_637, %get3A_641 : vector<16xf32>
        %mul3A_643 = arith.constant 16 : i32
        %mul3A_644 = arith.muli %add3A_563, %mul3A_643 : i32
        %swap3A_645 = arith.index_cast %mul3A_644 : i32 to index
        %swap3A_646 = tpu.vector_load %arg7[%swap3A_645] {strides = array<i32>} : memref<6400xf32, #tpu.memory_space<vmem>>, vector<16xf32>,
        tpu.vector_store %arg7[%swap3A_645], %max3A_642 {strides = array<i32>} : memref<6400xf32, #tpu.memory_space<vmem>>, vector<16xf32>,
        %max3A_647 = arith.maximumf %scan3A_561, %max3A_642 : vector<16xf32>
        scf.yield %max3A_647 : vector<16xf32>
      }
      %scan3A_188 = arith.constant 25 : i32
      %swap3A_189 = arith.constant 96 : index
      %swap3A_190 = tpu.vector_load %arg8[%swap3A_189] {strides = array<i32>} : memref<256xf32, #tpu.memory_space<vmem>>, vector<16xf32>,
      tpu.vector_store %arg8[%swap3A_189], %scan3A_187 {strides = array<i32>} : memref<256xf32, #tpu.memory_space<vmem>>, vector<16xf32>,
      %dma_wait3A_191 = arith.constant 44800 : i32
      %dma_wait3A_192 = tpu.memref_slice %arg6[%dma_wait3A_191] : memref<102400xf32, #tpu.memory_space<vmem>> -> memref<6400xf32, #tpu.memory_space<vmem>>
      %dma_wait3A_193 = tpu.memref_slice %arg2[%add3A_154] : memref<12800000xf32, #tpu.memory_space<hbm>> -> memref<6400xf32, #tpu.memory_space<hbm>>
      %dma_wait3A_194 = arith.constant 44800 : i32
      %dma_wait3A_195 = tpu.memref_slice %arg6[%dma_wait3A_194] : memref<102400xf32, #tpu.memory_space<vmem>> -> memref<6400xf32, #tpu.memory_space<vmem>>
      %dma_wait3A_196 = tpu.memref_slice %arg2[%add3A_154] : memref<12800000xf32, #tpu.memory_space<hbm>> -> memref<6400xf32, #tpu.memory_space<hbm>>
      tpu.wait_dma2 semaphore(%arg18 : memref<!tpu.dma_semaphore, #tpu.memory_space<semaphore_mem>>) src(%dma_wait3A_196 : memref<6400xf32, #tpu.memory_space<hbm>>) dst(%dma_wait3A_195 : memref<6400xf32, #tpu.memory_space<vmem>>)
      %add3A_197 = arith.constant 57600 : i32
      %add3A_198 = arith.addi %mul3A_23, %add3A_197 : i32
      %dma_start3A_199 = arith.constant 57600 : i32
      %dma_start3A_200 = tpu.memref_slice %arg6[%dma_start3A_199] : memref<102400xf32, #tpu.memory_space<vmem>> -> memref<6400xf32, #tpu.memory_space<vmem>>
      %dma_start3A_201 = tpu.memref_slice %arg2[%add3A_198] : memref<12800000xf32, #tpu.memory_space<hbm>> -> memref<6400xf32, #tpu.memory_space<hbm>>
      %dma_start3A_202 = arith.constant 57600 : i32
      %dma_start3A_203 = tpu.memref_slice %arg6[%dma_start3A_202] : memref<102400xf32, #tpu.memory_space<vmem>> -> memref<6400xf32, #tpu.memory_space<vmem>>
      %dma_start3A_204 = tpu.memref_slice %arg2[%add3A_198] : memref<12800000xf32, #tpu.memory_space<hbm>> -> memref<6400xf32, #tpu.memory_space<hbm>>
      tpu.enqueue_dma source(%dma_start3A_204 : memref<6400xf32, #tpu.memory_space<hbm>>) target(%dma_start3A_203 : memref<6400xf32, #tpu.memory_space<vmem>>) target_semaphore(%arg18 : memref<!tpu.dma_semaphore, #tpu.memory_space<semaphore_mem>>)
      %scan3A_205 = arith.constant 0 : i32
      %scan3A_206 = arith.constant 25 : i32
      %scan3A_207 = arith.addi %scan3A_205, %scan3A_206 : i32
      %scan3A_208 = arith.constant 1 : i32
      %scan3A_209 = scf.for %scan3A_560 = %scan3A_205 to %scan3A_207 step %scan3A_208 iter_args(%scan3A_561 = %broadcast_in_dim3A_3) -> (vector<16xf32>)  : i32 {
        %add3A_562 = arith.constant 175 : i32
        %add3A_563 = arith.addi %add3A_562, %scan3A_560 : i32
        %mul3A_564 = arith.constant 256 : i32
        %mul3A_565 = arith.muli %add3A_563, %mul3A_564 : i32
        %get3A_566 = arith.index_cast %mul3A_565 : i32 to index
        %get3A_567 = tpu.vector_load %arg6[%get3A_566] {strides = array<i32>} : memref<102400xf32, #tpu.memory_space<vmem>>, vector<16xf32>,
        %add3A_568 = arith.constant 16 : i32
        %add3A_569 = arith.addi %mul3A_565, %add3A_568 : i32
        %get3A_570 = arith.index_cast %add3A_569 : i32 to index
        %get3A_571 = tpu.vector_load %arg6[%get3A_570] {strides = array<i32>} : memref<102400xf32, #tpu.memory_space<vmem>>, vector<16xf32>,
        %max3A_572 = arith.maximumf %get3A_567, %get3A_571 : vector<16xf32>
        %add3A_573 = arith.constant 32 : i32
        %add3A_574 = arith.addi %mul3A_565, %add3A_573 : i32
        %get3A_575 = arith.index_cast %add3A_574 : i32 to index
        %get3A_576 = tpu.vector_load %arg6[%get3A_575] {strides = array<i32>} : memref<102400xf32, #tpu.memory_space<vmem>>, vector<16xf32>,
        %max3A_577 = arith.maximumf %max3A_572, %get3A_576 : vector<16xf32>
        %add3A_578 = arith.constant 48 : i32
        %add3A_579 = arith.addi %mul3A_565, %add3A_578 : i32
        %get3A_580 = arith.index_cast %add3A_579 : i32 to index
        %get3A_581 = tpu.vector_load %arg6[%get3A_580] {strides = array<i32>} : memref<102400xf32, #tpu.memory_space<vmem>>, vector<16xf32>,
        %max3A_582 = arith.maximumf %max3A_577, %get3A_581 : vector<16xf32>
        %add3A_583 = arith.constant 64 : i32
        %add3A_584 = arith.addi %mul3A_565, %add3A_583 : i32
        %get3A_585 = arith.index_cast %add3A_584 : i32 to index
        %get3A_586 = tpu.vector_load %arg6[%get3A_585] {strides = array<i32>} : memref<102400xf32, #tpu.memory_space<vmem>>, vector<16xf32>,
        %max3A_587 = arith.maximumf %max3A_582, %get3A_586 : vector<16xf32>
        %add3A_588 = arith.constant 80 : i32
        %add3A_589 = arith.addi %mul3A_565, %add3A_588 : i32
        %get3A_590 = arith.index_cast %add3A_589 : i32 to index
        %get3A_591 = tpu.vector_load %arg6[%get3A_590] {strides = array<i32>} : memref<102400xf32, #tpu.memory_space<vmem>>, vector<16xf32>,
        %max3A_592 = arith.maximumf %max3A_587, %get3A_591 : vector<16xf32>
        %add3A_593 = arith.constant 96 : i32
        %add3A_594 = arith.addi %mul3A_565, %add3A_593 : i32
        %get3A_595 = arith.index_cast %add3A_594 : i32 to index
        %get3A_596 = tpu.vector_load %arg6[%get3A_595] {strides = array<i32>} : memref<102400xf32, #tpu.memory_space<vmem>>, vector<16xf32>,
        %max3A_597 = arith.maximumf %max3A_592, %get3A_596 : vector<16xf32>
        %add3A_598 = arith.constant 112 : i32
        %add3A_599 = arith.addi %mul3A_565, %add3A_598 : i32
        %get3A_600 = arith.index_cast %add3A_599 : i32 to index
        %get3A_601 = tpu.vector_load %arg6[%get3A_600] {strides = array<i32>} : memref<102400xf32, #tpu.memory_space<vmem>>, vector<16xf32>,
        %max3A_602 = arith.maximumf %max3A_597, %get3A_601 : vector<16xf32>
        %add3A_603 = arith.constant 128 : i32
        %add3A_604 = arith.addi %mul3A_565, %add3A_603 : i32
        %get3A_605 = arith.index_cast %add3A_604 : i32 to index
        %get3A_606 = tpu.vector_load %arg6[%get3A_605] {strides = array<i32>} : memref<102400xf32, #tpu.memory_space<vmem>>, vector<16xf32>,
        %max3A_607 = arith.maximumf %max3A_602, %get3A_606 : vector<16xf32>
        %add3A_608 = arith.constant 144 : i32
        %add3A_609 = arith.addi %mul3A_565, %add3A_608 : i32
        %get3A_610 = arith.index_cast %add3A_609 : i32 to index
        %get3A_611 = tpu.vector_load %arg6[%get3A_610] {strides = array<i32>} : memref<102400xf32, #tpu.memory_space<vmem>>, vector<16xf32>,
        %max3A_612 = arith.maximumf %max3A_607, %get3A_611 : vector<16xf32>
        %add3A_613 = arith.constant 160 : i32
        %add3A_614 = arith.addi %mul3A_565, %add3A_613 : i32
        %get3A_615 = arith.index_cast %add3A_614 : i32 to index
        %get3A_616 = tpu.vector_load %arg6[%get3A_615] {strides = array<i32>} : memref<102400xf32, #tpu.memory_space<vmem>>, vector<16xf32>,
        %max3A_617 = arith.maximumf %max3A_612, %get3A_616 : vector<16xf32>
        %add3A_618 = arith.constant 176 : i32
        %add3A_619 = arith.addi %mul3A_565, %add3A_618 : i32
        %get3A_620 = arith.index_cast %add3A_619 : i32 to index
        %get3A_621 = tpu.vector_load %arg6[%get3A_620] {strides = array<i32>} : memref<102400xf32, #tpu.memory_space<vmem>>, vector<16xf32>,
        %max3A_622 = arith.maximumf %max3A_617, %get3A_621 : vector<16xf32>
        %add3A_623 = arith.constant 192 : i32
        %add3A_624 = arith.addi %mul3A_565, %add3A_623 : i32
        %get3A_625 = arith.index_cast %add3A_624 : i32 to index
        %get3A_626 = tpu.vector_load %arg6[%get3A_625] {strides = array<i32>} : memref<102400xf32, #tpu.memory_space<vmem>>, vector<16xf32>,
        %max3A_627 = arith.maximumf %max3A_622, %get3A_626 : vector<16xf32>
        %add3A_628 = arith.constant 208 : i32
        %add3A_629 = arith.addi %mul3A_565, %add3A_628 : i32
        %get3A_630 = arith.index_cast %add3A_629 : i32 to index
        %get3A_631 = tpu.vector_load %arg6[%get3A_630] {strides = array<i32>} : memref<102400xf32, #tpu.memory_space<vmem>>, vector<16xf32>,
        %max3A_632 = arith.maximumf %max3A_627, %get3A_631 : vector<16xf32>
        %add3A_633 = arith.constant 224 : i32
        %add3A_634 = arith.addi %mul3A_565, %add3A_633 : i32
        %get3A_635 = arith.index_cast %add3A_634 : i32 to index
        %get3A_636 = tpu.vector_load %arg6[%get3A_635] {strides = array<i32>} : memref<102400xf32, #tpu.memory_space<vmem>>, vector<16xf32>,
        %max3A_637 = arith.maximumf %max3A_632, %get3A_636 : vector<16xf32>
        %add3A_638 = arith.constant 240 : i32
        %add3A_639 = arith.addi %mul3A_565, %add3A_638 : i32
        %get3A_640 = arith.index_cast %add3A_639 : i32 to index
        %get3A_641 = tpu.vector_load %arg6[%get3A_640] {strides = array<i32>} : memref<102400xf32, #tpu.memory_space<vmem>>, vector<16xf32>,
        %max3A_642 = arith.maximumf %max3A_637, %get3A_641 : vector<16xf32>
        %mul3A_643 = arith.constant 16 : i32
        %mul3A_644 = arith.muli %add3A_563, %mul3A_643 : i32
        %swap3A_645 = arith.index_cast %mul3A_644 : i32 to index
        %swap3A_646 = tpu.vector_load %arg7[%swap3A_645] {strides = array<i32>} : memref<6400xf32, #tpu.memory_space<vmem>>, vector<16xf32>,
        tpu.vector_store %arg7[%swap3A_645], %max3A_642 {strides = array<i32>} : memref<6400xf32, #tpu.memory_space<vmem>>, vector<16xf32>,
        %max3A_647 = arith.maximumf %scan3A_561, %max3A_642 : vector<16xf32>
        scf.yield %max3A_647 : vector<16xf32>
      }
      %scan3A_210 = arith.constant 25 : i32
      %swap3A_211 = arith.constant 112 : index
      %swap3A_212 = tpu.vector_load %arg8[%swap3A_211] {strides = array<i32>} : memref<256xf32, #tpu.memory_space<vmem>>, vector<16xf32>,
      tpu.vector_store %arg8[%swap3A_211], %scan3A_209 {strides = array<i32>} : memref<256xf32, #tpu.memory_space<vmem>>, vector<16xf32>,
      %dma_wait3A_213 = arith.constant 51200 : i32
      %dma_wait3A_214 = tpu.memref_slice %arg6[%dma_wait3A_213] : memref<102400xf32, #tpu.memory_space<vmem>> -> memref<6400xf32, #tpu.memory_space<vmem>>
      %dma_wait3A_215 = tpu.memref_slice %arg2[%add3A_176] : memref<12800000xf32, #tpu.memory_space<hbm>> -> memref<6400xf32, #tpu.memory_space<hbm>>
      %dma_wait3A_216 = arith.constant 51200 : i32
      %dma_wait3A_217 = tpu.memref_slice %arg6[%dma_wait3A_216] : memref<102400xf32, #tpu.memory_space<vmem>> -> memref<6400xf32, #tpu.memory_space<vmem>>
      %dma_wait3A_218 = tpu.memref_slice %arg2[%add3A_176] : memref<12800000xf32, #tpu.memory_space<hbm>> -> memref<6400xf32, #tpu.memory_space<hbm>>
      tpu.wait_dma2 semaphore(%arg17 : memref<!tpu.dma_semaphore, #tpu.memory_space<semaphore_mem>>) src(%dma_wait3A_218 : memref<6400xf32, #tpu.memory_space<hbm>>) dst(%dma_wait3A_217 : memref<6400xf32, #tpu.memory_space<vmem>>)
      %add3A_219 = arith.constant 64000 : i32
      %add3A_220 = arith.addi %mul3A_23, %add3A_219 : i32
      %dma_start3A_221 = arith.constant 64000 : i32
      %dma_start3A_222 = tpu.memref_slice %arg6[%dma_start3A_221] : memref<102400xf32, #tpu.memory_space<vmem>> -> memref<6400xf32, #tpu.memory_space<vmem>>
      %dma_start3A_223 = tpu.memref_slice %arg2[%add3A_220] : memref<12800000xf32, #tpu.memory_space<hbm>> -> memref<6400xf32, #tpu.memory_space<hbm>>
      %dma_start3A_224 = arith.constant 64000 : i32
      %dma_start3A_225 = tpu.memref_slice %arg6[%dma_start3A_224] : memref<102400xf32, #tpu.memory_space<vmem>> -> memref<6400xf32, #tpu.memory_space<vmem>>
      %dma_start3A_226 = tpu.memref_slice %arg2[%add3A_220] : memref<12800000xf32, #tpu.memory_space<hbm>> -> memref<6400xf32, #tpu.memory_space<hbm>>
      tpu.enqueue_dma source(%dma_start3A_226 : memref<6400xf32, #tpu.memory_space<hbm>>) target(%dma_start3A_225 : memref<6400xf32, #tpu.memory_space<vmem>>) target_semaphore(%arg17 : memref<!tpu.dma_semaphore, #tpu.memory_space<semaphore_mem>>)
      %scan3A_227 = arith.constant 0 : i32
      %scan3A_228 = arith.constant 25 : i32
      %scan3A_229 = arith.addi %scan3A_227, %scan3A_228 : i32
      %scan3A_230 = arith.constant 1 : i32
      %scan3A_231 = scf.for %scan3A_560 = %scan3A_227 to %scan3A_229 step %scan3A_230 iter_args(%scan3A_561 = %broadcast_in_dim3A_3) -> (vector<16xf32>)  : i32 {
        %add3A_562 = arith.constant 200 : i32
        %add3A_563 = arith.addi %add3A_562, %scan3A_560 : i32
        %mul3A_564 = arith.constant 256 : i32
        %mul3A_565 = arith.muli %add3A_563, %mul3A_564 : i32
        %get3A_566 = arith.index_cast %mul3A_565 : i32 to index
        %get3A_567 = tpu.vector_load %arg6[%get3A_566] {strides = array<i32>} : memref<102400xf32, #tpu.memory_space<vmem>>, vector<16xf32>,
        %add3A_568 = arith.constant 16 : i32
        %add3A_569 = arith.addi %mul3A_565, %add3A_568 : i32
        %get3A_570 = arith.index_cast %add3A_569 : i32 to index
        %get3A_571 = tpu.vector_load %arg6[%get3A_570] {strides = array<i32>} : memref<102400xf32, #tpu.memory_space<vmem>>, vector<16xf32>,
        %max3A_572 = arith.maximumf %get3A_567, %get3A_571 : vector<16xf32>
        %add3A_573 = arith.constant 32 : i32
        %add3A_574 = arith.addi %mul3A_565, %add3A_573 : i32
        %get3A_575 = arith.index_cast %add3A_574 : i32 to index
        %get3A_576 = tpu.vector_load %arg6[%get3A_575] {strides = array<i32>} : memref<102400xf32, #tpu.memory_space<vmem>>, vector<16xf32>,
        %max3A_577 = arith.maximumf %max3A_572, %get3A_576 : vector<16xf32>
        %add3A_578 = arith.constant 48 : i32
        %add3A_579 = arith.addi %mul3A_565, %add3A_578 : i32
        %get3A_580 = arith.index_cast %add3A_579 : i32 to index
        %get3A_581 = tpu.vector_load %arg6[%get3A_580] {strides = array<i32>} : memref<102400xf32, #tpu.memory_space<vmem>>, vector<16xf32>,
        %max3A_582 = arith.maximumf %max3A_577, %get3A_581 : vector<16xf32>
        %add3A_583 = arith.constant 64 : i32
        %add3A_584 = arith.addi %mul3A_565, %add3A_583 : i32
        %get3A_585 = arith.index_cast %add3A_584 : i32 to index
        %get3A_586 = tpu.vector_load %arg6[%get3A_585] {strides = array<i32>} : memref<102400xf32, #tpu.memory_space<vmem>>, vector<16xf32>,
        %max3A_587 = arith.maximumf %max3A_582, %get3A_586 : vector<16xf32>
        %add3A_588 = arith.constant 80 : i32
        %add3A_589 = arith.addi %mul3A_565, %add3A_588 : i32
        %get3A_590 = arith.index_cast %add3A_589 : i32 to index
        %get3A_591 = tpu.vector_load %arg6[%get3A_590] {strides = array<i32>} : memref<102400xf32, #tpu.memory_space<vmem>>, vector<16xf32>,
        %max3A_592 = arith.maximumf %max3A_587, %get3A_591 : vector<16xf32>
        %add3A_593 = arith.constant 96 : i32
        %add3A_594 = arith.addi %mul3A_565, %add3A_593 : i32
        %get3A_595 = arith.index_cast %add3A_594 : i32 to index
        %get3A_596 = tpu.vector_load %arg6[%get3A_595] {strides = array<i32>} : memref<102400xf32, #tpu.memory_space<vmem>>, vector<16xf32>,
        %max3A_597 = arith.maximumf %max3A_592, %get3A_596 : vector<16xf32>
        %add3A_598 = arith.constant 112 : i32
        %add3A_599 = arith.addi %mul3A_565, %add3A_598 : i32
        %get3A_600 = arith.index_cast %add3A_599 : i32 to index
        %get3A_601 = tpu.vector_load %arg6[%get3A_600] {strides = array<i32>} : memref<102400xf32, #tpu.memory_space<vmem>>, vector<16xf32>,
        %max3A_602 = arith.maximumf %max3A_597, %get3A_601 : vector<16xf32>
        %add3A_603 = arith.constant 128 : i32
        %add3A_604 = arith.addi %mul3A_565, %add3A_603 : i32
        %get3A_605 = arith.index_cast %add3A_604 : i32 to index
        %get3A_606 = tpu.vector_load %arg6[%get3A_605] {strides = array<i32>} : memref<102400xf32, #tpu.memory_space<vmem>>, vector<16xf32>,
        %max3A_607 = arith.maximumf %max3A_602, %get3A_606 : vector<16xf32>
        %add3A_608 = arith.constant 144 : i32
        %add3A_609 = arith.addi %mul3A_565, %add3A_608 : i32
        %get3A_610 = arith.index_cast %add3A_609 : i32 to index
        %get3A_611 = tpu.vector_load %arg6[%get3A_610] {strides = array<i32>} : memref<102400xf32, #tpu.memory_space<vmem>>, vector<16xf32>,
        %max3A_612 = arith.maximumf %max3A_607, %get3A_611 : vector<16xf32>
        %add3A_613 = arith.constant 160 : i32
        %add3A_614 = arith.addi %mul3A_565, %add3A_613 : i32
        %get3A_615 = arith.index_cast %add3A_614 : i32 to index
        %get3A_616 = tpu.vector_load %arg6[%get3A_615] {strides = array<i32>} : memref<102400xf32, #tpu.memory_space<vmem>>, vector<16xf32>,
        %max3A_617 = arith.maximumf %max3A_612, %get3A_616 : vector<16xf32>
        %add3A_618 = arith.constant 176 : i32
        %add3A_619 = arith.addi %mul3A_565, %add3A_618 : i32
        %get3A_620 = arith.index_cast %add3A_619 : i32 to index
        %get3A_621 = tpu.vector_load %arg6[%get3A_620] {strides = array<i32>} : memref<102400xf32, #tpu.memory_space<vmem>>, vector<16xf32>,
        %max3A_622 = arith.maximumf %max3A_617, %get3A_621 : vector<16xf32>
        %add3A_623 = arith.constant 192 : i32
        %add3A_624 = arith.addi %mul3A_565, %add3A_623 : i32
        %get3A_625 = arith.index_cast %add3A_624 : i32 to index
        %get3A_626 = tpu.vector_load %arg6[%get3A_625] {strides = array<i32>} : memref<102400xf32, #tpu.memory_space<vmem>>, vector<16xf32>,
        %max3A_627 = arith.maximumf %max3A_622, %get3A_626 : vector<16xf32>
        %add3A_628 = arith.constant 208 : i32
        %add3A_629 = arith.addi %mul3A_565, %add3A_628 : i32
        %get3A_630 = arith.index_cast %add3A_629 : i32 to index
        %get3A_631 = tpu.vector_load %arg6[%get3A_630] {strides = array<i32>} : memref<102400xf32, #tpu.memory_space<vmem>>, vector<16xf32>,
        %max3A_632 = arith.maximumf %max3A_627, %get3A_631 : vector<16xf32>
        %add3A_633 = arith.constant 224 : i32
        %add3A_634 = arith.addi %mul3A_565, %add3A_633 : i32
        %get3A_635 = arith.index_cast %add3A_634 : i32 to index
        %get3A_636 = tpu.vector_load %arg6[%get3A_635] {strides = array<i32>} : memref<102400xf32, #tpu.memory_space<vmem>>, vector<16xf32>,
        %max3A_637 = arith.maximumf %max3A_632, %get3A_636 : vector<16xf32>
        %add3A_638 = arith.constant 240 : i32
        %add3A_639 = arith.addi %mul3A_565, %add3A_638 : i32
        %get3A_640 = arith.index_cast %add3A_639 : i32 to index
        %get3A_641 = tpu.vector_load %arg6[%get3A_640] {strides = array<i32>} : memref<102400xf32, #tpu.memory_space<vmem>>, vector<16xf32>,
        %max3A_642 = arith.maximumf %max3A_637, %get3A_641 : vector<16xf32>
        %mul3A_643 = arith.constant 16 : i32
        %mul3A_644 = arith.muli %add3A_563, %mul3A_643 : i32
        %swap3A_645 = arith.index_cast %mul3A_644 : i32 to index
        %swap3A_646 = tpu.vector_load %arg7[%swap3A_645] {strides = array<i32>} : memref<6400xf32, #tpu.memory_space<vmem>>, vector<16xf32>,
        tpu.vector_store %arg7[%swap3A_645], %max3A_642 {strides = array<i32>} : memref<6400xf32, #tpu.memory_space<vmem>>, vector<16xf32>,
        %max3A_647 = arith.maximumf %scan3A_561, %max3A_642 : vector<16xf32>
        scf.yield %max3A_647 : vector<16xf32>
      }
      %scan3A_232 = arith.constant 25 : i32
      %swap3A_233 = arith.constant 128 : index
      %swap3A_234 = tpu.vector_load %arg8[%swap3A_233] {strides = array<i32>} : memref<256xf32, #tpu.memory_space<vmem>>, vector<16xf32>,
      tpu.vector_store %arg8[%swap3A_233], %scan3A_231 {strides = array<i32>} : memref<256xf32, #tpu.memory_space<vmem>>, vector<16xf32>,
      %dma_wait3A_235 = arith.constant 57600 : i32
      %dma_wait3A_236 = tpu.memref_slice %arg6[%dma_wait3A_235] : memref<102400xf32, #tpu.memory_space<vmem>> -> memref<6400xf32, #tpu.memory_space<vmem>>
      %dma_wait3A_237 = tpu.memref_slice %arg2[%add3A_198] : memref<12800000xf32, #tpu.memory_space<hbm>> -> memref<6400xf32, #tpu.memory_space<hbm>>
      %dma_wait3A_238 = arith.constant 57600 : i32
      %dma_wait3A_239 = tpu.memref_slice %arg6[%dma_wait3A_238] : memref<102400xf32, #tpu.memory_space<vmem>> -> memref<6400xf32, #tpu.memory_space<vmem>>
      %dma_wait3A_240 = tpu.memref_slice %arg2[%add3A_198] : memref<12800000xf32, #tpu.memory_space<hbm>> -> memref<6400xf32, #tpu.memory_space<hbm>>
      tpu.wait_dma2 semaphore(%arg18 : memref<!tpu.dma_semaphore, #tpu.memory_space<semaphore_mem>>) src(%dma_wait3A_240 : memref<6400xf32, #tpu.memory_space<hbm>>) dst(%dma_wait3A_239 : memref<6400xf32, #tpu.memory_space<vmem>>)
      %add3A_241 = arith.constant 70400 : i32
      %add3A_242 = arith.addi %mul3A_23, %add3A_241 : i32
      %dma_start3A_243 = arith.constant 70400 : i32
      %dma_start3A_244 = tpu.memref_slice %arg6[%dma_start3A_243] : memref<102400xf32, #tpu.memory_space<vmem>> -> memref<6400xf32, #tpu.memory_space<vmem>>
      %dma_start3A_245 = tpu.memref_slice %arg2[%add3A_242] : memref<12800000xf32, #tpu.memory_space<hbm>> -> memref<6400xf32, #tpu.memory_space<hbm>>
      %dma_start3A_246 = arith.constant 70400 : i32
      %dma_start3A_247 = tpu.memref_slice %arg6[%dma_start3A_246] : memref<102400xf32, #tpu.memory_space<vmem>> -> memref<6400xf32, #tpu.memory_space<vmem>>
      %dma_start3A_248 = tpu.memref_slice %arg2[%add3A_242] : memref<12800000xf32, #tpu.memory_space<hbm>> -> memref<6400xf32, #tpu.memory_space<hbm>>
      tpu.enqueue_dma source(%dma_start3A_248 : memref<6400xf32, #tpu.memory_space<hbm>>) target(%dma_start3A_247 : memref<6400xf32, #tpu.memory_space<vmem>>) target_semaphore(%arg18 : memref<!tpu.dma_semaphore, #tpu.memory_space<semaphore_mem>>)
      %scan3A_249 = arith.constant 0 : i32
      %scan3A_250 = arith.constant 25 : i32
      %scan3A_251 = arith.addi %scan3A_249, %scan3A_250 : i32
      %scan3A_252 = arith.constant 1 : i32
      %scan3A_253 = scf.for %scan3A_560 = %scan3A_249 to %scan3A_251 step %scan3A_252 iter_args(%scan3A_561 = %broadcast_in_dim3A_3) -> (vector<16xf32>)  : i32 {
        %add3A_562 = arith.constant 225 : i32
        %add3A_563 = arith.addi %add3A_562, %scan3A_560 : i32
        %mul3A_564 = arith.constant 256 : i32
        %mul3A_565 = arith.muli %add3A_563, %mul3A_564 : i32
        %get3A_566 = arith.index_cast %mul3A_565 : i32 to index
        %get3A_567 = tpu.vector_load %arg6[%get3A_566] {strides = array<i32>} : memref<102400xf32, #tpu.memory_space<vmem>>, vector<16xf32>,
        %add3A_568 = arith.constant 16 : i32
        %add3A_569 = arith.addi %mul3A_565, %add3A_568 : i32
        %get3A_570 = arith.index_cast %add3A_569 : i32 to index
        %get3A_571 = tpu.vector_load %arg6[%get3A_570] {strides = array<i32>} : memref<102400xf32, #tpu.memory_space<vmem>>, vector<16xf32>,
        %max3A_572 = arith.maximumf %get3A_567, %get3A_571 : vector<16xf32>
        %add3A_573 = arith.constant 32 : i32
        %add3A_574 = arith.addi %mul3A_565, %add3A_573 : i32
        %get3A_575 = arith.index_cast %add3A_574 : i32 to index
        %get3A_576 = tpu.vector_load %arg6[%get3A_575] {strides = array<i32>} : memref<102400xf32, #tpu.memory_space<vmem>>, vector<16xf32>,
        %max3A_577 = arith.maximumf %max3A_572, %get3A_576 : vector<16xf32>
        %add3A_578 = arith.constant 48 : i32
        %add3A_579 = arith.addi %mul3A_565, %add3A_578 : i32
        %get3A_580 = arith.index_cast %add3A_579 : i32 to index
        %get3A_581 = tpu.vector_load %arg6[%get3A_580] {strides = array<i32>} : memref<102400xf32, #tpu.memory_space<vmem>>, vector<16xf32>,
        %max3A_582 = arith.maximumf %max3A_577, %get3A_581 : vector<16xf32>
        %add3A_583 = arith.constant 64 : i32
        %add3A_584 = arith.addi %mul3A_565, %add3A_583 : i32
        %get3A_585 = arith.index_cast %add3A_584 : i32 to index
        %get3A_586 = tpu.vector_load %arg6[%get3A_585] {strides = array<i32>} : memref<102400xf32, #tpu.memory_space<vmem>>, vector<16xf32>,
        %max3A_587 = arith.maximumf %max3A_582, %get3A_586 : vector<16xf32>
        %add3A_588 = arith.constant 80 : i32
        %add3A_589 = arith.addi %mul3A_565, %add3A_588 : i32
        %get3A_590 = arith.index_cast %add3A_589 : i32 to index
        %get3A_591 = tpu.vector_load %arg6[%get3A_590] {strides = array<i32>} : memref<102400xf32, #tpu.memory_space<vmem>>, vector<16xf32>,
        %max3A_592 = arith.maximumf %max3A_587, %get3A_591 : vector<16xf32>
        %add3A_593 = arith.constant 96 : i32
        %add3A_594 = arith.addi %mul3A_565, %add3A_593 : i32
        %get3A_595 = arith.index_cast %add3A_594 : i32 to index
        %get3A_596 = tpu.vector_load %arg6[%get3A_595] {strides = array<i32>} : memref<102400xf32, #tpu.memory_space<vmem>>, vector<16xf32>,
        %max3A_597 = arith.maximumf %max3A_592, %get3A_596 : vector<16xf32>
        %add3A_598 = arith.constant 112 : i32
        %add3A_599 = arith.addi %mul3A_565, %add3A_598 : i32
        %get3A_600 = arith.index_cast %add3A_599 : i32 to index
        %get3A_601 = tpu.vector_load %arg6[%get3A_600] {strides = array<i32>} : memref<102400xf32, #tpu.memory_space<vmem>>, vector<16xf32>,
        %max3A_602 = arith.maximumf %max3A_597, %get3A_601 : vector<16xf32>
        %add3A_603 = arith.constant 128 : i32
        %add3A_604 = arith.addi %mul3A_565, %add3A_603 : i32
        %get3A_605 = arith.index_cast %add3A_604 : i32 to index
        %get3A_606 = tpu.vector_load %arg6[%get3A_605] {strides = array<i32>} : memref<102400xf32, #tpu.memory_space<vmem>>, vector<16xf32>,
        %max3A_607 = arith.maximumf %max3A_602, %get3A_606 : vector<16xf32>
        %add3A_608 = arith.constant 144 : i32
        %add3A_609 = arith.addi %mul3A_565, %add3A_608 : i32
        %get3A_610 = arith.index_cast %add3A_609 : i32 to index
        %get3A_611 = tpu.vector_load %arg6[%get3A_610] {strides = array<i32>} : memref<102400xf32, #tpu.memory_space<vmem>>, vector<16xf32>,
        %max3A_612 = arith.maximumf %max3A_607, %get3A_611 : vector<16xf32>
        %add3A_613 = arith.constant 160 : i32
        %add3A_614 = arith.addi %mul3A_565, %add3A_613 : i32
        %get3A_615 = arith.index_cast %add3A_614 : i32 to index
        %get3A_616 = tpu.vector_load %arg6[%get3A_615] {strides = array<i32>} : memref<102400xf32, #tpu.memory_space<vmem>>, vector<16xf32>,
        %max3A_617 = arith.maximumf %max3A_612, %get3A_616 : vector<16xf32>
        %add3A_618 = arith.constant 176 : i32
        %add3A_619 = arith.addi %mul3A_565, %add3A_618 : i32
        %get3A_620 = arith.index_cast %add3A_619 : i32 to index
        %get3A_621 = tpu.vector_load %arg6[%get3A_620] {strides = array<i32>} : memref<102400xf32, #tpu.memory_space<vmem>>, vector<16xf32>,
        %max3A_622 = arith.maximumf %max3A_617, %get3A_621 : vector<16xf32>
        %add3A_623 = arith.constant 192 : i32
        %add3A_624 = arith.addi %mul3A_565, %add3A_623 : i32
        %get3A_625 = arith.index_cast %add3A_624 : i32 to index
        %get3A_626 = tpu.vector_load %arg6[%get3A_625] {strides = array<i32>} : memref<102400xf32, #tpu.memory_space<vmem>>, vector<16xf32>,
        %max3A_627 = arith.maximumf %max3A_622, %get3A_626 : vector<16xf32>
        %add3A_628 = arith.constant 208 : i32
        %add3A_629 = arith.addi %mul3A_565, %add3A_628 : i32
        %get3A_630 = arith.index_cast %add3A_629 : i32 to index
        %get3A_631 = tpu.vector_load %arg6[%get3A_630] {strides = array<i32>} : memref<102400xf32, #tpu.memory_space<vmem>>, vector<16xf32>,
        %max3A_632 = arith.maximumf %max3A_627, %get3A_631 : vector<16xf32>
        %add3A_633 = arith.constant 224 : i32
        %add3A_634 = arith.addi %mul3A_565, %add3A_633 : i32
        %get3A_635 = arith.index_cast %add3A_634 : i32 to index
        %get3A_636 = tpu.vector_load %arg6[%get3A_635] {strides = array<i32>} : memref<102400xf32, #tpu.memory_space<vmem>>, vector<16xf32>,
        %max3A_637 = arith.maximumf %max3A_632, %get3A_636 : vector<16xf32>
        %add3A_638 = arith.constant 240 : i32
        %add3A_639 = arith.addi %mul3A_565, %add3A_638 : i32
        %get3A_640 = arith.index_cast %add3A_639 : i32 to index
        %get3A_641 = tpu.vector_load %arg6[%get3A_640] {strides = array<i32>} : memref<102400xf32, #tpu.memory_space<vmem>>, vector<16xf32>,
        %max3A_642 = arith.maximumf %max3A_637, %get3A_641 : vector<16xf32>
        %mul3A_643 = arith.constant 16 : i32
        %mul3A_644 = arith.muli %add3A_563, %mul3A_643 : i32
        %swap3A_645 = arith.index_cast %mul3A_644 : i32 to index
        %swap3A_646 = tpu.vector_load %arg7[%swap3A_645] {strides = array<i32>} : memref<6400xf32, #tpu.memory_space<vmem>>, vector<16xf32>,
        tpu.vector_store %arg7[%swap3A_645], %max3A_642 {strides = array<i32>} : memref<6400xf32, #tpu.memory_space<vmem>>, vector<16xf32>,
        %max3A_647 = arith.maximumf %scan3A_561, %max3A_642 : vector<16xf32>
        scf.yield %max3A_647 : vector<16xf32>
      }
      %scan3A_254 = arith.constant 25 : i32
      %swap3A_255 = arith.constant 144 : index
      %swap3A_256 = tpu.vector_load %arg8[%swap3A_255] {strides = array<i32>} : memref<256xf32, #tpu.memory_space<vmem>>, vector<16xf32>,
      tpu.vector_store %arg8[%swap3A_255], %scan3A_253 {strides = array<i32>} : memref<256xf32, #tpu.memory_space<vmem>>, vector<16xf32>,
      %dma_wait3A_257 = arith.constant 64000 : i32
      %dma_wait3A_258 = tpu.memref_slice %arg6[%dma_wait3A_257] : memref<102400xf32, #tpu.memory_space<vmem>> -> memref<6400xf32, #tpu.memory_space<vmem>>
      %dma_wait3A_259 = tpu.memref_slice %arg2[%add3A_220] : memref<12800000xf32, #tpu.memory_space<hbm>> -> memref<6400xf32, #tpu.memory_space<hbm>>
      %dma_wait3A_260 = arith.constant 64000 : i32
      %dma_wait3A_261 = tpu.memref_slice %arg6[%dma_wait3A_260] : memref<102400xf32, #tpu.memory_space<vmem>> -> memref<6400xf32, #tpu.memory_space<vmem>>
      %dma_wait3A_262 = tpu.memref_slice %arg2[%add3A_220] : memref<12800000xf32, #tpu.memory_space<hbm>> -> memref<6400xf32, #tpu.memory_space<hbm>>
      tpu.wait_dma2 semaphore(%arg17 : memref<!tpu.dma_semaphore, #tpu.memory_space<semaphore_mem>>) src(%dma_wait3A_262 : memref<6400xf32, #tpu.memory_space<hbm>>) dst(%dma_wait3A_261 : memref<6400xf32, #tpu.memory_space<vmem>>)
      %add3A_263 = arith.constant 76800 : i32
      %add3A_264 = arith.addi %mul3A_23, %add3A_263 : i32
      %dma_start3A_265 = arith.constant 76800 : i32
      %dma_start3A_266 = tpu.memref_slice %arg6[%dma_start3A_265] : memref<102400xf32, #tpu.memory_space<vmem>> -> memref<6400xf32, #tpu.memory_space<vmem>>
      %dma_start3A_267 = tpu.memref_slice %arg2[%add3A_264] : memref<12800000xf32, #tpu.memory_space<hbm>> -> memref<6400xf32, #tpu.memory_space<hbm>>
      %dma_start3A_268 = arith.constant 76800 : i32
      %dma_start3A_269 = tpu.memref_slice %arg6[%dma_start3A_268] : memref<102400xf32, #tpu.memory_space<vmem>> -> memref<6400xf32, #tpu.memory_space<vmem>>
      %dma_start3A_270 = tpu.memref_slice %arg2[%add3A_264] : memref<12800000xf32, #tpu.memory_space<hbm>> -> memref<6400xf32, #tpu.memory_space<hbm>>
      tpu.enqueue_dma source(%dma_start3A_270 : memref<6400xf32, #tpu.memory_space<hbm>>) target(%dma_start3A_269 : memref<6400xf32, #tpu.memory_space<vmem>>) target_semaphore(%arg17 : memref<!tpu.dma_semaphore, #tpu.memory_space<semaphore_mem>>)
      %scan3A_271 = arith.constant 0 : i32
      %scan3A_272 = arith.constant 25 : i32
      %scan3A_273 = arith.addi %scan3A_271, %scan3A_272 : i32
      %scan3A_274 = arith.constant 1 : i32
      %scan3A_275 = scf.for %scan3A_560 = %scan3A_271 to %scan3A_273 step %scan3A_274 iter_args(%scan3A_561 = %broadcast_in_dim3A_3) -> (vector<16xf32>)  : i32 {
        %add3A_562 = arith.constant 250 : i32
        %add3A_563 = arith.addi %add3A_562, %scan3A_560 : i32
        %mul3A_564 = arith.constant 256 : i32
        %mul3A_565 = arith.muli %add3A_563, %mul3A_564 : i32
        %get3A_566 = arith.index_cast %mul3A_565 : i32 to index
        %get3A_567 = tpu.vector_load %arg6[%get3A_566] {strides = array<i32>} : memref<102400xf32, #tpu.memory_space<vmem>>, vector<16xf32>,
        %add3A_568 = arith.constant 16 : i32
        %add3A_569 = arith.addi %mul3A_565, %add3A_568 : i32
        %get3A_570 = arith.index_cast %add3A_569 : i32 to index
        %get3A_571 = tpu.vector_load %arg6[%get3A_570] {strides = array<i32>} : memref<102400xf32, #tpu.memory_space<vmem>>, vector<16xf32>,
        %max3A_572 = arith.maximumf %get3A_567, %get3A_571 : vector<16xf32>
        %add3A_573 = arith.constant 32 : i32
        %add3A_574 = arith.addi %mul3A_565, %add3A_573 : i32
        %get3A_575 = arith.index_cast %add3A_574 : i32 to index
        %get3A_576 = tpu.vector_load %arg6[%get3A_575] {strides = array<i32>} : memref<102400xf32, #tpu.memory_space<vmem>>, vector<16xf32>,
        %max3A_577 = arith.maximumf %max3A_572, %get3A_576 : vector<16xf32>
        %add3A_578 = arith.constant 48 : i32
        %add3A_579 = arith.addi %mul3A_565, %add3A_578 : i32
        %get3A_580 = arith.index_cast %add3A_579 : i32 to index
        %get3A_581 = tpu.vector_load %arg6[%get3A_580] {strides = array<i32>} : memref<102400xf32, #tpu.memory_space<vmem>>, vector<16xf32>,
        %max3A_582 = arith.maximumf %max3A_577, %get3A_581 : vector<16xf32>
        %add3A_583 = arith.constant 64 : i32
        %add3A_584 = arith.addi %mul3A_565, %add3A_583 : i32
        %get3A_585 = arith.index_cast %add3A_584 : i32 to index
        %get3A_586 = tpu.vector_load %arg6[%get3A_585] {strides = array<i32>} : memref<102400xf32, #tpu.memory_space<vmem>>, vector<16xf32>,
        %max3A_587 = arith.maximumf %max3A_582, %get3A_586 : vector<16xf32>
        %add3A_588 = arith.constant 80 : i32
        %add3A_589 = arith.addi %mul3A_565, %add3A_588 : i32
        %get3A_590 = arith.index_cast %add3A_589 : i32 to index
        %get3A_591 = tpu.vector_load %arg6[%get3A_590] {strides = array<i32>} : memref<102400xf32, #tpu.memory_space<vmem>>, vector<16xf32>,
        %max3A_592 = arith.maximumf %max3A_587, %get3A_591 : vector<16xf32>
        %add3A_593 = arith.constant 96 : i32
        %add3A_594 = arith.addi %mul3A_565, %add3A_593 : i32
        %get3A_595 = arith.index_cast %add3A_594 : i32 to index
        %get3A_596 = tpu.vector_load %arg6[%get3A_595] {strides = array<i32>} : memref<102400xf32, #tpu.memory_space<vmem>>, vector<16xf32>,
        %max3A_597 = arith.maximumf %max3A_592, %get3A_596 : vector<16xf32>
        %add3A_598 = arith.constant 112 : i32
        %add3A_599 = arith.addi %mul3A_565, %add3A_598 : i32
        %get3A_600 = arith.index_cast %add3A_599 : i32 to index
        %get3A_601 = tpu.vector_load %arg6[%get3A_600] {strides = array<i32>} : memref<102400xf32, #tpu.memory_space<vmem>>, vector<16xf32>,
        %max3A_602 = arith.maximumf %max3A_597, %get3A_601 : vector<16xf32>
        %add3A_603 = arith.constant 128 : i32
        %add3A_604 = arith.addi %mul3A_565, %add3A_603 : i32
        %get3A_605 = arith.index_cast %add3A_604 : i32 to index
        %get3A_606 = tpu.vector_load %arg6[%get3A_605] {strides = array<i32>} : memref<102400xf32, #tpu.memory_space<vmem>>, vector<16xf32>,
        %max3A_607 = arith.maximumf %max3A_602, %get3A_606 : vector<16xf32>
        %add3A_608 = arith.constant 144 : i32
        %add3A_609 = arith.addi %mul3A_565, %add3A_608 : i32
        %get3A_610 = arith.index_cast %add3A_609 : i32 to index
        %get3A_611 = tpu.vector_load %arg6[%get3A_610] {strides = array<i32>} : memref<102400xf32, #tpu.memory_space<vmem>>, vector<16xf32>,
        %max3A_612 = arith.maximumf %max3A_607, %get3A_611 : vector<16xf32>
        %add3A_613 = arith.constant 160 : i32
        %add3A_614 = arith.addi %mul3A_565, %add3A_613 : i32
        %get3A_615 = arith.index_cast %add3A_614 : i32 to index
        %get3A_616 = tpu.vector_load %arg6[%get3A_615] {strides = array<i32>} : memref<102400xf32, #tpu.memory_space<vmem>>, vector<16xf32>,
        %max3A_617 = arith.maximumf %max3A_612, %get3A_616 : vector<16xf32>
        %add3A_618 = arith.constant 176 : i32
        %add3A_619 = arith.addi %mul3A_565, %add3A_618 : i32
        %get3A_620 = arith.index_cast %add3A_619 : i32 to index
        %get3A_621 = tpu.vector_load %arg6[%get3A_620] {strides = array<i32>} : memref<102400xf32, #tpu.memory_space<vmem>>, vector<16xf32>,
        %max3A_622 = arith.maximumf %max3A_617, %get3A_621 : vector<16xf32>
        %add3A_623 = arith.constant 192 : i32
        %add3A_624 = arith.addi %mul3A_565, %add3A_623 : i32
        %get3A_625 = arith.index_cast %add3A_624 : i32 to index
        %get3A_626 = tpu.vector_load %arg6[%get3A_625] {strides = array<i32>} : memref<102400xf32, #tpu.memory_space<vmem>>, vector<16xf32>,
        %max3A_627 = arith.maximumf %max3A_622, %get3A_626 : vector<16xf32>
        %add3A_628 = arith.constant 208 : i32
        %add3A_629 = arith.addi %mul3A_565, %add3A_628 : i32
        %get3A_630 = arith.index_cast %add3A_629 : i32 to index
        %get3A_631 = tpu.vector_load %arg6[%get3A_630] {strides = array<i32>} : memref<102400xf32, #tpu.memory_space<vmem>>, vector<16xf32>,
        %max3A_632 = arith.maximumf %max3A_627, %get3A_631 : vector<16xf32>
        %add3A_633 = arith.constant 224 : i32
        %add3A_634 = arith.addi %mul3A_565, %add3A_633 : i32
        %get3A_635 = arith.index_cast %add3A_634 : i32 to index
        %get3A_636 = tpu.vector_load %arg6[%get3A_635] {strides = array<i32>} : memref<102400xf32, #tpu.memory_space<vmem>>, vector<16xf32>,
        %max3A_637 = arith.maximumf %max3A_632, %get3A_636 : vector<16xf32>
        %add3A_638 = arith.constant 240 : i32
        %add3A_639 = arith.addi %mul3A_565, %add3A_638 : i32
        %get3A_640 = arith.index_cast %add3A_639 : i32 to index
        %get3A_641 = tpu.vector_load %arg6[%get3A_640] {strides = array<i32>} : memref<102400xf32, #tpu.memory_space<vmem>>, vector<16xf32>,
        %max3A_642 = arith.maximumf %max3A_637, %get3A_641 : vector<16xf32>
        %mul3A_643 = arith.constant 16 : i32
        %mul3A_644 = arith.muli %add3A_563, %mul3A_643 : i32
        %swap3A_645 = arith.index_cast %mul3A_644 : i32 to index
        %swap3A_646 = tpu.vector_load %arg7[%swap3A_645] {strides = array<i32>} : memref<6400xf32, #tpu.memory_space<vmem>>, vector<16xf32>,
        tpu.vector_store %arg7[%swap3A_645], %max3A_642 {strides = array<i32>} : memref<6400xf32, #tpu.memory_space<vmem>>, vector<16xf32>,
        %max3A_647 = arith.maximumf %scan3A_561, %max3A_642 : vector<16xf32>
        scf.yield %max3A_647 : vector<16xf32>
      }
      %scan3A_276 = arith.constant 25 : i32
      %swap3A_277 = arith.constant 160 : index
      %swap3A_278 = tpu.vector_load %arg8[%swap3A_277] {strides = array<i32>} : memref<256xf32, #tpu.memory_space<vmem>>, vector<16xf32>,
      tpu.vector_store %arg8[%swap3A_277], %scan3A_275 {strides = array<i32>} : memref<256xf32, #tpu.memory_space<vmem>>, vector<16xf32>,
      %dma_wait3A_279 = arith.constant 70400 : i32
      %dma_wait3A_280 = tpu.memref_slice %arg6[%dma_wait3A_279] : memref<102400xf32, #tpu.memory_space<vmem>> -> memref<6400xf32, #tpu.memory_space<vmem>>
      %dma_wait3A_281 = tpu.memref_slice %arg2[%add3A_242] : memref<12800000xf32, #tpu.memory_space<hbm>> -> memref<6400xf32, #tpu.memory_space<hbm>>
      %dma_wait3A_282 = arith.constant 70400 : i32
      %dma_wait3A_283 = tpu.memref_slice %arg6[%dma_wait3A_282] : memref<102400xf32, #tpu.memory_space<vmem>> -> memref<6400xf32, #tpu.memory_space<vmem>>
      %dma_wait3A_284 = tpu.memref_slice %arg2[%add3A_242] : memref<12800000xf32, #tpu.memory_space<hbm>> -> memref<6400xf32, #tpu.memory_space<hbm>>
      tpu.wait_dma2 semaphore(%arg18 : memref<!tpu.dma_semaphore, #tpu.memory_space<semaphore_mem>>) src(%dma_wait3A_284 : memref<6400xf32, #tpu.memory_space<hbm>>) dst(%dma_wait3A_283 : memref<6400xf32, #tpu.memory_space<vmem>>)
      %add3A_285 = arith.constant 83200 : i32
      %add3A_286 = arith.addi %mul3A_23, %add3A_285 : i32
      %dma_start3A_287 = arith.constant 83200 : i32
      %dma_start3A_288 = tpu.memref_slice %arg6[%dma_start3A_287] : memref<102400xf32, #tpu.memory_space<vmem>> -> memref<6400xf32, #tpu.memory_space<vmem>>
      %dma_start3A_289 = tpu.memref_slice %arg2[%add3A_286] : memref<12800000xf32, #tpu.memory_space<hbm>> -> memref<6400xf32, #tpu.memory_space<hbm>>
      %dma_start3A_290 = arith.constant 83200 : i32
      %dma_start3A_291 = tpu.memref_slice %arg6[%dma_start3A_290] : memref<102400xf32, #tpu.memory_space<vmem>> -> memref<6400xf32, #tpu.memory_space<vmem>>
      %dma_start3A_292 = tpu.memref_slice %arg2[%add3A_286] : memref<12800000xf32, #tpu.memory_space<hbm>> -> memref<6400xf32, #tpu.memory_space<hbm>>
      tpu.enqueue_dma source(%dma_start3A_292 : memref<6400xf32, #tpu.memory_space<hbm>>) target(%dma_start3A_291 : memref<6400xf32, #tpu.memory_space<vmem>>) target_semaphore(%arg18 : memref<!tpu.dma_semaphore, #tpu.memory_space<semaphore_mem>>)
      %scan3A_293 = arith.constant 0 : i32
      %scan3A_294 = arith.constant 25 : i32
      %scan3A_295 = arith.addi %scan3A_293, %scan3A_294 : i32
      %scan3A_296 = arith.constant 1 : i32
      %scan3A_297 = scf.for %scan3A_560 = %scan3A_293 to %scan3A_295 step %scan3A_296 iter_args(%scan3A_561 = %broadcast_in_dim3A_3) -> (vector<16xf32>)  : i32 {
        %add3A_562 = arith.constant 275 : i32
        %add3A_563 = arith.addi %add3A_562, %scan3A_560 : i32
        %mul3A_564 = arith.constant 256 : i32
        %mul3A_565 = arith.muli %add3A_563, %mul3A_564 : i32
        %get3A_566 = arith.index_cast %mul3A_565 : i32 to index
        %get3A_567 = tpu.vector_load %arg6[%get3A_566] {strides = array<i32>} : memref<102400xf32, #tpu.memory_space<vmem>>, vector<16xf32>,
        %add3A_568 = arith.constant 16 : i32
        %add3A_569 = arith.addi %mul3A_565, %add3A_568 : i32
        %get3A_570 = arith.index_cast %add3A_569 : i32 to index
        %get3A_571 = tpu.vector_load %arg6[%get3A_570] {strides = array<i32>} : memref<102400xf32, #tpu.memory_space<vmem>>, vector<16xf32>,
        %max3A_572 = arith.maximumf %get3A_567, %get3A_571 : vector<16xf32>
        %add3A_573 = arith.constant 32 : i32
        %add3A_574 = arith.addi %mul3A_565, %add3A_573 : i32
        %get3A_575 = arith.index_cast %add3A_574 : i32 to index
        %get3A_576 = tpu.vector_load %arg6[%get3A_575] {strides = array<i32>} : memref<102400xf32, #tpu.memory_space<vmem>>, vector<16xf32>,
        %max3A_577 = arith.maximumf %max3A_572, %get3A_576 : vector<16xf32>
        %add3A_578 = arith.constant 48 : i32
        %add3A_579 = arith.addi %mul3A_565, %add3A_578 : i32
        %get3A_580 = arith.index_cast %add3A_579 : i32 to index
        %get3A_581 = tpu.vector_load %arg6[%get3A_580] {strides = array<i32>} : memref<102400xf32, #tpu.memory_space<vmem>>, vector<16xf32>,
        %max3A_582 = arith.maximumf %max3A_577, %get3A_581 : vector<16xf32>
        %add3A_583 = arith.constant 64 : i32
        %add3A_584 = arith.addi %mul3A_565, %add3A_583 : i32
        %get3A_585 = arith.index_cast %add3A_584 : i32 to index
        %get3A_586 = tpu.vector_load %arg6[%get3A_585] {strides = array<i32>} : memref<102400xf32, #tpu.memory_space<vmem>>, vector<16xf32>,
        %max3A_587 = arith.maximumf %max3A_582, %get3A_586 : vector<16xf32>
        %add3A_588 = arith.constant 80 : i32
        %add3A_589 = arith.addi %mul3A_565, %add3A_588 : i32
        %get3A_590 = arith.index_cast %add3A_589 : i32 to index
        %get3A_591 = tpu.vector_load %arg6[%get3A_590] {strides = array<i32>} : memref<102400xf32, #tpu.memory_space<vmem>>, vector<16xf32>,
        %max3A_592 = arith.maximumf %max3A_587, %get3A_591 : vector<16xf32>
        %add3A_593 = arith.constant 96 : i32
        %add3A_594 = arith.addi %mul3A_565, %add3A_593 : i32
        %get3A_595 = arith.index_cast %add3A_594 : i32 to index
        %get3A_596 = tpu.vector_load %arg6[%get3A_595] {strides = array<i32>} : memref<102400xf32, #tpu.memory_space<vmem>>, vector<16xf32>,
        %max3A_597 = arith.maximumf %max3A_592, %get3A_596 : vector<16xf32>
        %add3A_598 = arith.constant 112 : i32
        %add3A_599 = arith.addi %mul3A_565, %add3A_598 : i32
        %get3A_600 = arith.index_cast %add3A_599 : i32 to index
        %get3A_601 = tpu.vector_load %arg6[%get3A_600] {strides = array<i32>} : memref<102400xf32, #tpu.memory_space<vmem>>, vector<16xf32>,
        %max3A_602 = arith.maximumf %max3A_597, %get3A_601 : vector<16xf32>
        %add3A_603 = arith.constant 128 : i32
        %add3A_604 = arith.addi %mul3A_565, %add3A_603 : i32
        %get3A_605 = arith.index_cast %add3A_604 : i32 to index
        %get3A_606 = tpu.vector_load %arg6[%get3A_605] {strides = array<i32>} : memref<102400xf32, #tpu.memory_space<vmem>>, vector<16xf32>,
        %max3A_607 = arith.maximumf %max3A_602, %get3A_606 : vector<16xf32>
        %add3A_608 = arith.constant 144 : i32
        %add3A_609 = arith.addi %mul3A_565, %add3A_608 : i32
        %get3A_610 = arith.index_cast %add3A_609 : i32 to index
        %get3A_611 = tpu.vector_load %arg6[%get3A_610] {strides = array<i32>} : memref<102400xf32, #tpu.memory_space<vmem>>, vector<16xf32>,
        %max3A_612 = arith.maximumf %max3A_607, %get3A_611 : vector<16xf32>
        %add3A_613 = arith.constant 160 : i32
        %add3A_614 = arith.addi %mul3A_565, %add3A_613 : i32
        %get3A_615 = arith.index_cast %add3A_614 : i32 to index
        %get3A_616 = tpu.vector_load %arg6[%get3A_615] {strides = array<i32>} : memref<102400xf32, #tpu.memory_space<vmem>>, vector<16xf32>,
        %max3A_617 = arith.maximumf %max3A_612, %get3A_616 : vector<16xf32>
        %add3A_618 = arith.constant 176 : i32
        %add3A_619 = arith.addi %mul3A_565, %add3A_618 : i32
        %get3A_620 = arith.index_cast %add3A_619 : i32 to index
        %get3A_621 = tpu.vector_load %arg6[%get3A_620] {strides = array<i32>} : memref<102400xf32, #tpu.memory_space<vmem>>, vector<16xf32>,
        %max3A_622 = arith.maximumf %max3A_617, %get3A_621 : vector<16xf32>
        %add3A_623 = arith.constant 192 : i32
        %add3A_624 = arith.addi %mul3A_565, %add3A_623 : i32
        %get3A_625 = arith.index_cast %add3A_624 : i32 to index
        %get3A_626 = tpu.vector_load %arg6[%get3A_625] {strides = array<i32>} : memref<102400xf32, #tpu.memory_space<vmem>>, vector<16xf32>,
        %max3A_627 = arith.maximumf %max3A_622, %get3A_626 : vector<16xf32>
        %add3A_628 = arith.constant 208 : i32
        %add3A_629 = arith.addi %mul3A_565, %add3A_628 : i32
        %get3A_630 = arith.index_cast %add3A_629 : i32 to index
        %get3A_631 = tpu.vector_load %arg6[%get3A_630] {strides = array<i32>} : memref<102400xf32, #tpu.memory_space<vmem>>, vector<16xf32>,
        %max3A_632 = arith.maximumf %max3A_627, %get3A_631 : vector<16xf32>
        %add3A_633 = arith.constant 224 : i32
        %add3A_634 = arith.addi %mul3A_565, %add3A_633 : i32
        %get3A_635 = arith.index_cast %add3A_634 : i32 to index
        %get3A_636 = tpu.vector_load %arg6[%get3A_635] {strides = array<i32>} : memref<102400xf32, #tpu.memory_space<vmem>>, vector<16xf32>,
        %max3A_637 = arith.maximumf %max3A_632, %get3A_636 : vector<16xf32>
        %add3A_638 = arith.constant 240 : i32
        %add3A_639 = arith.addi %mul3A_565, %add3A_638 : i32
        %get3A_640 = arith.index_cast %add3A_639 : i32 to index
        %get3A_641 = tpu.vector_load %arg6[%get3A_640] {strides = array<i32>} : memref<102400xf32, #tpu.memory_space<vmem>>, vector<16xf32>,
        %max3A_642 = arith.maximumf %max3A_637, %get3A_641 : vector<16xf32>
        %mul3A_643 = arith.constant 16 : i32
        %mul3A_644 = arith.muli %add3A_563, %mul3A_643 : i32
        %swap3A_645 = arith.index_cast %mul3A_644 : i32 to index
        %swap3A_646 = tpu.vector_load %arg7[%swap3A_645] {strides = array<i32>} : memref<6400xf32, #tpu.memory_space<vmem>>, vector<16xf32>,
        tpu.vector_store %arg7[%swap3A_645], %max3A_642 {strides = array<i32>} : memref<6400xf32, #tpu.memory_space<vmem>>, vector<16xf32>,
        %max3A_647 = arith.maximumf %scan3A_561, %max3A_642 : vector<16xf32>
        scf.yield %max3A_647 : vector<16xf32>
      }
      %scan3A_298 = arith.constant 25 : i32
      %swap3A_299 = arith.constant 176 : index
      %swap3A_300 = tpu.vector_load %arg8[%swap3A_299] {strides = array<i32>} : memref<256xf32, #tpu.memory_space<vmem>>, vector<16xf32>,
      tpu.vector_store %arg8[%swap3A_299], %scan3A_297 {strides = array<i32>} : memref<256xf32, #tpu.memory_space<vmem>>, vector<16xf32>,
      %dma_wait3A_301 = arith.constant 76800 : i32
      %dma_wait3A_302 = tpu.memref_slice %arg6[%dma_wait3A_301] : memref<102400xf32, #tpu.memory_space<vmem>> -> memref<6400xf32, #tpu.memory_space<vmem>>
      %dma_wait3A_303 = tpu.memref_slice %arg2[%add3A_264] : memref<12800000xf32, #tpu.memory_space<hbm>> -> memref<6400xf32, #tpu.memory_space<hbm>>
      %dma_wait3A_304 = arith.constant 76800 : i32
      %dma_wait3A_305 = tpu.memref_slice %arg6[%dma_wait3A_304] : memref<102400xf32, #tpu.memory_space<vmem>> -> memref<6400xf32, #tpu.memory_space<vmem>>
      %dma_wait3A_306 = tpu.memref_slice %arg2[%add3A_264] : memref<12800000xf32, #tpu.memory_space<hbm>> -> memref<6400xf32, #tpu.memory_space<hbm>>
      tpu.wait_dma2 semaphore(%arg17 : memref<!tpu.dma_semaphore, #tpu.memory_space<semaphore_mem>>) src(%dma_wait3A_306 : memref<6400xf32, #tpu.memory_space<hbm>>) dst(%dma_wait3A_305 : memref<6400xf32, #tpu.memory_space<vmem>>)
      %add3A_307 = arith.constant 89600 : i32
      %add3A_308 = arith.addi %mul3A_23, %add3A_307 : i32
      %dma_start3A_309 = arith.constant 89600 : i32
      %dma_start3A_310 = tpu.memref_slice %arg6[%dma_start3A_309] : memref<102400xf32, #tpu.memory_space<vmem>> -> memref<6400xf32, #tpu.memory_space<vmem>>
      %dma_start3A_311 = tpu.memref_slice %arg2[%add3A_308] : memref<12800000xf32, #tpu.memory_space<hbm>> -> memref<6400xf32, #tpu.memory_space<hbm>>
      %dma_start3A_312 = arith.constant 89600 : i32
      %dma_start3A_313 = tpu.memref_slice %arg6[%dma_start3A_312] : memref<102400xf32, #tpu.memory_space<vmem>> -> memref<6400xf32, #tpu.memory_space<vmem>>
      %dma_start3A_314 = tpu.memref_slice %arg2[%add3A_308] : memref<12800000xf32, #tpu.memory_space<hbm>> -> memref<6400xf32, #tpu.memory_space<hbm>>
      tpu.enqueue_dma source(%dma_start3A_314 : memref<6400xf32, #tpu.memory_space<hbm>>) target(%dma_start3A_313 : memref<6400xf32, #tpu.memory_space<vmem>>) target_semaphore(%arg17 : memref<!tpu.dma_semaphore, #tpu.memory_space<semaphore_mem>>)
      %scan3A_315 = arith.constant 0 : i32
      %scan3A_316 = arith.constant 25 : i32
      %scan3A_317 = arith.addi %scan3A_315, %scan3A_316 : i32
      %scan3A_318 = arith.constant 1 : i32
      %scan3A_319 = scf.for %scan3A_560 = %scan3A_315 to %scan3A_317 step %scan3A_318 iter_args(%scan3A_561 = %broadcast_in_dim3A_3) -> (vector<16xf32>)  : i32 {
        %add3A_562 = arith.constant 300 : i32
        %add3A_563 = arith.addi %add3A_562, %scan3A_560 : i32
        %mul3A_564 = arith.constant 256 : i32
        %mul3A_565 = arith.muli %add3A_563, %mul3A_564 : i32
        %get3A_566 = arith.index_cast %mul3A_565 : i32 to index
        %get3A_567 = tpu.vector_load %arg6[%get3A_566] {strides = array<i32>} : memref<102400xf32, #tpu.memory_space<vmem>>, vector<16xf32>,
        %add3A_568 = arith.constant 16 : i32
        %add3A_569 = arith.addi %mul3A_565, %add3A_568 : i32
        %get3A_570 = arith.index_cast %add3A_569 : i32 to index
        %get3A_571 = tpu.vector_load %arg6[%get3A_570] {strides = array<i32>} : memref<102400xf32, #tpu.memory_space<vmem>>, vector<16xf32>,
        %max3A_572 = arith.maximumf %get3A_567, %get3A_571 : vector<16xf32>
        %add3A_573 = arith.constant 32 : i32
        %add3A_574 = arith.addi %mul3A_565, %add3A_573 : i32
        %get3A_575 = arith.index_cast %add3A_574 : i32 to index
        %get3A_576 = tpu.vector_load %arg6[%get3A_575] {strides = array<i32>} : memref<102400xf32, #tpu.memory_space<vmem>>, vector<16xf32>,
        %max3A_577 = arith.maximumf %max3A_572, %get3A_576 : vector<16xf32>
        %add3A_578 = arith.constant 48 : i32
        %add3A_579 = arith.addi %mul3A_565, %add3A_578 : i32
        %get3A_580 = arith.index_cast %add3A_579 : i32 to index
        %get3A_581 = tpu.vector_load %arg6[%get3A_580] {strides = array<i32>} : memref<102400xf32, #tpu.memory_space<vmem>>, vector<16xf32>,
        %max3A_582 = arith.maximumf %max3A_577, %get3A_581 : vector<16xf32>
        %add3A_583 = arith.constant 64 : i32
        %add3A_584 = arith.addi %mul3A_565, %add3A_583 : i32
        %get3A_585 = arith.index_cast %add3A_584 : i32 to index
        %get3A_586 = tpu.vector_load %arg6[%get3A_585] {strides = array<i32>} : memref<102400xf32, #tpu.memory_space<vmem>>, vector<16xf32>,
        %max3A_587 = arith.maximumf %max3A_582, %get3A_586 : vector<16xf32>
        %add3A_588 = arith.constant 80 : i32
        %add3A_589 = arith.addi %mul3A_565, %add3A_588 : i32
        %get3A_590 = arith.index_cast %add3A_589 : i32 to index
        %get3A_591 = tpu.vector_load %arg6[%get3A_590] {strides = array<i32>} : memref<102400xf32, #tpu.memory_space<vmem>>, vector<16xf32>,
        %max3A_592 = arith.maximumf %max3A_587, %get3A_591 : vector<16xf32>
        %add3A_593 = arith.constant 96 : i32
        %add3A_594 = arith.addi %mul3A_565, %add3A_593 : i32
        %get3A_595 = arith.index_cast %add3A_594 : i32 to index
        %get3A_596 = tpu.vector_load %arg6[%get3A_595] {strides = array<i32>} : memref<102400xf32, #tpu.memory_space<vmem>>, vector<16xf32>,
        %max3A_597 = arith.maximumf %max3A_592, %get3A_596 : vector<16xf32>
        %add3A_598 = arith.constant 112 : i32
        %add3A_599 = arith.addi %mul3A_565, %add3A_598 : i32
        %get3A_600 = arith.index_cast %add3A_599 : i32 to index
        %get3A_601 = tpu.vector_load %arg6[%get3A_600] {strides = array<i32>} : memref<102400xf32, #tpu.memory_space<vmem>>, vector<16xf32>,
        %max3A_602 = arith.maximumf %max3A_597, %get3A_601 : vector<16xf32>
        %add3A_603 = arith.constant 128 : i32
        %add3A_604 = arith.addi %mul3A_565, %add3A_603 : i32
        %get3A_605 = arith.index_cast %add3A_604 : i32 to index
        %get3A_606 = tpu.vector_load %arg6[%get3A_605] {strides = array<i32>} : memref<102400xf32, #tpu.memory_space<vmem>>, vector<16xf32>,
        %max3A_607 = arith.maximumf %max3A_602, %get3A_606 : vector<16xf32>
        %add3A_608 = arith.constant 144 : i32
        %add3A_609 = arith.addi %mul3A_565, %add3A_608 : i32
        %get3A_610 = arith.index_cast %add3A_609 : i32 to index
        %get3A_611 = tpu.vector_load %arg6[%get3A_610] {strides = array<i32>} : memref<102400xf32, #tpu.memory_space<vmem>>, vector<16xf32>,
        %max3A_612 = arith.maximumf %max3A_607, %get3A_611 : vector<16xf32>
        %add3A_613 = arith.constant 160 : i32
        %add3A_614 = arith.addi %mul3A_565, %add3A_613 : i32
        %get3A_615 = arith.index_cast %add3A_614 : i32 to index
        %get3A_616 = tpu.vector_load %arg6[%get3A_615] {strides = array<i32>} : memref<102400xf32, #tpu.memory_space<vmem>>, vector<16xf32>,
        %max3A_617 = arith.maximumf %max3A_612, %get3A_616 : vector<16xf32>
        %add3A_618 = arith.constant 176 : i32
        %add3A_619 = arith.addi %mul3A_565, %add3A_618 : i32
        %get3A_620 = arith.index_cast %add3A_619 : i32 to index
        %get3A_621 = tpu.vector_load %arg6[%get3A_620] {strides = array<i32>} : memref<102400xf32, #tpu.memory_space<vmem>>, vector<16xf32>,
        %max3A_622 = arith.maximumf %max3A_617, %get3A_621 : vector<16xf32>
        %add3A_623 = arith.constant 192 : i32
        %add3A_624 = arith.addi %mul3A_565, %add3A_623 : i32
        %get3A_625 = arith.index_cast %add3A_624 : i32 to index
        %get3A_626 = tpu.vector_load %arg6[%get3A_625] {strides = array<i32>} : memref<102400xf32, #tpu.memory_space<vmem>>, vector<16xf32>,
        %max3A_627 = arith.maximumf %max3A_622, %get3A_626 : vector<16xf32>
        %add3A_628 = arith.constant 208 : i32
        %add3A_629 = arith.addi %mul3A_565, %add3A_628 : i32
        %get3A_630 = arith.index_cast %add3A_629 : i32 to index
        %get3A_631 = tpu.vector_load %arg6[%get3A_630] {strides = array<i32>} : memref<102400xf32, #tpu.memory_space<vmem>>, vector<16xf32>,
        %max3A_632 = arith.maximumf %max3A_627, %get3A_631 : vector<16xf32>
        %add3A_633 = arith.constant 224 : i32
        %add3A_634 = arith.addi %mul3A_565, %add3A_633 : i32
        %get3A_635 = arith.index_cast %add3A_634 : i32 to index
        %get3A_636 = tpu.vector_load %arg6[%get3A_635] {strides = array<i32>} : memref<102400xf32, #tpu.memory_space<vmem>>, vector<16xf32>,
        %max3A_637 = arith.maximumf %max3A_632, %get3A_636 : vector<16xf32>
        %add3A_638 = arith.constant 240 : i32
        %add3A_639 = arith.addi %mul3A_565, %add3A_638 : i32
        %get3A_640 = arith.index_cast %add3A_639 : i32 to index
        %get3A_641 = tpu.vector_load %arg6[%get3A_640] {strides = array<i32>} : memref<102400xf32, #tpu.memory_space<vmem>>, vector<16xf32>,
        %max3A_642 = arith.maximumf %max3A_637, %get3A_641 : vector<16xf32>
        %mul3A_643 = arith.constant 16 : i32
        %mul3A_644 = arith.muli %add3A_563, %mul3A_643 : i32
        %swap3A_645 = arith.index_cast %mul3A_644 : i32 to index
        %swap3A_646 = tpu.vector_load %arg7[%swap3A_645] {strides = array<i32>} : memref<6400xf32, #tpu.memory_space<vmem>>, vector<16xf32>,
        tpu.vector_store %arg7[%swap3A_645], %max3A_642 {strides = array<i32>} : memref<6400xf32, #tpu.memory_space<vmem>>, vector<16xf32>,
        %max3A_647 = arith.maximumf %scan3A_561, %max3A_642 : vector<16xf32>
        scf.yield %max3A_647 : vector<16xf32>
      }
      %scan3A_320 = arith.constant 25 : i32
      %swap3A_321 = arith.constant 192 : index
      %swap3A_322 = tpu.vector_load %arg8[%swap3A_321] {strides = array<i32>} : memref<256xf32, #tpu.memory_space<vmem>>, vector<16xf32>,
      tpu.vector_store %arg8[%swap3A_321], %scan3A_319 {strides = array<i32>} : memref<256xf32, #tpu.memory_space<vmem>>, vector<16xf32>,
      %dma_wait3A_323 = arith.constant 83200 : i32
      %dma_wait3A_324 = tpu.memref_slice %arg6[%dma_wait3A_323] : memref<102400xf32, #tpu.memory_space<vmem>> -> memref<6400xf32, #tpu.memory_space<vmem>>
      %dma_wait3A_325 = tpu.memref_slice %arg2[%add3A_286] : memref<12800000xf32, #tpu.memory_space<hbm>> -> memref<6400xf32, #tpu.memory_space<hbm>>
      %dma_wait3A_326 = arith.constant 83200 : i32
      %dma_wait3A_327 = tpu.memref_slice %arg6[%dma_wait3A_326] : memref<102400xf32, #tpu.memory_space<vmem>> -> memref<6400xf32, #tpu.memory_space<vmem>>
      %dma_wait3A_328 = tpu.memref_slice %arg2[%add3A_286] : memref<12800000xf32, #tpu.memory_space<hbm>> -> memref<6400xf32, #tpu.memory_space<hbm>>
      tpu.wait_dma2 semaphore(%arg18 : memref<!tpu.dma_semaphore, #tpu.memory_space<semaphore_mem>>) src(%dma_wait3A_328 : memref<6400xf32, #tpu.memory_space<hbm>>) dst(%dma_wait3A_327 : memref<6400xf32, #tpu.memory_space<vmem>>)
      %add3A_329 = arith.constant 96000 : i32
      %add3A_330 = arith.addi %mul3A_23, %add3A_329 : i32
      %dma_start3A_331 = arith.constant 96000 : i32
      %dma_start3A_332 = tpu.memref_slice %arg6[%dma_start3A_331] : memref<102400xf32, #tpu.memory_space<vmem>> -> memref<4000xf32, #tpu.memory_space<vmem>>
      %dma_start3A_333 = tpu.memref_slice %arg2[%add3A_330] : memref<12800000xf32, #tpu.memory_space<hbm>> -> memref<4000xf32, #tpu.memory_space<hbm>>
      %dma_start3A_334 = arith.constant 96000 : i32
      %dma_start3A_335 = tpu.memref_slice %arg6[%dma_start3A_334] : memref<102400xf32, #tpu.memory_space<vmem>> -> memref<4000xf32, #tpu.memory_space<vmem>>
      %dma_start3A_336 = tpu.memref_slice %arg2[%add3A_330] : memref<12800000xf32, #tpu.memory_space<hbm>> -> memref<4000xf32, #tpu.memory_space<hbm>>
      tpu.enqueue_dma source(%dma_start3A_336 : memref<4000xf32, #tpu.memory_space<hbm>>) target(%dma_start3A_335 : memref<4000xf32, #tpu.memory_space<vmem>>) target_semaphore(%arg18 : memref<!tpu.dma_semaphore, #tpu.memory_space<semaphore_mem>>)
      %scan3A_337 = arith.constant 0 : i32
      %scan3A_338 = arith.constant 25 : i32
      %scan3A_339 = arith.addi %scan3A_337, %scan3A_338 : i32
      %scan3A_340 = arith.constant 1 : i32
      %scan3A_341 = scf.for %scan3A_560 = %scan3A_337 to %scan3A_339 step %scan3A_340 iter_args(%scan3A_561 = %broadcast_in_dim3A_3) -> (vector<16xf32>)  : i32 {
        %add3A_562 = arith.constant 325 : i32
        %add3A_563 = arith.addi %add3A_562, %scan3A_560 : i32
        %mul3A_564 = arith.constant 256 : i32
        %mul3A_565 = arith.muli %add3A_563, %mul3A_564 : i32
        %get3A_566 = arith.index_cast %mul3A_565 : i32 to index
        %get3A_567 = tpu.vector_load %arg6[%get3A_566] {strides = array<i32>} : memref<102400xf32, #tpu.memory_space<vmem>>, vector<16xf32>,
        %add3A_568 = arith.constant 16 : i32
        %add3A_569 = arith.addi %mul3A_565, %add3A_568 : i32
        %get3A_570 = arith.index_cast %add3A_569 : i32 to index
        %get3A_571 = tpu.vector_load %arg6[%get3A_570] {strides = array<i32>} : memref<102400xf32, #tpu.memory_space<vmem>>, vector<16xf32>,
        %max3A_572 = arith.maximumf %get3A_567, %get3A_571 : vector<16xf32>
        %add3A_573 = arith.constant 32 : i32
        %add3A_574 = arith.addi %mul3A_565, %add3A_573 : i32
        %get3A_575 = arith.index_cast %add3A_574 : i32 to index
        %get3A_576 = tpu.vector_load %arg6[%get3A_575] {strides = array<i32>} : memref<102400xf32, #tpu.memory_space<vmem>>, vector<16xf32>,
        %max3A_577 = arith.maximumf %max3A_572, %get3A_576 : vector<16xf32>
        %add3A_578 = arith.constant 48 : i32
        %add3A_579 = arith.addi %mul3A_565, %add3A_578 : i32
        %get3A_580 = arith.index_cast %add3A_579 : i32 to index
        %get3A_581 = tpu.vector_load %arg6[%get3A_580] {strides = array<i32>} : memref<102400xf32, #tpu.memory_space<vmem>>, vector<16xf32>,
        %max3A_582 = arith.maximumf %max3A_577, %get3A_581 : vector<16xf32>
        %add3A_583 = arith.constant 64 : i32
        %add3A_584 = arith.addi %mul3A_565, %add3A_583 : i32
        %get3A_585 = arith.index_cast %add3A_584 : i32 to index
        %get3A_586 = tpu.vector_load %arg6[%get3A_585] {strides = array<i32>} : memref<102400xf32, #tpu.memory_space<vmem>>, vector<16xf32>,
        %max3A_587 = arith.maximumf %max3A_582, %get3A_586 : vector<16xf32>
        %add3A_588 = arith.constant 80 : i32
        %add3A_589 = arith.addi %mul3A_565, %add3A_588 : i32
        %get3A_590 = arith.index_cast %add3A_589 : i32 to index
        %get3A_591 = tpu.vector_load %arg6[%get3A_590] {strides = array<i32>} : memref<102400xf32, #tpu.memory_space<vmem>>, vector<16xf32>,
        %max3A_592 = arith.maximumf %max3A_587, %get3A_591 : vector<16xf32>
        %add3A_593 = arith.constant 96 : i32
        %add3A_594 = arith.addi %mul3A_565, %add3A_593 : i32
        %get3A_595 = arith.index_cast %add3A_594 : i32 to index
        %get3A_596 = tpu.vector_load %arg6[%get3A_595] {strides = array<i32>} : memref<102400xf32, #tpu.memory_space<vmem>>, vector<16xf32>,
        %max3A_597 = arith.maximumf %max3A_592, %get3A_596 : vector<16xf32>
        %add3A_598 = arith.constant 112 : i32
        %add3A_599 = arith.addi %mul3A_565, %add3A_598 : i32
        %get3A_600 = arith.index_cast %add3A_599 : i32 to index
        %get3A_601 = tpu.vector_load %arg6[%get3A_600] {strides = array<i32>} : memref<102400xf32, #tpu.memory_space<vmem>>, vector<16xf32>,
        %max3A_602 = arith.maximumf %max3A_597, %get3A_601 : vector<16xf32>
        %add3A_603 = arith.constant 128 : i32
        %add3A_604 = arith.addi %mul3A_565, %add3A_603 : i32
        %get3A_605 = arith.index_cast %add3A_604 : i32 to index
        %get3A_606 = tpu.vector_load %arg6[%get3A_605] {strides = array<i32>} : memref<102400xf32, #tpu.memory_space<vmem>>, vector<16xf32>,
        %max3A_607 = arith.maximumf %max3A_602, %get3A_606 : vector<16xf32>
        %add3A_608 = arith.constant 144 : i32
        %add3A_609 = arith.addi %mul3A_565, %add3A_608 : i32
        %get3A_610 = arith.index_cast %add3A_609 : i32 to index
        %get3A_611 = tpu.vector_load %arg6[%get3A_610] {strides = array<i32>} : memref<102400xf32, #tpu.memory_space<vmem>>, vector<16xf32>,
        %max3A_612 = arith.maximumf %max3A_607, %get3A_611 : vector<16xf32>
        %add3A_613 = arith.constant 160 : i32
        %add3A_614 = arith.addi %mul3A_565, %add3A_613 : i32
        %get3A_615 = arith.index_cast %add3A_614 : i32 to index
        %get3A_616 = tpu.vector_load %arg6[%get3A_615] {strides = array<i32>} : memref<102400xf32, #tpu.memory_space<vmem>>, vector<16xf32>,
        %max3A_617 = arith.maximumf %max3A_612, %get3A_616 : vector<16xf32>
        %add3A_618 = arith.constant 176 : i32
        %add3A_619 = arith.addi %mul3A_565, %add3A_618 : i32
        %get3A_620 = arith.index_cast %add3A_619 : i32 to index
        %get3A_621 = tpu.vector_load %arg6[%get3A_620] {strides = array<i32>} : memref<102400xf32, #tpu.memory_space<vmem>>, vector<16xf32>,
        %max3A_622 = arith.maximumf %max3A_617, %get3A_621 : vector<16xf32>
        %add3A_623 = arith.constant 192 : i32
        %add3A_624 = arith.addi %mul3A_565, %add3A_623 : i32
        %get3A_625 = arith.index_cast %add3A_624 : i32 to index
        %get3A_626 = tpu.vector_load %arg6[%get3A_625] {strides = array<i32>} : memref<102400xf32, #tpu.memory_space<vmem>>, vector<16xf32>,
        %max3A_627 = arith.maximumf %max3A_622, %get3A_626 : vector<16xf32>
        %add3A_628 = arith.constant 208 : i32
        %add3A_629 = arith.addi %mul3A_565, %add3A_628 : i32
        %get3A_630 = arith.index_cast %add3A_629 : i32 to index
        %get3A_631 = tpu.vector_load %arg6[%get3A_630] {strides = array<i32>} : memref<102400xf32, #tpu.memory_space<vmem>>, vector<16xf32>,
        %max3A_632 = arith.maximumf %max3A_627, %get3A_631 : vector<16xf32>
        %add3A_633 = arith.constant 224 : i32
        %add3A_634 = arith.addi %mul3A_565, %add3A_633 : i32
        %get3A_635 = arith.index_cast %add3A_634 : i32 to index
        %get3A_636 = tpu.vector_load %arg6[%get3A_635] {strides = array<i32>} : memref<102400xf32, #tpu.memory_space<vmem>>, vector<16xf32>,
        %max3A_637 = arith.maximumf %max3A_632, %get3A_636 : vector<16xf32>
        %add3A_638 = arith.constant 240 : i32
        %add3A_639 = arith.addi %mul3A_565, %add3A_638 : i32
        %get3A_640 = arith.index_cast %add3A_639 : i32 to index
        %get3A_641 = tpu.vector_load %arg6[%get3A_640] {strides = array<i32>} : memref<102400xf32, #tpu.memory_space<vmem>>, vector<16xf32>,
        %max3A_642 = arith.maximumf %max3A_637, %get3A_641 : vector<16xf32>
        %mul3A_643 = arith.constant 16 : i32
        %mul3A_644 = arith.muli %add3A_563, %mul3A_643 : i32
        %swap3A_645 = arith.index_cast %mul3A_644 : i32 to index
        %swap3A_646 = tpu.vector_load %arg7[%swap3A_645] {strides = array<i32>} : memref<6400xf32, #tpu.memory_space<vmem>>, vector<16xf32>,
        tpu.vector_store %arg7[%swap3A_645], %max3A_642 {strides = array<i32>} : memref<6400xf32, #tpu.memory_space<vmem>>, vector<16xf32>,
        %max3A_647 = arith.maximumf %scan3A_561, %max3A_642 : vector<16xf32>
        scf.yield %max3A_647 : vector<16xf32>
      }
      %scan3A_342 = arith.constant 25 : i32
      %swap3A_343 = arith.constant 208 : index
      %swap3A_344 = tpu.vector_load %arg8[%swap3A_343] {strides = array<i32>} : memref<256xf32, #tpu.memory_space<vmem>>, vector<16xf32>,
      tpu.vector_store %arg8[%swap3A_343], %scan3A_341 {strides = array<i32>} : memref<256xf32, #tpu.memory_space<vmem>>, vector<16xf32>,
      %dma_wait3A_345 = arith.constant 89600 : i32
      %dma_wait3A_346 = tpu.memref_slice %arg6[%dma_wait3A_345] : memref<102400xf32, #tpu.memory_space<vmem>> -> memref<6400xf32, #tpu.memory_space<vmem>>
      %dma_wait3A_347 = tpu.memref_slice %arg2[%add3A_308] : memref<12800000xf32, #tpu.memory_space<hbm>> -> memref<6400xf32, #tpu.memory_space<hbm>>
      %dma_wait3A_348 = arith.constant 89600 : i32
      %dma_wait3A_349 = tpu.memref_slice %arg6[%dma_wait3A_348] : memref<102400xf32, #tpu.memory_space<vmem>> -> memref<6400xf32, #tpu.memory_space<vmem>>
      %dma_wait3A_350 = tpu.memref_slice %arg2[%add3A_308] : memref<12800000xf32, #tpu.memory_space<hbm>> -> memref<6400xf32, #tpu.memory_space<hbm>>
      tpu.wait_dma2 semaphore(%arg17 : memref<!tpu.dma_semaphore, #tpu.memory_space<semaphore_mem>>) src(%dma_wait3A_350 : memref<6400xf32, #tpu.memory_space<hbm>>) dst(%dma_wait3A_349 : memref<6400xf32, #tpu.memory_space<vmem>>)
      %scan3A_351 = arith.constant 0 : i32
      %scan3A_352 = arith.constant 25 : i32
      %scan3A_353 = arith.addi %scan3A_351, %scan3A_352 : i32
      %scan3A_354 = arith.constant 1 : i32
      %scan3A_355 = scf.for %scan3A_560 = %scan3A_351 to %scan3A_353 step %scan3A_354 iter_args(%scan3A_561 = %broadcast_in_dim3A_3) -> (vector<16xf32>)  : i32 {
        %add3A_562 = arith.constant 350 : i32
        %add3A_563 = arith.addi %add3A_562, %scan3A_560 : i32
        %mul3A_564 = arith.constant 256 : i32
        %mul3A_565 = arith.muli %add3A_563, %mul3A_564 : i32
        %get3A_566 = arith.index_cast %mul3A_565 : i32 to index
        %get3A_567 = tpu.vector_load %arg6[%get3A_566] {strides = array<i32>} : memref<102400xf32, #tpu.memory_space<vmem>>, vector<16xf32>,
        %add3A_568 = arith.constant 16 : i32
        %add3A_569 = arith.addi %mul3A_565, %add3A_568 : i32
        %get3A_570 = arith.index_cast %add3A_569 : i32 to index
        %get3A_571 = tpu.vector_load %arg6[%get3A_570] {strides = array<i32>} : memref<102400xf32, #tpu.memory_space<vmem>>, vector<16xf32>,
        %max3A_572 = arith.maximumf %get3A_567, %get3A_571 : vector<16xf32>
        %add3A_573 = arith.constant 32 : i32
        %add3A_574 = arith.addi %mul3A_565, %add3A_573 : i32
        %get3A_575 = arith.index_cast %add3A_574 : i32 to index
        %get3A_576 = tpu.vector_load %arg6[%get3A_575] {strides = array<i32>} : memref<102400xf32, #tpu.memory_space<vmem>>, vector<16xf32>,
        %max3A_577 = arith.maximumf %max3A_572, %get3A_576 : vector<16xf32>
        %add3A_578 = arith.constant 48 : i32
        %add3A_579 = arith.addi %mul3A_565, %add3A_578 : i32
        %get3A_580 = arith.index_cast %add3A_579 : i32 to index
        %get3A_581 = tpu.vector_load %arg6[%get3A_580] {strides = array<i32>} : memref<102400xf32, #tpu.memory_space<vmem>>, vector<16xf32>,
        %max3A_582 = arith.maximumf %max3A_577, %get3A_581 : vector<16xf32>
        %add3A_583 = arith.constant 64 : i32
        %add3A_584 = arith.addi %mul3A_565, %add3A_583 : i32
        %get3A_585 = arith.index_cast %add3A_584 : i32 to index
        %get3A_586 = tpu.vector_load %arg6[%get3A_585] {strides = array<i32>} : memref<102400xf32, #tpu.memory_space<vmem>>, vector<16xf32>,
        %max3A_587 = arith.maximumf %max3A_582, %get3A_586 : vector<16xf32>
        %add3A_588 = arith.constant 80 : i32
        %add3A_589 = arith.addi %mul3A_565, %add3A_588 : i32
        %get3A_590 = arith.index_cast %add3A_589 : i32 to index
        %get3A_591 = tpu.vector_load %arg6[%get3A_590] {strides = array<i32>} : memref<102400xf32, #tpu.memory_space<vmem>>, vector<16xf32>,
        %max3A_592 = arith.maximumf %max3A_587, %get3A_591 : vector<16xf32>
        %add3A_593 = arith.constant 96 : i32
        %add3A_594 = arith.addi %mul3A_565, %add3A_593 : i32
        %get3A_595 = arith.index_cast %add3A_594 : i32 to index
        %get3A_596 = tpu.vector_load %arg6[%get3A_595] {strides = array<i32>} : memref<102400xf32, #tpu.memory_space<vmem>>, vector<16xf32>,
        %max3A_597 = arith.maximumf %max3A_592, %get3A_596 : vector<16xf32>
        %add3A_598 = arith.constant 112 : i32
        %add3A_599 = arith.addi %mul3A_565, %add3A_598 : i32
        %get3A_600 = arith.index_cast %add3A_599 : i32 to index
        %get3A_601 = tpu.vector_load %arg6[%get3A_600] {strides = array<i32>} : memref<102400xf32, #tpu.memory_space<vmem>>, vector<16xf32>,
        %max3A_602 = arith.maximumf %max3A_597, %get3A_601 : vector<16xf32>
        %add3A_603 = arith.constant 128 : i32
        %add3A_604 = arith.addi %mul3A_565, %add3A_603 : i32
        %get3A_605 = arith.index_cast %add3A_604 : i32 to index
        %get3A_606 = tpu.vector_load %arg6[%get3A_605] {strides = array<i32>} : memref<102400xf32, #tpu.memory_space<vmem>>, vector<16xf32>,
        %max3A_607 = arith.maximumf %max3A_602, %get3A_606 : vector<16xf32>
        %add3A_608 = arith.constant 144 : i32
        %add3A_609 = arith.addi %mul3A_565, %add3A_608 : i32
        %get3A_610 = arith.index_cast %add3A_609 : i32 to index
        %get3A_611 = tpu.vector_load %arg6[%get3A_610] {strides = array<i32>} : memref<102400xf32, #tpu.memory_space<vmem>>, vector<16xf32>,
        %max3A_612 = arith.maximumf %max3A_607, %get3A_611 : vector<16xf32>
        %add3A_613 = arith.constant 160 : i32
        %add3A_614 = arith.addi %mul3A_565, %add3A_613 : i32
        %get3A_615 = arith.index_cast %add3A_614 : i32 to index
        %get3A_616 = tpu.vector_load %arg6[%get3A_615] {strides = array<i32>} : memref<102400xf32, #tpu.memory_space<vmem>>, vector<16xf32>,
        %max3A_617 = arith.maximumf %max3A_612, %get3A_616 : vector<16xf32>
        %add3A_618 = arith.constant 176 : i32
        %add3A_619 = arith.addi %mul3A_565, %add3A_618 : i32
        %get3A_620 = arith.index_cast %add3A_619 : i32 to index
        %get3A_621 = tpu.vector_load %arg6[%get3A_620] {strides = array<i32>} : memref<102400xf32, #tpu.memory_space<vmem>>, vector<16xf32>,
        %max3A_622 = arith.maximumf %max3A_617, %get3A_621 : vector<16xf32>
        %add3A_623 = arith.constant 192 : i32
        %add3A_624 = arith.addi %mul3A_565, %add3A_623 : i32
        %get3A_625 = arith.index_cast %add3A_624 : i32 to index
        %get3A_626 = tpu.vector_load %arg6[%get3A_625] {strides = array<i32>} : memref<102400xf32, #tpu.memory_space<vmem>>, vector<16xf32>,
        %max3A_627 = arith.maximumf %max3A_622, %get3A_626 : vector<16xf32>
        %add3A_628 = arith.constant 208 : i32
        %add3A_629 = arith.addi %mul3A_565, %add3A_628 : i32
        %get3A_630 = arith.index_cast %add3A_629 : i32 to index
        %get3A_631 = tpu.vector_load %arg6[%get3A_630] {strides = array<i32>} : memref<102400xf32, #tpu.memory_space<vmem>>, vector<16xf32>,
        %max3A_632 = arith.maximumf %max3A_627, %get3A_631 : vector<16xf32>
        %add3A_633 = arith.constant 224 : i32
        %add3A_634 = arith.addi %mul3A_565, %add3A_633 : i32
        %get3A_635 = arith.index_cast %add3A_634 : i32 to index
        %get3A_636 = tpu.vector_load %arg6[%get3A_635] {strides = array<i32>} : memref<102400xf32, #tpu.memory_space<vmem>>, vector<16xf32>,
        %max3A_637 = arith.maximumf %max3A_632, %get3A_636 : vector<16xf32>
        %add3A_638 = arith.constant 240 : i32
        %add3A_639 = arith.addi %mul3A_565, %add3A_638 : i32
        %get3A_640 = arith.index_cast %add3A_639 : i32 to index
        %get3A_641 = tpu.vector_load %arg6[%get3A_640] {strides = array<i32>} : memref<102400xf32, #tpu.memory_space<vmem>>, vector<16xf32>,
        %max3A_642 = arith.maximumf %max3A_637, %get3A_641 : vector<16xf32>
        %mul3A_643 = arith.constant 16 : i32
        %mul3A_644 = arith.muli %add3A_563, %mul3A_643 : i32
        %swap3A_645 = arith.index_cast %mul3A_644 : i32 to index
        %swap3A_646 = tpu.vector_load %arg7[%swap3A_645] {strides = array<i32>} : memref<6400xf32, #tpu.memory_space<vmem>>, vector<16xf32>,
        tpu.vector_store %arg7[%swap3A_645], %max3A_642 {strides = array<i32>} : memref<6400xf32, #tpu.memory_space<vmem>>, vector<16xf32>,
        %max3A_647 = arith.maximumf %scan3A_561, %max3A_642 : vector<16xf32>
        scf.yield %max3A_647 : vector<16xf32>
      }
      %scan3A_356 = arith.constant 25 : i32
      %swap3A_357 = arith.constant 224 : index
      %swap3A_358 = tpu.vector_load %arg8[%swap3A_357] {strides = array<i32>} : memref<256xf32, #tpu.memory_space<vmem>>, vector<16xf32>,
      tpu.vector_store %arg8[%swap3A_357], %scan3A_355 {strides = array<i32>} : memref<256xf32, #tpu.memory_space<vmem>>, vector<16xf32>,
      %dma_wait3A_359 = arith.constant 96000 : i32
      %dma_wait3A_360 = tpu.memref_slice %arg6[%dma_wait3A_359] : memref<102400xf32, #tpu.memory_space<vmem>> -> memref<4000xf32, #tpu.memory_space<vmem>>
      %dma_wait3A_361 = tpu.memref_slice %arg2[%add3A_330] : memref<12800000xf32, #tpu.memory_space<hbm>> -> memref<4000xf32, #tpu.memory_space<hbm>>
      %dma_wait3A_362 = arith.constant 96000 : i32
      %dma_wait3A_363 = tpu.memref_slice %arg6[%dma_wait3A_362] : memref<102400xf32, #tpu.memory_space<vmem>> -> memref<4000xf32, #tpu.memory_space<vmem>>
      %dma_wait3A_364 = tpu.memref_slice %arg2[%add3A_330] : memref<12800000xf32, #tpu.memory_space<hbm>> -> memref<4000xf32, #tpu.memory_space<hbm>>
      tpu.wait_dma2 semaphore(%arg18 : memref<!tpu.dma_semaphore, #tpu.memory_space<semaphore_mem>>) src(%dma_wait3A_364 : memref<4000xf32, #tpu.memory_space<hbm>>) dst(%dma_wait3A_363 : memref<4000xf32, #tpu.memory_space<vmem>>)
      %scan3A_365 = arith.constant 0 : i32
      %scan3A_366 = arith.constant 25 : i32
      %scan3A_367 = arith.addi %scan3A_365, %scan3A_366 : i32
      %scan3A_368 = arith.constant 1 : i32
      %scan3A_369 = scf.for %scan3A_560 = %scan3A_365 to %scan3A_367 step %scan3A_368 iter_args(%scan3A_561 = %broadcast_in_dim3A_3) -> (vector<16xf32>)  : i32 {
        %add3A_562 = arith.constant 375 : i32
        %add3A_563 = arith.addi %add3A_562, %scan3A_560 : i32
        %mul3A_564 = arith.constant 256 : i32
        %mul3A_565 = arith.muli %add3A_563, %mul3A_564 : i32
        %get3A_566 = arith.index_cast %mul3A_565 : i32 to index
        %get3A_567 = tpu.vector_load %arg6[%get3A_566] {strides = array<i32>} : memref<102400xf32, #tpu.memory_space<vmem>>, vector<16xf32>,
        %add3A_568 = arith.constant 16 : i32
        %add3A_569 = arith.addi %mul3A_565, %add3A_568 : i32
        %get3A_570 = arith.index_cast %add3A_569 : i32 to index
        %get3A_571 = tpu.vector_load %arg6[%get3A_570] {strides = array<i32>} : memref<102400xf32, #tpu.memory_space<vmem>>, vector<16xf32>,
        %max3A_572 = arith.maximumf %get3A_567, %get3A_571 : vector<16xf32>
        %add3A_573 = arith.constant 32 : i32
        %add3A_574 = arith.addi %mul3A_565, %add3A_573 : i32
        %get3A_575 = arith.index_cast %add3A_574 : i32 to index
        %get3A_576 = tpu.vector_load %arg6[%get3A_575] {strides = array<i32>} : memref<102400xf32, #tpu.memory_space<vmem>>, vector<16xf32>,
        %max3A_577 = arith.maximumf %max3A_572, %get3A_576 : vector<16xf32>
        %add3A_578 = arith.constant 48 : i32
        %add3A_579 = arith.addi %mul3A_565, %add3A_578 : i32
        %get3A_580 = arith.index_cast %add3A_579 : i32 to index
        %get3A_581 = tpu.vector_load %arg6[%get3A_580] {strides = array<i32>} : memref<102400xf32, #tpu.memory_space<vmem>>, vector<16xf32>,
        %max3A_582 = arith.maximumf %max3A_577, %get3A_581 : vector<16xf32>
        %add3A_583 = arith.constant 64 : i32
        %add3A_584 = arith.addi %mul3A_565, %add3A_583 : i32
        %get3A_585 = arith.index_cast %add3A_584 : i32 to index
        %get3A_586 = tpu.vector_load %arg6[%get3A_585] {strides = array<i32>} : memref<102400xf32, #tpu.memory_space<vmem>>, vector<16xf32>,
        %max3A_587 = arith.maximumf %max3A_582, %get3A_586 : vector<16xf32>
        %add3A_588 = arith.constant 80 : i32
        %add3A_589 = arith.addi %mul3A_565, %add3A_588 : i32
        %get3A_590 = arith.index_cast %add3A_589 : i32 to index
        %get3A_591 = tpu.vector_load %arg6[%get3A_590] {strides = array<i32>} : memref<102400xf32, #tpu.memory_space<vmem>>, vector<16xf32>,
        %max3A_592 = arith.maximumf %max3A_587, %get3A_591 : vector<16xf32>
        %add3A_593 = arith.constant 96 : i32
        %add3A_594 = arith.addi %mul3A_565, %add3A_593 : i32
        %get3A_595 = arith.index_cast %add3A_594 : i32 to index
        %get3A_596 = tpu.vector_load %arg6[%get3A_595] {strides = array<i32>} : memref<102400xf32, #tpu.memory_space<vmem>>, vector<16xf32>,
        %max3A_597 = arith.maximumf %max3A_592, %get3A_596 : vector<16xf32>
        %add3A_598 = arith.constant 112 : i32
        %add3A_599 = arith.addi %mul3A_565, %add3A_598 : i32
        %get3A_600 = arith.index_cast %add3A_599 : i32 to index
        %get3A_601 = tpu.vector_load %arg6[%get3A_600] {strides = array<i32>} : memref<102400xf32, #tpu.memory_space<vmem>>, vector<16xf32>,
        %max3A_602 = arith.maximumf %max3A_597, %get3A_601 : vector<16xf32>
        %add3A_603 = arith.constant 128 : i32
        %add3A_604 = arith.addi %mul3A_565, %add3A_603 : i32
        %get3A_605 = arith.index_cast %add3A_604 : i32 to index
        %get3A_606 = tpu.vector_load %arg6[%get3A_605] {strides = array<i32>} : memref<102400xf32, #tpu.memory_space<vmem>>, vector<16xf32>,
        %max3A_607 = arith.maximumf %max3A_602, %get3A_606 : vector<16xf32>
        %add3A_608 = arith.constant 144 : i32
        %add3A_609 = arith.addi %mul3A_565, %add3A_608 : i32
        %get3A_610 = arith.index_cast %add3A_609 : i32 to index
        %get3A_611 = tpu.vector_load %arg6[%get3A_610] {strides = array<i32>} : memref<102400xf32, #tpu.memory_space<vmem>>, vector<16xf32>,
        %max3A_612 = arith.maximumf %max3A_607, %get3A_611 : vector<16xf32>
        %add3A_613 = arith.constant 160 : i32
        %add3A_614 = arith.addi %mul3A_565, %add3A_613 : i32
        %get3A_615 = arith.index_cast %add3A_614 : i32 to index
        %get3A_616 = tpu.vector_load %arg6[%get3A_615] {strides = array<i32>} : memref<102400xf32, #tpu.memory_space<vmem>>, vector<16xf32>,
        %max3A_617 = arith.maximumf %max3A_612, %get3A_616 : vector<16xf32>
        %add3A_618 = arith.constant 176 : i32
        %add3A_619 = arith.addi %mul3A_565, %add3A_618 : i32
        %get3A_620 = arith.index_cast %add3A_619 : i32 to index
        %get3A_621 = tpu.vector_load %arg6[%get3A_620] {strides = array<i32>} : memref<102400xf32, #tpu.memory_space<vmem>>, vector<16xf32>,
        %max3A_622 = arith.maximumf %max3A_617, %get3A_621 : vector<16xf32>
        %add3A_623 = arith.constant 192 : i32
        %add3A_624 = arith.addi %mul3A_565, %add3A_623 : i32
        %get3A_625 = arith.index_cast %add3A_624 : i32 to index
        %get3A_626 = tpu.vector_load %arg6[%get3A_625] {strides = array<i32>} : memref<102400xf32, #tpu.memory_space<vmem>>, vector<16xf32>,
        %max3A_627 = arith.maximumf %max3A_622, %get3A_626 : vector<16xf32>
        %add3A_628 = arith.constant 208 : i32
        %add3A_629 = arith.addi %mul3A_565, %add3A_628 : i32
        %get3A_630 = arith.index_cast %add3A_629 : i32 to index
        %get3A_631 = tpu.vector_load %arg6[%get3A_630] {strides = array<i32>} : memref<102400xf32, #tpu.memory_space<vmem>>, vector<16xf32>,
        %max3A_632 = arith.maximumf %max3A_627, %get3A_631 : vector<16xf32>
        %add3A_633 = arith.constant 224 : i32
        %add3A_634 = arith.addi %mul3A_565, %add3A_633 : i32
        %get3A_635 = arith.index_cast %add3A_634 : i32 to index
        %get3A_636 = tpu.vector_load %arg6[%get3A_635] {strides = array<i32>} : memref<102400xf32, #tpu.memory_space<vmem>>, vector<16xf32>,
        %max3A_637 = arith.maximumf %max3A_632, %get3A_636 : vector<16xf32>
        %add3A_638 = arith.constant 240 : i32
        %add3A_639 = arith.addi %mul3A_565, %add3A_638 : i32
        %get3A_640 = arith.index_cast %add3A_639 : i32 to index
        %get3A_641 = tpu.vector_load %arg6[%get3A_640] {strides = array<i32>} : memref<102400xf32, #tpu.memory_space<vmem>>, vector<16xf32>,
        %max3A_642 = arith.maximumf %max3A_637, %get3A_641 : vector<16xf32>
        %mul3A_643 = arith.constant 16 : i32
        %mul3A_644 = arith.muli %add3A_563, %mul3A_643 : i32
        %swap3A_645 = arith.index_cast %mul3A_644 : i32 to index
        %swap3A_646 = tpu.vector_load %arg7[%swap3A_645] {strides = array<i32>} : memref<6400xf32, #tpu.memory_space<vmem>>, vector<16xf32>,
        tpu.vector_store %arg7[%swap3A_645], %max3A_642 {strides = array<i32>} : memref<6400xf32, #tpu.memory_space<vmem>>, vector<16xf32>,
        %max3A_647 = arith.maximumf %scan3A_561, %max3A_642 : vector<16xf32>
        scf.yield %max3A_647 : vector<16xf32>
      }
      %scan3A_370 = arith.constant 25 : i32
      %swap3A_371 = arith.constant 240 : index
      %swap3A_372 = tpu.vector_load %arg8[%swap3A_371] {strides = array<i32>} : memref<256xf32, #tpu.memory_space<vmem>>, vector<16xf32>,
      tpu.vector_store %arg8[%swap3A_371], %scan3A_369 {strides = array<i32>} : memref<256xf32, #tpu.memory_space<vmem>>, vector<16xf32>,
      %broadcast_in_dim3A_373 = arith.constant 0x7F800000 : f32
      %broadcast_in_dim3A_374 = vector.broadcast %broadcast_in_dim3A_373 : f32 to vector<16xf32>
      %scan3A_375 = arith.constant 0 : i32
      %scan3A_376 = arith.constant 16 : i32
      %scan3A_377 = arith.addi %scan3A_375, %scan3A_376 : i32
      %scan3A_378 = arith.constant 1 : i32
      %scan3A_379 = scf.for %scan3A_560 = %scan3A_375 to %scan3A_377 step %scan3A_378 iter_args(%scan3A_561 = %broadcast_in_dim3A_374) -> (vector<16xf32>)  : i32 {
        %mul3A_562 = arith.constant 16 : i32
        %mul3A_563 = arith.muli %scan3A_560, %mul3A_562 : i32
        %get3A_564 = arith.index_cast %mul3A_563 : i32 to index
        %get3A_565 = tpu.vector_load %arg8[%get3A_564] {strides = array<i32>} : memref<256xf32, #tpu.memory_space<vmem>>, vector<16xf32>,
        %sort3A = arith.constant dense<true> : vector<16xi1>
        %sort3A_566, %sort3A_567, %sort3A_568 = tpu.sort %get3A_565, %get3A_565 masked %sort3A : (vector<16xf32>, vector<16xf32>, vector<16xi1>) -> (vector<16xi1>, vector<16xf32>, vector<16xf32>)
        %min3A_569 = arith.minimumf %scan3A_561, %sort3A_567 : vector<16xf32>
        scf.yield %min3A_569 : vector<16xf32>
      }
      %scan3A_380 = arith.constant 16 : i32
      %slice3A = vector.extract_strided_slice %scan3A_379 {offsets = [12], sizes = [1], strides = [1]} : vector<16xf32> to vector<1xf32>
      %squeeze3A = vector.extract %slice3A[0] : f32 from vector<1xf32>
      %scan3A_381 = arith.constant 0 : i32
      %scan3A_382 = arith.constant 0 : i32
      %scan3A_383 = arith.constant 400 : i32
      %scan3A_384 = arith.addi %scan3A_382, %scan3A_383 : i32
      %scan3A_385 = arith.constant 1 : i32
      %scan3A_386 = scf.for %scan3A_560 = %scan3A_382 to %scan3A_384 step %scan3A_385 iter_args(%scan3A_561 = %scan3A_381) -> (i32)  : i32 {
        %mul3A_562 = arith.constant 16 : i32
        %mul3A_563 = arith.muli %scan3A_560, %mul3A_562 : i32
        %get3A_564 = arith.index_cast %mul3A_563 : i32 to index
        %get3A_565 = tpu.vector_load %arg7[%get3A_564] {strides = array<i32>} : memref<6400xf32, #tpu.memory_space<vmem>>, vector<16xf32>,
        %ge3A = vector.broadcast %squeeze3A : f32 to vector<16xf32>
        %ge3A_566 = arith.cmpf oge, %get3A_565, %ge3A : vector<16xf32>
        %mul3A_567 = arith.constant 16 : i32
        %mul3A_568 = arith.muli %scan3A_560, %mul3A_567 : i32
        %add3A_569 = vector.broadcast %mul3A_568 : i32 to vector<16xi32>
        %add3A_570 = arith.addi %add3A_569, %iota3A : vector<16xi32>
        %swap3A_571 = arith.index_cast %scan3A_561 : i32 to index
        %swap3A_572 = tpu.vector_load %arg9[%swap3A_571] masked %ge3A_566 {strides = array<i32>} : memref<6416xi32, #tpu.memory_space<vmem>>, vector<16xi32>, vector<16xi1>
        tpu.vector_store %arg9[%swap3A_571], %add3A_570 masked %ge3A_566 {strides = array<i32>} : memref<6416xi32, #tpu.memory_space<vmem>>, vector<16xi32>, vector<16xi1>
        %all_reduce_population_count3A = tpu.all_reduce %ge3A_566 {dim = 0 : i64, kind = #tpu.reduction_kind<sum>} : vector<16xi1> -> vector<16xi32>
        %slice3A_573 = vector.extract_strided_slice %all_reduce_population_count3A {offsets = [0], sizes = [1], strides = [1]} : vector<16xi32> to vector<1xi32>
        %squeeze3A_574 = vector.extract %slice3A_573[0] : i32 from vector<1xi32>
        %add3A_575 = arith.addi %scan3A_561, %squeeze3A_574 : i32
        scf.yield %add3A_575 : i32
      }
      %scan3A_387 = arith.constant 400 : i32
      %while3A = arith.constant 0 : i32
      %while3A_388 = arith.constant 0 : i32
      %while3A_389 = arith.subi %scan3A_386, %while3A : i32
      %while3A_390 = arith.addi %while3A, %while3A_389 : i32
      %while3A_391 = arith.constant 1 : i32
      %while3A_392 = arith.divsi %while3A_389, %while3A_391 : i32
      %while3A_393 = arith.muli %while3A_392, %while3A_391 : i32
      %while3A_394 = arith.addi %while3A, %while3A_393 : i32
      %while3A_395 = arith.constant 1 : i32
      %while3A_396 = scf.for %while3A_560 = %while3A to %while3A_394 step %while3A_395 iter_args(%while3A_561 = %while3A_388) -> (i32)  : i32 {
        %get3A_562 = arith.index_cast %while3A_560 : i32 to index
        %get3A_563 = tpu.vector_load %arg9[%get3A_562] {strides = array<i32>} : memref<6416xi32, #tpu.memory_space<vmem>>, vector<16xi32>,
        %slice3A_564 = vector.extract_strided_slice %get3A_563 {offsets = [0], sizes = [1], strides = [1]} : vector<16xi32> to vector<1xi32>
        %squeeze3A_565 = vector.extract %slice3A_564[0] : i32 from vector<1xi32>
        %shift_right_arithmetic3A_566 = arith.constant 4 : i32
        %shift_right_arithmetic3A_567 = arith.shrsi %squeeze3A_565, %shift_right_arithmetic3A_566 : i32
        %mul3A_568 = arith.constant 256 : i32
        %mul3A_569 = arith.muli %shift_right_arithmetic3A_567, %mul3A_568 : i32
        %and3A = arith.constant 15 : i32
        %and3A_570 = arith.andi %squeeze3A_565, %and3A : i32
        %add3A_571 = arith.addi %mul3A_569, %and3A_570 : i32
        %mul3A_572 = arith.constant 16 : i32
        %mul3A_573 = vector.broadcast %mul3A_572 : i32 to vector<16xi32>
        %mul3A_574 = arith.muli %mul3A_573, %iota3A : vector<16xi32>
        %add3A_575 = vector.broadcast %add3A_571 : i32 to vector<16xi32>
        %add3A_576 = arith.addi %add3A_575, %mul3A_574 : vector<16xi32>
        %gather3A = tpu.vector_load_idx %arg6[%add3A_576] : memref<102400xf32, #tpu.memory_space<vmem>>[vector<16xi32>], vector<16xf32>,
        %ge3A = vector.broadcast %squeeze3A : f32 to vector<16xf32>
        %ge3A_577 = arith.cmpf oge, %gather3A, %ge3A : vector<16xf32>
        %lt3A_578 = arith.constant 2033 : i32
        %lt3A_579 = arith.cmpi slt, %while3A_561, %lt3A_578 : i32
        %and3A_580 = vector.broadcast %lt3A_579 : i1 to vector<16xi1>
        %and3A_581 = arith.andi %ge3A_577, %and3A_580 : vector<16xi1>
        %swap3A_582 = arith.index_cast %while3A_561 : i32 to index
        %swap3A_583 = tpu.vector_load %arg10[%swap3A_582] masked %and3A_581 {strides = array<i32>} : memref<2064xf32, #tpu.memory_space<vmem>>, vector<16xf32>, vector<16xi1>
        tpu.vector_store %arg10[%swap3A_582], %gather3A masked %and3A_581 {strides = array<i32>} : memref<2064xf32, #tpu.memory_space<vmem>>, vector<16xf32>, vector<16xi1>
        %swap3A_584 = arith.index_cast %while3A_561 : i32 to index
        %swap3A_585 = tpu.vector_load %arg11[%swap3A_584] masked %and3A_581 {strides = array<i32>} : memref<2064xi32, #tpu.memory_space<vmem>>, vector<16xi32>, vector<16xi1>
        tpu.vector_store %arg11[%swap3A_584], %add3A_576 masked %and3A_581 {strides = array<i32>} : memref<2064xi32, #tpu.memory_space<vmem>>, vector<16xi32>, vector<16xi1>
        %all_reduce_population_count3A = tpu.all_reduce %and3A_581 {dim = 0 : i64, kind = #tpu.reduction_kind<sum>} : vector<16xi1> -> vector<16xi32>
        %slice3A_586 = vector.extract_strided_slice %all_reduce_population_count3A {offsets = [0], sizes = [1], strides = [1]} : vector<16xi32> to vector<1xi32>
        %squeeze3A_587 = vector.extract %slice3A_586[0] : i32 from vector<1xi32>
        %add3A_588 = arith.addi %while3A_561, %squeeze3A_587 : i32
        scf.yield %add3A_588 : i32
      }
      %while3A_397 = arith.constant 1 : i32
      %while3A_398 = scf.for %while3A_560 = %while3A_394 to %while3A_390 step %while3A_397 iter_args(%while3A_561 = %while3A_396) -> (i32)  : i32 {
        %get3A_562 = arith.index_cast %while3A_560 : i32 to index
        %get3A_563 = tpu.vector_load %arg9[%get3A_562] {strides = array<i32>} : memref<6416xi32, #tpu.memory_space<vmem>>, vector<16xi32>,
        %slice3A_564 = vector.extract_strided_slice %get3A_563 {offsets = [0], sizes = [1], strides = [1]} : vector<16xi32> to vector<1xi32>
        %squeeze3A_565 = vector.extract %slice3A_564[0] : i32 from vector<1xi32>
        %shift_right_arithmetic3A_566 = arith.constant 4 : i32
        %shift_right_arithmetic3A_567 = arith.shrsi %squeeze3A_565, %shift_right_arithmetic3A_566 : i32
        %mul3A_568 = arith.constant 256 : i32
        %mul3A_569 = arith.muli %shift_right_arithmetic3A_567, %mul3A_568 : i32
        %and3A = arith.constant 15 : i32
        %and3A_570 = arith.andi %squeeze3A_565, %and3A : i32
        %add3A_571 = arith.addi %mul3A_569, %and3A_570 : i32
        %mul3A_572 = arith.constant 16 : i32
        %mul3A_573 = vector.broadcast %mul3A_572 : i32 to vector<16xi32>
        %mul3A_574 = arith.muli %mul3A_573, %iota3A : vector<16xi32>
        %add3A_575 = vector.broadcast %add3A_571 : i32 to vector<16xi32>
        %add3A_576 = arith.addi %add3A_575, %mul3A_574 : vector<16xi32>
        %gather3A = tpu.vector_load_idx %arg6[%add3A_576] : memref<102400xf32, #tpu.memory_space<vmem>>[vector<16xi32>], vector<16xf32>,
        %ge3A = vector.broadcast %squeeze3A : f32 to vector<16xf32>
        %ge3A_577 = arith.cmpf oge, %gather3A, %ge3A : vector<16xf32>
        %lt3A_578 = arith.constant 2033 : i32
        %lt3A_579 = arith.cmpi slt, %while3A_561, %lt3A_578 : i32
        %and3A_580 = vector.broadcast %lt3A_579 : i1 to vector<16xi1>
        %and3A_581 = arith.andi %ge3A_577, %and3A_580 : vector<16xi1>
        %swap3A_582 = arith.index_cast %while3A_561 : i32 to index
        %swap3A_583 = tpu.vector_load %arg10[%swap3A_582] masked %and3A_581 {strides = array<i32>} : memref<2064xf32, #tpu.memory_space<vmem>>, vector<16xf32>, vector<16xi1>
        tpu.vector_store %arg10[%swap3A_582], %gather3A masked %and3A_581 {strides = array<i32>} : memref<2064xf32, #tpu.memory_space<vmem>>, vector<16xf32>, vector<16xi1>
        %swap3A_584 = arith.index_cast %while3A_561 : i32 to index
        %swap3A_585 = tpu.vector_load %arg11[%swap3A_584] masked %and3A_581 {strides = array<i32>} : memref<2064xi32, #tpu.memory_space<vmem>>, vector<16xi32>, vector<16xi1>
        tpu.vector_store %arg11[%swap3A_584], %add3A_576 masked %and3A_581 {strides = array<i32>} : memref<2064xi32, #tpu.memory_space<vmem>>, vector<16xi32>, vector<16xi1>
        %all_reduce_population_count3A = tpu.all_reduce %and3A_581 {dim = 0 : i64, kind = #tpu.reduction_kind<sum>} : vector<16xi1> -> vector<16xi32>
        %slice3A_586 = vector.extract_strided_slice %all_reduce_population_count3A {offsets = [0], sizes = [1], strides = [1]} : vector<16xi32> to vector<1xi32>
        %squeeze3A_587 = vector.extract %slice3A_586[0] : i32 from vector<1xi32>
        %add3A_588 = arith.addi %while3A_561, %squeeze3A_587 : i32
        scf.yield %add3A_588 : i32
      }
      %swap3A_399 = arith.index_cast %while3A_398 : i32 to index
      %swap3A_400 = tpu.vector_load %arg10[%swap3A_399] {strides = array<i32>} : memref<2064xf32, #tpu.memory_space<vmem>>, vector<16xf32>,
      tpu.vector_store %arg10[%swap3A_399], %broadcast_in_dim3A_3 {strides = array<i32>} : memref<2064xf32, #tpu.memory_space<vmem>>, vector<16xf32>,
      %swap3A_401 = arith.index_cast %while3A_398 : i32 to index
      %swap3A_402 = tpu.vector_load %arg11[%swap3A_401] {strides = array<i32>} : memref<2064xi32, #tpu.memory_space<vmem>>, vector<16xi32>,
      tpu.vector_store %arg11[%swap3A_401], %broadcast_in_dim3A_5 {strides = array<i32>} : memref<2064xi32, #tpu.memory_space<vmem>>, vector<16xi32>,
      %add3A_403 = arith.constant 15 : i32
      %add3A_404 = arith.addi %while3A_398, %add3A_403 : i32
      %shift_right_arithmetic3A = arith.constant 4 : i32
      %shift_right_arithmetic3A_405 = arith.shrsi %add3A_404, %shift_right_arithmetic3A : i32
      %broadcast_in_dim3A_406 = arith.constant 0 : i32
      %broadcast_in_dim3A_407 = vector.broadcast %broadcast_in_dim3A_406 : i32 to vector<16xi32>
      %swap3A_408 = arith.constant 48 : index
      %swap3A_409 = tpu.vector_load %arg12[%swap3A_408] {strides = array<i32>} : memref<80xf32, #tpu.memory_space<vmem>>, vector<16xf32>,
      tpu.vector_store %arg12[%swap3A_408], %broadcast_in_dim3A_3 {strides = array<i32>} : memref<80xf32, #tpu.memory_space<vmem>>, vector<16xf32>,
      %scan3A_410 = arith.constant 0 : i32
      %scan3A_411 = arith.constant 0 : i32
      %scan3A_412 = arith.constant 50 : i32
      %scan3A_413 = arith.addi %scan3A_411, %scan3A_412 : i32
      %scan3A_414 = arith.constant 1 : i32
      %scan3A_415 = scf.for %scan3A_560 = %scan3A_411 to %scan3A_413 step %scan3A_414 iter_args(%scan3A_561 = %scan3A_410) -> (i32)  : i32 {
        %while3A_562 = arith.constant 0 : i32
        %while3A_563 = arith.subi %shift_right_arithmetic3A_405, %while3A_562 : i32
        %while3A_564 = arith.addi %while3A_562, %while3A_563 : i32
        %while3A_565 = arith.constant 1 : i32
        %while3A_566 = arith.divsi %while3A_563, %while3A_565 : i32
        %while3A_567 = arith.muli %while3A_566, %while3A_565 : i32
        %while3A_568 = arith.addi %while3A_562, %while3A_567 : i32
        %while3A_569 = arith.constant 1 : i32
        %while3A_570:3 = scf.for %while3A_627 = %while3A_562 to %while3A_568 step %while3A_569 iter_args(%while3A_628 = %broadcast_in_dim3A_3, %while3A_629 = %broadcast_in_dim3A_5, %while3A_630 = %broadcast_in_dim3A_407) -> (vector<16xf32>, vector<16xi32>, vector<16xi32>)  : i32 {
          %mul3A_631 = arith.constant 16 : i32
          %mul3A_632 = arith.muli %while3A_627, %mul3A_631 : i32
          %get3A_633 = arith.index_cast %mul3A_632 : i32 to index
          %get3A_634 = tpu.vector_load %arg10[%get3A_633] {strides = array<i32>} : memref<2064xf32, #tpu.memory_space<vmem>>, vector<16xf32>,
          %mul3A_635 = arith.constant 16 : i32
          %mul3A_636 = arith.muli %while3A_627, %mul3A_635 : i32
          %get3A_637 = arith.index_cast %mul3A_636 : i32 to index
          %get3A_638 = tpu.vector_load %arg11[%get3A_637] {strides = array<i32>} : memref<2064xi32, #tpu.memory_space<vmem>>, vector<16xi32>,
          %gt3A = arith.cmpf ogt, %get3A_634, %while3A_628 : vector<16xf32>
          %eq3A_639 = arith.cmpf oeq, %get3A_634, %while3A_628 : vector<16xf32>
          %lt3A_640 = arith.cmpi slt, %get3A_638, %while3A_629 : vector<16xi32>
          %and3A_641 = arith.andi %eq3A_639, %lt3A_640 : vector<16xi1>
          %or3A = arith.ori %gt3A, %and3A_641 : vector<16xi1>
          %broadcast_in_dim3A_642 = vector.broadcast %while3A_627 : i32 to vector<16xi32>
          %select_n3A_643 = arith.select %or3A, %get3A_634, %while3A_628 : vector<16xi1>, vector<16xf32>
          %select_n3A_644 = arith.select %or3A, %get3A_638, %while3A_629 : vector<16xi1>, vector<16xi32>
          %select_n3A_645 = arith.select %or3A, %broadcast_in_dim3A_642, %while3A_630 : vector<16xi1>, vector<16xi32>
          scf.yield %select_n3A_643, %select_n3A_644, %select_n3A_645 : vector<16xf32>, vector<16xi32>, vector<16xi32>
        }
        %while3A_571 = arith.constant 1 : i32
        %while3A_572:3 = scf.for %while3A_627 = %while3A_568 to %while3A_564 step %while3A_571 iter_args(%while3A_628 = %while3A_570#0, %while3A_629 = %while3A_570#1, %while3A_630 = %while3A_570#2) -> (vector<16xf32>, vector<16xi32>, vector<16xi32>)  : i32 {
          %mul3A_631 = arith.constant 16 : i32
          %mul3A_632 = arith.muli %while3A_627, %mul3A_631 : i32
          %get3A_633 = arith.index_cast %mul3A_632 : i32 to index
          %get3A_634 = tpu.vector_load %arg10[%get3A_633] {strides = array<i32>} : memref<2064xf32, #tpu.memory_space<vmem>>, vector<16xf32>,
          %mul3A_635 = arith.constant 16 : i32
          %mul3A_636 = arith.muli %while3A_627, %mul3A_635 : i32
          %get3A_637 = arith.index_cast %mul3A_636 : i32 to index
          %get3A_638 = tpu.vector_load %arg11[%get3A_637] {strides = array<i32>} : memref<2064xi32, #tpu.memory_space<vmem>>, vector<16xi32>,
          %gt3A = arith.cmpf ogt, %get3A_634, %while3A_628 : vector<16xf32>
          %eq3A_639 = arith.cmpf oeq, %get3A_634, %while3A_628 : vector<16xf32>
          %lt3A_640 = arith.cmpi slt, %get3A_638, %while3A_629 : vector<16xi32>
          %and3A_641 = arith.andi %eq3A_639, %lt3A_640 : vector<16xi1>
          %or3A = arith.ori %gt3A, %and3A_641 : vector<16xi1>
          %broadcast_in_dim3A_642 = vector.broadcast %while3A_627 : i32 to vector<16xi32>
          %select_n3A_643 = arith.select %or3A, %get3A_634, %while3A_628 : vector<16xi1>, vector<16xf32>
          %select_n3A_644 = arith.select %or3A, %get3A_638, %while3A_629 : vector<16xi1>, vector<16xi32>
          %select_n3A_645 = arith.select %or3A, %broadcast_in_dim3A_642, %while3A_630 : vector<16xi1>, vector<16xi32>
          scf.yield %select_n3A_643, %select_n3A_644, %select_n3A_645 : vector<16xf32>, vector<16xi32>, vector<16xi32>
        }
        %reduce_max3A = arith.constant true
        %reduce_max3A_573 = vector.broadcast %reduce_max3A : i1 to vector<16xi1>
        %reduce_max3A_574 = tpu.scan <max>, %while3A_572#0 masked %reduce_max3A_573 : vector<16xf32>, vector<16xi1> -> vector<16xf32>
        %reduce_max3A_575 = vector.extract %reduce_max3A_574[15] : f32 from vector<16xf32>
        %eq3A_576 = vector.broadcast %reduce_max3A_575 : f32 to vector<16xf32>
        %eq3A_577 = arith.cmpf oeq, %while3A_572#0, %eq3A_576 : vector<16xf32>
        %jit3A_578 = arith.constant 2147483647 : i32
        %broadcast_in_dim3A_579 = vector.broadcast %jit3A_578 : i32 to vector<16xi32>
        %select_n3A = arith.select %eq3A_577, %while3A_572#1, %broadcast_in_dim3A_579 : vector<16xi1>, vector<16xi32>
        %reduce_min3A = arith.constant true
        %reduce_min3A_580 = vector.broadcast %reduce_min3A : i1 to vector<16xi1>
        %reduce_min3A_581 = arith.constant -2147483648 : i32
        %reduce_min3A_582 = vector.broadcast %reduce_min3A_581 : i32 to vector<16xi32>
        %reduce_min3A_583 = arith.xori %select_n3A, %reduce_min3A_582 : vector<16xi32>
        %reduce_min3A_584 = tpu.scan <min>, %reduce_min3A_583 masked %reduce_min3A_580 : vector<16xi32>, vector<16xi1> -> vector<16xi32>
        %reduce_min3A_585 = arith.xori %reduce_min3A_584, %reduce_min3A_582 : vector<16xi32>
        %reduce_min3A_586 = vector.extract %reduce_min3A_585[15] : i32 from vector<16xi32>
        %eq3A_587 = vector.broadcast %reduce_min3A_586 : i32 to vector<16xi32>
        %eq3A_588 = arith.cmpi eq, %while3A_572#1, %eq3A_587 : vector<16xi32>
        %and3A = arith.andi %eq3A_577, %eq3A_588 : vector<16xi1>
        %jit3A_589 = arith.constant 0 : i32
        %broadcast_in_dim3A_590 = vector.broadcast %jit3A_589 : i32 to vector<16xi32>
        %select_n3A_591 = arith.select %and3A, %while3A_572#2, %broadcast_in_dim3A_590 : vector<16xi1>, vector<16xi32>
        %reduce_max3A_592 = arith.constant true
        %reduce_max3A_593 = vector.broadcast %reduce_max3A_592 : i1 to vector<16xi1>
        %reduce_max3A_594 = arith.constant -2147483648 : i32
        %reduce_max3A_595 = vector.broadcast %reduce_max3A_594 : i32 to vector<16xi32>
        %reduce_max3A_596 = arith.xori %select_n3A_591, %reduce_max3A_595 : vector<16xi32>
        %reduce_max3A_597 = tpu.scan <max>, %reduce_max3A_596 masked %reduce_max3A_593 : vector<16xi32>, vector<16xi1> -> vector<16xi32>
        %reduce_max3A_598 = arith.xori %reduce_max3A_597, %reduce_max3A_595 : vector<16xi32>
        %reduce_max3A_599 = vector.extract %reduce_max3A_598[15] : i32 from vector<16xi32>
        %eq3A_600 = arith.constant 0 : i32
        %eq3A_601 = vector.broadcast %eq3A_600 : i32 to vector<16xi32>
        %eq3A_602 = arith.cmpi eq, %iota3A, %eq3A_601 : vector<16xi32>
        %broadcast_in_dim3A_603 = vector.broadcast %reduce_max3A_575 : f32 to vector<16xf32>
        %swap3A_604 = arith.index_cast %scan3A_560 : i32 to index
        %swap3A_605 = tpu.vector_load %arg12[%swap3A_604] masked %eq3A_602 {strides = array<i32>} : memref<80xf32, #tpu.memory_space<vmem>>, vector<16xf32>, vector<16xi1>
        tpu.vector_store %arg12[%swap3A_604], %broadcast_in_dim3A_603 masked %eq3A_602 {strides = array<i32>} : memref<80xf32, #tpu.memory_space<vmem>>, vector<16xf32>, vector<16xi1>
        %broadcast_in_dim3A_606 = vector.broadcast %reduce_min3A_586 : i32 to vector<16xi32>
        %swap3A_607 = arith.index_cast %scan3A_560 : i32 to index
        %swap3A_608 = tpu.vector_load %arg13[%swap3A_607] masked %eq3A_602 {strides = array<i32>} : memref<80xi32, #tpu.memory_space<vmem>>, vector<16xi32>, vector<16xi1>
        tpu.vector_store %arg13[%swap3A_607], %broadcast_in_dim3A_606 masked %eq3A_602 {strides = array<i32>} : memref<80xi32, #tpu.memory_space<vmem>>, vector<16xi32>, vector<16xi1>
        %mul3A_609 = arith.constant 16 : i32
        %mul3A_610 = arith.muli %reduce_max3A_599, %mul3A_609 : i32
        %get3A_611 = arith.index_cast %mul3A_610 : i32 to index
        %get3A_612 = tpu.vector_load %arg10[%get3A_611] {strides = array<i32>} : memref<2064xf32, #tpu.memory_space<vmem>>, vector<16xf32>,
        %mul3A_613 = arith.constant 16 : i32
        %mul3A_614 = arith.muli %reduce_max3A_599, %mul3A_613 : i32
        %get3A_615 = arith.index_cast %mul3A_614 : i32 to index
        %get3A_616 = tpu.vector_load %arg11[%get3A_615] {strides = array<i32>} : memref<2064xi32, #tpu.memory_space<vmem>>, vector<16xi32>,
        %eq3A_617 = vector.broadcast %reduce_min3A_586 : i32 to vector<16xi32>
        %eq3A_618 = arith.cmpi eq, %get3A_616, %eq3A_617 : vector<16xi32>
        %jit3A_619 = arith.constant 0xFF800000 : f32
        %broadcast_in_dim3A_620 = vector.broadcast %jit3A_619 : f32 to vector<16xf32>
        %select_n3A_621 = arith.select %eq3A_618, %broadcast_in_dim3A_620, %get3A_612 : vector<16xi1>, vector<16xf32>
        %mul3A_622 = arith.constant 16 : i32
        %mul3A_623 = arith.muli %reduce_max3A_599, %mul3A_622 : i32
        %swap3A_624 = arith.index_cast %mul3A_623 : i32 to index
        %swap3A_625 = tpu.vector_load %arg10[%swap3A_624] {strides = array<i32>} : memref<2064xf32, #tpu.memory_space<vmem>>, vector<16xf32>,
        tpu.vector_store %arg10[%swap3A_624], %select_n3A_621 {strides = array<i32>} : memref<2064xf32, #tpu.memory_space<vmem>>, vector<16xf32>,
        %scan3A_626 = arith.constant 0 : i32
        scf.yield %scan3A_626 : i32
      }
      %scan3A_416 = arith.constant 50 : i32
      %get3A = arith.constant 0 : index
      %get3A_417 = tpu.vector_load %arg12[%get3A] {strides = array<i32>} : memref<80xf32, #tpu.memory_space<vmem>>, vector<16xf32>,
      %div3A = arith.constant 8.000000e-01 : f32
      %div3A_418 = vector.broadcast %div3A : f32 to vector<16xf32>
      %div3A_419 = arith.divf %get3A_417, %div3A_418 : vector<16xf32>
      %get3A_420 = arith.constant 16 : index
      %get3A_421 = tpu.vector_load %arg12[%get3A_420] {strides = array<i32>} : memref<80xf32, #tpu.memory_space<vmem>>, vector<16xf32>,
      %div3A_422 = arith.constant 8.000000e-01 : f32
      %div3A_423 = vector.broadcast %div3A_422 : f32 to vector<16xf32>
      %div3A_424 = arith.divf %get3A_421, %div3A_423 : vector<16xf32>
      %get3A_425 = arith.constant 32 : index
      %get3A_426 = tpu.vector_load %arg12[%get3A_425] {strides = array<i32>} : memref<80xf32, #tpu.memory_space<vmem>>, vector<16xf32>,
      %div3A_427 = arith.constant 8.000000e-01 : f32
      %div3A_428 = vector.broadcast %div3A_427 : f32 to vector<16xf32>
      %div3A_429 = arith.divf %get3A_426, %div3A_428 : vector<16xf32>
      %get3A_430 = arith.constant 48 : index
      %get3A_431 = tpu.vector_load %arg12[%get3A_430] {strides = array<i32>} : memref<80xf32, #tpu.memory_space<vmem>>, vector<16xf32>,
      %div3A_432 = arith.constant 8.000000e-01 : f32
      %div3A_433 = vector.broadcast %div3A_432 : f32 to vector<16xf32>
      %div3A_434 = arith.divf %get3A_431, %div3A_433 : vector<16xf32>
      %slice3A_435 = vector.extract_strided_slice %div3A_419 {offsets = [0], sizes = [1], strides = [1]} : vector<16xf32> to vector<1xf32>
      %squeeze3A_436 = vector.extract %slice3A_435[0] : f32 from vector<1xf32>
      %sub3A = vector.broadcast %squeeze3A_436 : f32 to vector<16xf32>
      %sub3A_437 = arith.subf %div3A_419, %sub3A : vector<16xf32>
      %exp3A = math.exp %sub3A_437 : vector<16xf32>
      %sub3A_438 = vector.broadcast %squeeze3A_436 : f32 to vector<16xf32>
      %sub3A_439 = arith.subf %div3A_424, %sub3A_438 : vector<16xf32>
      %exp3A_440 = math.exp %sub3A_439 : vector<16xf32>
      %sub3A_441 = vector.broadcast %squeeze3A_436 : f32 to vector<16xf32>
      %sub3A_442 = arith.subf %div3A_429, %sub3A_441 : vector<16xf32>
      %exp3A_443 = math.exp %sub3A_442 : vector<16xf32>
      %sub3A_444 = vector.broadcast %squeeze3A_436 : f32 to vector<16xf32>
      %sub3A_445 = arith.subf %div3A_434, %sub3A_444 : vector<16xf32>
      %exp3A_446 = math.exp %sub3A_445 : vector<16xf32>
      %add3A_447 = arith.addf %exp3A, %exp3A_440 : vector<16xf32>
      %add3A_448 = arith.addf %add3A_447, %exp3A_443 : vector<16xf32>
      %add3A_449 = arith.addf %add3A_448, %exp3A_446 : vector<16xf32>
      %reduce_sum3A = arith.constant true
      %reduce_sum3A_450 = vector.broadcast %reduce_sum3A : i1 to vector<16xi1>
      %reduce_sum3A_451 = tpu.scan <sum>, %add3A_449 masked %reduce_sum3A_450 : vector<16xf32>, vector<16xi1> -> vector<16xf32>
      %reduce_sum3A_452 = vector.extract %reduce_sum3A_451[15] : f32 from vector<16xf32>
      %div3A_453 = vector.broadcast %reduce_sum3A_452 : f32 to vector<16xf32>
      %div3A_454 = arith.divf %exp3A, %div3A_453 : vector<16xf32>
      %div3A_455 = vector.broadcast %reduce_sum3A_452 : f32 to vector<16xf32>
      %div3A_456 = arith.divf %exp3A_440, %div3A_455 : vector<16xf32>
      %div3A_457 = vector.broadcast %reduce_sum3A_452 : f32 to vector<16xf32>
      %div3A_458 = arith.divf %exp3A_443, %div3A_457 : vector<16xf32>
      %div3A_459 = vector.broadcast %reduce_sum3A_452 : f32 to vector<16xf32>
      %div3A_460 = arith.divf %exp3A_446, %div3A_459 : vector<16xf32>
      %get3A_461 = arith.index_cast %add3A_21 : i32 to index
      %get3A_462 = tpu.vector_load %arg14[%get3A_461] {strides = array<i32>} : memref<144xf32, #tpu.memory_space<vmem>>, vector<16xf32>,
      %slice3A_463 = vector.extract_strided_slice %get3A_462 {offsets = [0], sizes = [1], strides = [1]} : vector<16xf32> to vector<1xf32>
      %squeeze3A_464 = vector.extract %slice3A_463[0] : f32 from vector<1xf32>
      %broadcast_in_dim3A_465 = arith.constant true
      %broadcast_in_dim3A_466 = vector.broadcast %broadcast_in_dim3A_465 : i1 to vector<16xi1>
      %masked_cumsum3A = tpu.scan <sum>, %div3A_454 masked %broadcast_in_dim3A_466 : vector<16xf32>, vector<16xi1> -> vector<16xf32>
      %add3A_467 = arith.constant 0.000000e+00 : f32
      %add3A_468 = vector.broadcast %add3A_467 : f32 to vector<16xf32>
      %add3A_469 = arith.addf %masked_cumsum3A, %add3A_468 : vector<16xf32>
      %lt3A = vector.broadcast %squeeze3A_464 : f32 to vector<16xf32>
      %lt3A_470 = arith.cmpf olt, %add3A_469, %lt3A : vector<16xf32>
      %convert_element_type3A = arith.extui %lt3A_470 : vector<16xi1> to vector<16xi32>
      %reduce_sum3A_471 = arith.constant true
      %reduce_sum3A_472 = vector.broadcast %reduce_sum3A_471 : i1 to vector<16xi1>
      %reduce_sum3A_473 = tpu.scan <sum>, %convert_element_type3A masked %reduce_sum3A_472 : vector<16xi32>, vector<16xi1> -> vector<16xi32>
      %reduce_sum3A_474 = vector.extract %reduce_sum3A_473[15] : i32 from vector<16xi32>
      %add3A_475 = arith.constant 0 : i32
      %add3A_476 = arith.addi %add3A_475, %reduce_sum3A_474 : i32
      %reduce_sum3A_477 = arith.constant true
      %reduce_sum3A_478 = vector.broadcast %reduce_sum3A_477 : i1 to vector<16xi1>
      %reduce_sum3A_479 = tpu.scan <sum>, %div3A_454 masked %reduce_sum3A_478 : vector<16xf32>, vector<16xi1> -> vector<16xf32>
      %reduce_sum3A_480 = vector.extract %reduce_sum3A_479[15] : f32 from vector<16xf32>
      %add3A_481 = arith.constant 0.000000e+00 : f32
      %add3A_482 = arith.addf %add3A_481, %reduce_sum3A_480 : f32
      %broadcast_in_dim3A_483 = arith.constant true
      %broadcast_in_dim3A_484 = vector.broadcast %broadcast_in_dim3A_483 : i1 to vector<16xi1>
      %masked_cumsum3A_485 = tpu.scan <sum>, %div3A_456 masked %broadcast_in_dim3A_484 : vector<16xf32>, vector<16xi1> -> vector<16xf32>
      %add3A_486 = vector.broadcast %add3A_482 : f32 to vector<16xf32>
      %add3A_487 = arith.addf %masked_cumsum3A_485, %add3A_486 : vector<16xf32>
      %lt3A_488 = vector.broadcast %squeeze3A_464 : f32 to vector<16xf32>
      %lt3A_489 = arith.cmpf olt, %add3A_487, %lt3A_488 : vector<16xf32>
      %convert_element_type3A_490 = arith.extui %lt3A_489 : vector<16xi1> to vector<16xi32>
      %reduce_sum3A_491 = arith.constant true
      %reduce_sum3A_492 = vector.broadcast %reduce_sum3A_491 : i1 to vector<16xi1>
      %reduce_sum3A_493 = tpu.scan <sum>, %convert_element_type3A_490 masked %reduce_sum3A_492 : vector<16xi32>, vector<16xi1> -> vector<16xi32>
      %reduce_sum3A_494 = vector.extract %reduce_sum3A_493[15] : i32 from vector<16xi32>
      %add3A_495 = arith.addi %add3A_476, %reduce_sum3A_494 : i32
      %reduce_sum3A_496 = arith.constant true
      %reduce_sum3A_497 = vector.broadcast %reduce_sum3A_496 : i1 to vector<16xi1>
      %reduce_sum3A_498 = tpu.scan <sum>, %div3A_456 masked %reduce_sum3A_497 : vector<16xf32>, vector<16xi1> -> vector<16xf32>
      %reduce_sum3A_499 = vector.extract %reduce_sum3A_498[15] : f32 from vector<16xf32>
      %add3A_500 = arith.addf %add3A_482, %reduce_sum3A_499 : f32
      %broadcast_in_dim3A_501 = arith.constant true
      %broadcast_in_dim3A_502 = vector.broadcast %broadcast_in_dim3A_501 : i1 to vector<16xi1>
      %masked_cumsum3A_503 = tpu.scan <sum>, %div3A_458 masked %broadcast_in_dim3A_502 : vector<16xf32>, vector<16xi1> -> vector<16xf32>
      %add3A_504 = vector.broadcast %add3A_500 : f32 to vector<16xf32>
      %add3A_505 = arith.addf %masked_cumsum3A_503, %add3A_504 : vector<16xf32>
      %lt3A_506 = vector.broadcast %squeeze3A_464 : f32 to vector<16xf32>
      %lt3A_507 = arith.cmpf olt, %add3A_505, %lt3A_506 : vector<16xf32>
      %convert_element_type3A_508 = arith.extui %lt3A_507 : vector<16xi1> to vector<16xi32>
      %reduce_sum3A_509 = arith.constant true
      %reduce_sum3A_510 = vector.broadcast %reduce_sum3A_509 : i1 to vector<16xi1>
      %reduce_sum3A_511 = tpu.scan <sum>, %convert_element_type3A_508 masked %reduce_sum3A_510 : vector<16xi32>, vector<16xi1> -> vector<16xi32>
      %reduce_sum3A_512 = vector.extract %reduce_sum3A_511[15] : i32 from vector<16xi32>
      %add3A_513 = arith.addi %add3A_495, %reduce_sum3A_512 : i32
      %reduce_sum3A_514 = arith.constant true
      %reduce_sum3A_515 = vector.broadcast %reduce_sum3A_514 : i1 to vector<16xi1>
      %reduce_sum3A_516 = tpu.scan <sum>, %div3A_458 masked %reduce_sum3A_515 : vector<16xf32>, vector<16xi1> -> vector<16xf32>
      %reduce_sum3A_517 = vector.extract %reduce_sum3A_516[15] : f32 from vector<16xf32>
      %add3A_518 = arith.addf %add3A_500, %reduce_sum3A_517 : f32
      %broadcast_in_dim3A_519 = arith.constant true
      %broadcast_in_dim3A_520 = vector.broadcast %broadcast_in_dim3A_519 : i1 to vector<16xi1>
      %masked_cumsum3A_521 = tpu.scan <sum>, %div3A_460 masked %broadcast_in_dim3A_520 : vector<16xf32>, vector<16xi1> -> vector<16xf32>
      %add3A_522 = vector.broadcast %add3A_518 : f32 to vector<16xf32>
      %add3A_523 = arith.addf %masked_cumsum3A_521, %add3A_522 : vector<16xf32>
      %lt3A_524 = vector.broadcast %squeeze3A_464 : f32 to vector<16xf32>
      %lt3A_525 = arith.cmpf olt, %add3A_523, %lt3A_524 : vector<16xf32>
      %convert_element_type3A_526 = arith.extui %lt3A_525 : vector<16xi1> to vector<16xi32>
      %reduce_sum3A_527 = arith.constant true
      %reduce_sum3A_528 = vector.broadcast %reduce_sum3A_527 : i1 to vector<16xi1>
      %reduce_sum3A_529 = tpu.scan <sum>, %convert_element_type3A_526 masked %reduce_sum3A_528 : vector<16xi32>, vector<16xi1> -> vector<16xi32>
      %reduce_sum3A_530 = vector.extract %reduce_sum3A_529[15] : i32 from vector<16xi32>
      %add3A_531 = arith.addi %add3A_513, %reduce_sum3A_530 : i32
      %reduce_sum3A_532 = arith.constant true
      %reduce_sum3A_533 = vector.broadcast %reduce_sum3A_532 : i1 to vector<16xi1>
      %reduce_sum3A_534 = tpu.scan <sum>, %div3A_460 masked %reduce_sum3A_533 : vector<16xf32>, vector<16xi1> -> vector<16xf32>
      %reduce_sum3A_535 = vector.extract %reduce_sum3A_534[15] : f32 from vector<16xf32>
      %add3A_536 = arith.addf %add3A_518, %reduce_sum3A_535 : f32
      %jit3A = arith.constant 0 : i32
      %jit3A_537 = arith.constant 49 : i32
      %max3A = arith.maxsi %jit3A, %add3A_531 : i32
      %min3A = arith.minsi %jit3A_537, %max3A : i32
      %get3A_538 = arith.index_cast %min3A : i32 to index
      %get3A_539 = tpu.vector_load %arg13[%get3A_538] {strides = array<i32>} : memref<80xi32, #tpu.memory_space<vmem>>, vector<16xi32>,
      %slice3A_540 = vector.extract_strided_slice %get3A_539 {offsets = [0], sizes = [1], strides = [1]} : vector<16xi32> to vector<1xi32>
      %squeeze3A_541 = vector.extract %slice3A_540[0] : i32 from vector<1xi32>
      %swap3A_542 = arith.constant 0 : index
      %swap3A_543 = tpu.vector_load %arg15[%swap3A_542] {strides = array<i32>} : memref<64xf32, #tpu.memory_space<vmem>>, vector<16xf32>,
      tpu.vector_store %arg15[%swap3A_542], %div3A_454 {strides = array<i32>} : memref<64xf32, #tpu.memory_space<vmem>>, vector<16xf32>,
      %swap3A_544 = arith.constant 16 : index
      %swap3A_545 = tpu.vector_load %arg15[%swap3A_544] {strides = array<i32>} : memref<64xf32, #tpu.memory_space<vmem>>, vector<16xf32>,
      tpu.vector_store %arg15[%swap3A_544], %div3A_456 {strides = array<i32>} : memref<64xf32, #tpu.memory_space<vmem>>, vector<16xf32>,
      %swap3A_546 = arith.constant 32 : index
      %swap3A_547 = tpu.vector_load %arg15[%swap3A_546] {strides = array<i32>} : memref<64xf32, #tpu.memory_space<vmem>>, vector<16xf32>,
      tpu.vector_store %arg15[%swap3A_546], %div3A_458 {strides = array<i32>} : memref<64xf32, #tpu.memory_space<vmem>>, vector<16xf32>,
      %swap3A_548 = arith.constant 48 : index
      %swap3A_549 = tpu.vector_load %arg15[%swap3A_548] {strides = array<i32>} : memref<64xf32, #tpu.memory_space<vmem>>, vector<16xf32>,
      tpu.vector_store %arg15[%swap3A_548], %div3A_460 {strides = array<i32>} : memref<64xf32, #tpu.memory_space<vmem>>, vector<16xf32>,
      %broadcast_in_dim3A_550 = vector.broadcast %squeeze3A_541 : i32 to vector<16xi32>
      %eq3A = arith.constant 0 : i32
      %eq3A_551 = vector.broadcast %eq3A : i32 to vector<16xi32>
      %eq3A_552 = arith.cmpi eq, %iota3A, %eq3A_551 : vector<16xi32>
      %swap3A_553 = arith.constant 0 : index
      %swap3A_554 = tpu.vector_load %arg16[%swap3A_553] masked %eq3A_552 {strides = array<i32>} : memref<16xi32, #tpu.memory_space<vmem>>, vector<16xi32>, vector<16xi1>
      tpu.vector_store %arg16[%swap3A_553], %broadcast_in_dim3A_550 masked %eq3A_552 {strides = array<i32>} : memref<16xi32, #tpu.memory_space<vmem>>, vector<16xi32>, vector<16xi1>
      %mul3A_555 = arith.constant 64 : i32
      %mul3A_556 = arith.muli %add3A_21, %mul3A_555 : i32
      "tpu.region"() ({
        %run_scoped3A = tpu.sem_alloc : memref<!tpu.dma_semaphore, #tpu.memory_space<semaphore_mem>>
        %dma_start3A_560 = tpu.memref_slice %arg4[%mul3A_556] : memref<8192xf32, #tpu.memory_space<hbm>> -> memref<64xf32, #tpu.memory_space<hbm>>
        %dma_start3A_561 = tpu.memref_slice %arg4[%mul3A_556] : memref<8192xf32, #tpu.memory_space<hbm>> -> memref<64xf32, #tpu.memory_space<hbm>>
        tpu.enqueue_dma source(%arg15 : memref<64xf32, #tpu.memory_space<vmem>>) target(%dma_start3A_561 : memref<64xf32, #tpu.memory_space<hbm>>) target_semaphore(%run_scoped3A : memref<!tpu.dma_semaphore, #tpu.memory_space<semaphore_mem>>)
        %dma_wait3A_562 = tpu.memref_slice %arg4[%mul3A_556] : memref<8192xf32, #tpu.memory_space<hbm>> -> memref<64xf32, #tpu.memory_space<hbm>>
        %dma_wait3A_563 = tpu.memref_slice %arg4[%mul3A_556] : memref<8192xf32, #tpu.memory_space<hbm>> -> memref<64xf32, #tpu.memory_space<hbm>>
        tpu.wait_dma2 semaphore(%run_scoped3A : memref<!tpu.dma_semaphore, #tpu.memory_space<semaphore_mem>>) src(%arg15 : memref<64xf32, #tpu.memory_space<vmem>>) dst(%dma_wait3A_563 : memref<64xf32, #tpu.memory_space<hbm>>)
        tpu.yield
      }) : () -> ()
      %mul3A_557 = arith.constant 8 : i32
      %mul3A_558 = arith.muli %add3A_21, %mul3A_557 : i32
      "tpu.region"() ({
        %run_scoped3A = tpu.sem_alloc : memref<!tpu.dma_semaphore, #tpu.memory_space<semaphore_mem>>
        %dma_start3A_560 = arith.constant 0 : i32
        %dma_start3A_561 = tpu.memref_slice %arg16[%dma_start3A_560] : memref<16xi32, #tpu.memory_space<vmem>> -> memref<8xi32, #tpu.memory_space<vmem>>
        %dma_start3A_562 = tpu.memref_slice %arg5[%mul3A_558] : memref<1024xi32, #tpu.memory_space<hbm>> -> memref<8xi32, #tpu.memory_space<hbm>>
        %dma_start3A_563 = tpu.memref_slice %arg5[%mul3A_558] : memref<1024xi32, #tpu.memory_space<hbm>> -> memref<8xi32, #tpu.memory_space<hbm>>
        %dma_start3A_564 = arith.constant 0 : i32
        %dma_start3A_565 = tpu.memref_slice %arg16[%dma_start3A_564] : memref<16xi32, #tpu.memory_space<vmem>> -> memref<8xi32, #tpu.memory_space<vmem>>
        tpu.enqueue_dma source(%dma_start3A_565 : memref<8xi32, #tpu.memory_space<vmem>>) target(%dma_start3A_563 : memref<8xi32, #tpu.memory_space<hbm>>) target_semaphore(%run_scoped3A : memref<!tpu.dma_semaphore, #tpu.memory_space<semaphore_mem>>)
        %dma_wait3A_566 = arith.constant 0 : i32
        %dma_wait3A_567 = tpu.memref_slice %arg16[%dma_wait3A_566] : memref<16xi32, #tpu.memory_space<vmem>> -> memref<8xi32, #tpu.memory_space<vmem>>
        %dma_wait3A_568 = tpu.memref_slice %arg5[%mul3A_558] : memref<1024xi32, #tpu.memory_space<hbm>> -> memref<8xi32, #tpu.memory_space<hbm>>
        %dma_wait3A_569 = tpu.memref_slice %arg5[%mul3A_558] : memref<1024xi32, #tpu.memory_space<hbm>> -> memref<8xi32, #tpu.memory_space<hbm>>
        %dma_wait3A_570 = arith.constant 0 : i32
        %dma_wait3A_571 = tpu.memref_slice %arg16[%dma_wait3A_570] : memref<16xi32, #tpu.memory_space<vmem>> -> memref<8xi32, #tpu.memory_space<vmem>>
        tpu.wait_dma2 semaphore(%run_scoped3A : memref<!tpu.dma_semaphore, #tpu.memory_space<semaphore_mem>>) src(%dma_wait3A_571 : memref<8xi32, #tpu.memory_space<vmem>>) dst(%dma_wait3A_569 : memref<8xi32, #tpu.memory_space<hbm>>)
        tpu.yield
      }) : () -> ()
      %scan3A_559 = arith.constant 0 : i32
      scf.yield %scan3A_559 : i32
    }
    %scan3A_18 = arith.constant 4 : i32
    return
  }
}

</mosaic_0001>

<sc_bundles>
// kernel: _run.3.cloned.1.call-start
scs
__scs_entry_jumppad:
0x0: {  	(pc) =	sbr.rel $0x88, $3  }
0x1: {  	(tag) =	ssettag $0x0;
	lr =	simm.s32 $0x1  }
0x2: {  	[smem:$0x3F9F] =	sst lr;
	_ =	strace $0xD0000000  }
0x3: {  	_ = 	snop  }
0x4: {  	_ = 	snop  }
0x5: {  	_ = 	snop  }
0x6: {  	_ = 	snop  }
0x7: {  	_ = 	snop  }
__scs_overlays_trampoline_lowered:
0x8: {  	[smem:$0x3FAE] =	sst s0  }
0x9: {  	[smem:$0x3FAF] =	sst s1  }
0xa: {  	[smem:$0x3FB0] =	sst s2  }
0xb: {  	[smem:$0x3FB1] =	sst s3  }
0xc: {  	[smem:$0x3FB2] =	sst s4  }
0xd: {  	[smem:$0x3FB3] =	sst s5  }
0xe: {  	[smem:$0x3FB4] =	sst s6  }
0xf: {  	[smem:$0x3FB5] =	sst s7  }
0x10: {  	[smem:$0x3FB6] =	sst s8  }
0x11: {  	[smem:$0x3FB7] =	sst s9;
	s0 =	simm.s32 @!p0 $0x0  }
0x12: {  	s1 =	sld [smem:$0x3F9D];
	s0 =	simm.s32 @p0 $0x1  }
0x13: {  	[smem:$0x3FB8] =	sst s0;
	s0 =	simm.s32 @!p1 $0x0  }
0x14: {  	s2 =	sld [smem:$0x3F9C];
	s0 =	simm.s32 @p1 $0x1  }
0x15: {  	[smem:$0x3FB9] =	sst s0;
	s0 =	simm.s32 @!p2 $0x0  }
0x16: {  	s3 =	sld [smem:$0x3FDB];
	s0 =	simm.s32 @p2 $0x1  }
0x17: {  	s4 =	simm.s32 $0x1BF5;
	[smem:$0x3FBB] =	sst s0  }
0x18: {  	s0 =	sld [smem:$0x3F9E];
	_ =	swait.ge [sflag:s4], $0x0  }
0x19: {  	s7 =	sld [smem:$0x3F9F]  }
0x1a: {  	s8 =	sadd.s32 $0xFFFFE003, lr  }
0x1b: {  	s9 =	sadd.s32 $0xFFFFFEF7, lr;
	s5 =	simm.s32 $0xFFFFFFFF;
	p2 =	slt.u32 s8, $0xFFFFF086  }
0x1c: {  	p1 =	slt.u32 s9, $0xF7A;
	s5 =	simm.s32 @!p2 $0x0  }
0x1d: {  	s5 =	simm.s32 @p1 $0x1;
	p0 =	seq.s32 s7, s2  }
0x1e: {  	s7 =	smul.u32 @!p0 $0xF7A, s2;
	p2 =	seq.s32 @!p0 s5, $0x0  }
0x1f: {  	s9 =	smul.u32 $0xF7A, s1;
	s8 =	simm.s32 @!p0 $0x1BF5;
	p2 =	por !p2, p0  }
0x20: {  	[sflag:s8] =	ssyncset.s32 @!p0 $0xFFFFF086;
	s6 =	sadd.s32 @!p0 s3, s7;
	s7 =	simm.s32 @!p0 $0x108  }
0x21: {  	s3 =	sadd.s32 s3, s9;
	s6 =	sadd.s32 @!p0 $0x88, s6;
	s7 =	simm.s32 @p2 $0x1082  }
0x22: {  	[simem:s7], [sflag:s8] =	dma.local @!p0 [hbm:s6], $0xF7A  }
0x23: {  	s9 =	sor.u32 $0xD0000000, s2;
	s6 =	simm.s32 $0x108;
	_ =	swait.ge @!p0 [sflag:s8], $0x0  }
0x24: {  	s3 =	sadd.s32 $0x88, s3;
	s6 =	simm.s32 @!p1 $0x1082;
	[sflag:s4] =	ssyncset.s32 $0xFFFFF086  }
0x25: {  	[simem:s6], [sflag:s4] =	dma.local [hbm:s3], $0xF7A  }
0x26: {  	[smem:$0x3F9F] =	sst s1;
	(tag) =	ssettag s2;
	_ =	strace s9  }
0x27: {  	s1 =	sld [smem:$0x3FAF]  }
0x28: {  	s2 =	sld [smem:$0x3FB0]  }
0x29: {  	s4 =	sld [smem:$0x3FB2]  }
0x2a: {  	p0 =	seq.s32 s5, $0x0;
	s5 =	sld [smem:$0x3FB3]  }
0x2b: {  	s6 =	sld [smem:$0x3FB4]  }
0x2c: {  	s7 =	sld [smem:$0x3FB5]  }
0x2d: {  	s3 =	simm.s32 $0x108;
	s8 =	sld [smem:$0x3FB6]  }
0x2e: {  	s3 =	simm.s32 @!p0 $0x1082;
	s9 =	sld [smem:$0x3FB7]  }
0x2f: {  	lr =	sadd.s32 s0, s3;
	s0 =	sld [smem:$0x3FAE]  }
0x30: {  	s3 =	sld [smem:$0x3FB1]  }
0x31: {  	[smem:$0x3FBA] =	sst s10  }
0x32: {  	s10 =	sld [smem:$0x3FB8];
	_ =	sdelay $0x3  }
0x33: {  	p0 =	seq.s32 s10, $0x1;
	s10 =	sld [smem:$0x3FBA];
	_ =	sdelay $0x3  }
0x34: {  	[smem:$0x3FBA] =	sst s10  }
0x35: {  	s10 =	sld [smem:$0x3FB9];
	_ =	sdelay $0x3  }
0x36: {  	p1 =	seq.s32 s10, $0x1;
	s10 =	sld [smem:$0x3FBA];
	_ =	sdelay $0x3  }
0x37: {  	[smem:$0x3FBA] =	sst s10  }
0x38: {  	s10 =	sld [smem:$0x3FBB]  }
0x39: {  	_ = 	snop;
	(pc) =	sbr.ind lr, $3  }
0x3a: {  	_ = 	snop  }
0x3b: {  	_ = 	snop  }
0x3c: {  	p2 =	seq.s32 s10, $0x1;
	s10 =	sld [smem:$0x3FBA]  }
0x3d: {  	_ =	shalt  }
0x3e: {  	_ =	shalt  }
0x3f: {  	_ =	shalt  }
0x40: {  	_ =	shalt  }
0x41: {  	_ =	shalt  }
0x42: {  	_ =	shalt  }
0x43: {  	_ =	shalt  }
0x44: {  	_ =	shalt  }
0x45: {  	_ =	shalt  }
0x46: {  	_ =	shalt  }
0x47: {  	_ =	shalt  }
0x48: {  	_ =	shalt  }
0x49: {  	_ =	shalt  }
0x4a: {  	_ =	shalt  }
0x4b: {  	_ =	shalt  }
0x4c: {  	_ =	shalt  }
0x4d: {  	_ =	shalt  }
0x4e: {  	_ =	shalt  }
0x4f: {  	_ =	shalt  }
0x50: {  	_ =	shalt  }
0x51: {  	_ =	shalt  }
0x52: {  	_ =	shalt  }
0x53: {  	_ =	shalt  }
0x54: {  	_ =	shalt  }
0x55: {  	_ =	shalt  }
0x56: {  	_ =	shalt  }
0x57: {  	_ =	shalt  }
0x58: {  	_ =	shalt  }
0x59: {  	_ =	shalt  }
0x5a: {  	_ =	shalt  }
0x5b: {  	_ =	shalt  }
0x5c: {  	_ =	shalt  }
0x5d: {  	_ =	shalt  }
0x5e: {  	_ =	shalt  }
0x5f: {  	_ =	shalt  }
0x60: {  	_ =	shalt  }
0x61: {  	_ =	shalt  }
0x62: {  	_ =	shalt  }
0x63: {  	_ =	shalt  }
0x64: {  	_ =	shalt  }
0x65: {  	_ =	shalt  }
0x66: {  	_ =	shalt  }
0x67: {  	_ =	shalt  }
0x68: {  	_ =	shalt  }
0x69: {  	_ =	shalt  }
0x6a: {  	_ =	shalt  }
0x6b: {  	_ =	shalt  }
0x6c: {  	_ =	shalt  }
0x6d: {  	_ =	shalt  }
0x6e: {  	_ =	shalt  }
0x6f: {  	_ =	shalt  }
0x70: {  	_ =	shalt  }
0x71: {  	_ =	shalt  }
0x72: {  	_ =	shalt  }
0x73: {  	_ =	shalt  }
0x74: {  	_ =	shalt  }
0x75: {  	_ =	shalt  }
0x76: {  	_ =	shalt  }
0x77: {  	_ =	shalt  }
0x78: {  	_ =	shalt  }
0x79: {  	_ =	shalt  }
0x7a: {  	_ =	shalt  }
0x7b: {  	_ =	shalt  }
0x7c: {  	_ =	shalt  }
0x7d: {  	_ =	shalt  }
0x7e: {  	_ =	shalt  }
0x7f: {  	_ =	shalt  }
0x80: {  	_ =	shalt  }
0x81: {  	_ =	shalt  }
0x82: {  	_ =	shalt  }
0x83: {  	_ =	shalt  }
0x84: {  	_ =	shalt  }
0x85: {  	_ =	shalt  }
0x86: {  	_ =	shalt  }
0x87: {  	_ =	shalt  }
.Lfunc_end0:
.L_simem_size_0:
called_computation_lowered:
.L_overlay_start_0:
0x88: {  	s2 =	sld [smem:$0x3FD9]  }
0x89: {  	s3 =	sld [smem:$0x3FFE];
	_ =	sdelay $0x1  }
0x8a: {  	s1 =	srdreg.scid  }
0x8b: {  	s0 =	sand.u32 $0x1, s1  }
0x8c: {  	s15 =	sshll.u32 s0, $0xA;
	s2 =	sadd.s32 s3, s2  }
0x8d: {  	s2 =	sadd.s32 s2, s15  }
0x8e: {  	[smem:$0x3FC6] =	sst s2  }
0x8f: {  	_ = 	snop  }
0x90: {  	s2 =	sld [smem:$0x3FD0];
	_ =	sdelay $0x1  }
0x91: {  	s16 =	sld [smem:$0x3FC9]  }
0x92: {  	s5 =	simm.s32 $0xA;
	s6 =	simm.s32 $0x10;
	s4 =	sld [smem:$0x3FC8]  }
0x93: {  	[smem:s6], [sflag:s5] =	dma.local [hbm:s2], $0x1  }
0x94: {  	_ =	swait.eq [sflag:s5], $0x1  }
0x95: {  	[sflag:s5] =	ssyncset.done $0x0  }
0x96: {  	s17 =	sld [smem:$0x10];
	[sflag:s5] =	ssyncadd.s32 $0xFFFFFFFF  }
0x97: {  	s18 =	sld [smem:$0x11];
	(tm) =	ssettm $0x1  }
0x98: {  	s19 =	sld [smem:$0x3FFB];
	_ =	sdelay $0x3  }
0x99: {  	_ =	strace s19  }
0x9a: {  	s6 =	sld [smem:$0x3FFC];
	_ =	sdelay $0x3  }
0x9b: {  	_ =	strace s6  }
0x9c: {  	s6 =	sld [smem:$0x3FFD];
	_ =	sdelay $0x3  }
0x9d: {  	_ =	strace s6  }
0x9e: {  	_ =	strace $0x8FFFFFFF  }
0x9f: {  	s20 =	sld [smem:$0x3FDB];
	_ =	sdelay $0x1  }
0xa0: {  	s7 =	simm.s32 $_scs_section_size  }
0xa1: {  	s8 =	simm.s32 $_size__tile_overlayer_lowered;
	s9 =	simm.s32 $_tile_overlayer_lowered  }
0xa2: {  	s23 =	simm.s32 $0x1BFF;
	s22 =	sshll.u32 s9, $0x1;
	s6 =	sadd.s32 s7, s20  }
0xa3: {  	s10 =	simm.s32 $0x0;
	s21 =	sshll.u32 s8, $0x1;
	s8 =	sadd.s32 s22, s6  }
0xa4: {  	[timem:s10], [sflag:s23] =	dma.local [hbm:s8], s21  }
0xa5: {  	_ =	swait.ge [sflag:s23], s21  }
0xa6: {  	s7 =	ssub.s32 $0x0, s21;
	[sflag:s23] =	ssyncset.done $0x0  }
0xa7: {  	[sflag:s23] =	ssyncadd.s32 s7;
	_ =	sdelay $0x1  }
0xa8: {  	s24 =	simm.s32 $0x1B8B  }
0xa9: {  	_ =	swait.ge [sflag:s24], $0x1  }
0xaa: {  	[sflag:s24] =	ssyncset.done $0x0  }
0xab: {  	s25 =	simm.s32 $0x1B8E;
	[sflag:s24] =	ssyncadd.s32 $0xFFFFFFFF  }
0xac: {  	s26 =	simm.s32 $execute0_lowered;
	[smem:$0x3FD2] =	sst s25  }
0xad: {  	s7 =	sshll.u32 s26, $0x1;
	_ =	strace $0x80000046;
	[dreg:$0x1] =	wrdreg $0xFFFFFFFF  }
0xae: {  	s28 =	simm.s32 $_size_execute0_lowered;
	s6 =	sadd.s32 s6, s7;
	[dreg:$0x0] =	wrdreg $0x0  }
0xaf: {  	s7 =	sshll.u32 s28, $0x1;
	[dreg:$0x2] =	wrdreg s6  }
0xb0: {  	[dreg:$0x3] =	wrdreg s7  }
0xb1: {  	[dreg:$0x4] =	wrdreg $0xC0  }
0xb2: {  	_ =	task [dreg:s10], $0x5FFFF  }
0xb3: {  	[dreg:$0x1] =	wrdreg $0xFFFFFFFF  }
0xb4: {  	[dreg:$0x0] =	wrdreg $0x60  }
0xb5: {  	[dreg:$0x2] =	wrdreg s16  }
0xb6: {  	[dreg:$0x3] =	wrdreg s4  }
0xb7: {  	[dreg:$0x4] =	wrdreg s17  }
0xb8: {  	[dreg:$0x5] =	wrdreg s18  }
0xb9: {  	[dreg:$0x6] =	wrdreg $0x9  }
0xba: {  	_ =	task.clear_ibuf [dreg:s10], $0x7FFFF;
	_ =	strace $0x90000046  }
0xbb: {  	s29 =	simm.s32 $0x9;
	_ =	strace $0x80000048  }
0xbc: {  	_ =	swait.ge [sflag:s29], $0x1  }
0xbd: {  	[sflag:s29] =	ssyncadd.s32 $0xFFFFFFFF  }
0xbe: {  	_ =	strace $0x90000048  }
0xbf: {  	_ =	sfence  }
0xc0: {  	s30 =	sld [smem:$0x0];
	_ =	sdelay $0x2  }
0xc1: {  	s31 =	sshll.u32 s1, $0xD;
	s1 =	sshrl.u32 s1, $0x2  }
0xc2: {  	s3 =	sand.u32 $0x4000, s31;
	s1 =	sadd.s32 s1, s30  }
0xc3: {  	s0 =	sor.u32 s3, s0;
	s1 =	sshll.u32 s1, $0x11  }
0xc4: {  	s0 =	sor.u32 s1, s0  }
0xc5: {  	s0 =	sadd.s32 $0x8F2B, s0  }
0xc6: {  	[sflag:s0] =	ssyncadd.remote.s32 $0x1  }
0xc7: {  	_ =	sfence.sel $0xFFFF  }
0xc8: {  	[dreg:$0x0] =	wrdreg $0xFFFFFFFF;
	(pc) =	sbr.abs _section_cstart, $3  }
0xc9: {  	[dreg:$0x1] =	wrdreg $0xFFFFFFFF  }
0xca: {  	_ =	task.clear_ibuf [dreg:s10], $0x2FFFF;
	_ =	strace $0x9FFFFFFF  }
0xcb: {  	(tm) =	ssettm $0x7FFFFFFF  }
tec
execute0_lowered:
.L_overlay_start_1:
0x0: {  	(tag) =	ssettag $0x1  }
0x1: {  	s5 =	simm.s32 $0x0  }
0x2: {  	[smem:$0x7FF] =	sst s5  }
0x3: {  	s0 =	srdreg.scid;
	v0 =	vimm.f32 $8.000000110e-01;
	s3 =	stileid.u32;
	_ =	strace $0x80000047  }
0x4: {  	s10 =	simm.s32 $0x3;
	s12 =	simm.s32 $0x1;
	s13 =	simm.s32 $0x3200;
	(erf) = vrcp.f32 v0  }
0x5: {  	s14 =	simm.s32 $0x2;
	s15 =	simm.s32 $0x4B00;
	s16 =	simm.s32 $0x6400  }
0x6: {  	s17 =	simm.s32 $0x7D00;
	s18 =	simm.s32 $0x9600;
	s19 =	simm.s32 $0xAF00  }
0x7: {  	s20 =	simm.s32 $0xC800;
	s21 =	simm.s32 $0xE100;
	s22 =	simm.s32 $0xFA00  }
0x8: {  	s23 =	simm.s32 $0x11300;
	s24 =	simm.s32 $0x12C00;
	s0 =	sand.u32 $0x1, s0  }
.Ltmp0:
0x9: {  	s25 =	simm.s32 $0x14500;
	s1 =	ssub.s32 $0x2, s0;
	(pc) =	sbr.rel .LBB2_1-.Ltmp0, $4  }
0xa: {  	s28 =	simm.s32 $0x17700;
	s29 =	simm.s32 $0x1D700;
	s2 =	sshrl.u32 s1, $0x1  }
0xb: {  	s26 =	sshll.u32 s3, $0x2;
	s0 =	sshll.u32 s0, $0x6;
	s1 =	ssub.s32 s1, s2  }
0xc: {  	v1 =	vlaneseq.u32;
	vm0 =	vmxor vm0, vm0;
	s30 =	simm.s32 $0x1D680;
	s7 =	sor.u32 s26, s0;
	s31 =	smax.u32 s1, $0x1  }
0xd: {  	v3 =	vimm.s32 $0x7FFFFFFF;
	v4 =	vimm.s32 $0x0;
	v0 =	vimm.f32 $-Inf;
	s26 =	simm.s32 $0x15E00;
	s1 =	simm.s32 $0x0;
	[dreg:$0x5] =	wrdreg s31;
	v2 =	vpop (erf)  }
.LBB2_57:
0xe: {  	s1 =	rddreg [dreg:$0x6]  }
0xf: {  	s0 =	rddreg [dreg:$0x5];
	s1 =	sadd.s32 $0x1, s1  }
0x10: {  	p0 =	sne.s32 s1, s0  }
.Ltmp1:
0x11: {  	_ = 	snop;
	(pc) =	sbr.rel @!p0 .LBB2_58-.Ltmp1, $1  }
0x12: {  	_ =	sdelay $0x3  }
.LBB2_1:
0x13: {  	[dreg:$0x6] =	wrdreg s1;
	s0 =	simm.s32 $0x40;
	s1 =	simm.s32 $0x0  }
.LBB2_2:
0x14: {  	p0 =	sne.s32 s0, $0x2540;
	[tilespmem:s1+$0x186A0] =	vst v0;
	s1 =	smov.u32 s0;
	s0 =	sadd.s32 $0x40, s0  }
.Ltmp2:
0x15: {  	(pc) =	sbr.rel @p0 .LBB2_2-.Ltmp2, $2  }
0x16: {  	_ =	sdelay $0x2  }
0x17: {  	s1 =	sshra.s32 s1, $0x2  }
0x18: {  	s0 =	simm.s32 $0x0  }
.Ltmp3:
0x19: {  	[tilespmem:s1+$0x186A0] =	vst v0;
	s31 =	rddreg [dreg:$0x1];
	s2 =	simm.s32 $0x1D580;
	(pc) =	sbr.rel .LBB2_4-.Ltmp3, $4  }
0x1a: {  	[tilespmem:s2], [sflag:$0x3] =	stream.linear.gather [hbm4b:s31+s0], $0x80, $0x38;
	[tilespmem:$0x1D780] =	vst v63  }
0x1b: {  	_ =	swait.ge [sflag:s10], $0x80  }
0x1c: {  	[sflag:s10] =	ssyncset.done $0x0  }
0x1d: {  	s6 =	simm.s32 $0x0;
	[sflag:s10] =	ssyncadd.s32 $0xFFFFFF80  }
.LBB2_56:
0x1e: {  	v5 =	vld [tilespmem:$0x1D480];
	_ =	sdelay $0x2  }
0x1f: {  	v6 =	vld [tilespmem:$0x1D490];
	_ =	sdelay $0x1  }
0x20: {  	v7 =	vld [tilespmem:$0x1D4A0];
	v5 =	vmul.f32 v5, v2;
	_ =	sdelay $0x1  }
0x21: {  	v8 =	vld [tilespmem:$0x1D4B0];
	v9 =	vbroadcast v5, $0x0  }
0x22: {  	v6 =	vmul.f32 v6, v2  }
0x23: {  	v5 =	vsub.f32 v5, v9  }
0x24: {  	v7 =	vmul.f32 v7, v2;
	v6 =	vsub.f32 v6, v9  }
0x25: {  	v5 =	vmul.f32 $1.442695020e+00, v5  }
0x26: {  	v8 =	vmul.f32 v8, v2;
	v7 =	vsub.f32 v7, v9;
	v6 =	vmul.f32 $1.442695020e+00, v6  }
0x27: {  	(erf) = vpow2.f32 v5  }
0x28: {  	v5 =	vmul.f32 $1.442695020e+00, v7;
	(erf) = vpow2.f32 v6;
	v6 =	vsub.f32 v8, v9;
	_ =	sdelay $0x1  }
0x29: {  	(erf) = vpow2.f32 v5;
	v5 =	vmul.f32 $1.442695020e+00, v6;
	_ =	sdelay $0x1  }
0x2a: {  	(erf) = vpow2.f32 v5;
	_ =	sdelay $0x3  }
0x2b: {  	v5 =	vpop (erf)  }
0x2c: {  	v6 =	vpop (erf)  }
0x2d: {  	v7 =	vadd.f32 v6, v5  }
0x2e: {  	v56 =	vpop (erf)  }
0x2f: {  	v7 =	vadd.f32 v56, v7  }
0x30: {  	v57 =	vpop (erf)  }
0x31: {  	v7 =	vadd.f32 v57, v7;
	_ =	sdelay $0x1  }
0x32: {  	(xrf2) =	vadd.scan.msk.f32 $0xffff, v7;
	_ =	sdelay $0x9  }
0x33: {  	v7, _, _ =	vpop (xrf2)  }
0x34: {  	v7 =	vbroadcast v7, $0xF;
	_ =	sdelay $0x1  }
0x35: {  	(erf) = vrcp.f32 v7;
	_ =	sdelay $0x8  }
0x36: {  	v7 =	vpop (erf)  }
0x37: {  	v5 =	vmul.f32 v7, v5;
	_ =	sdelay $0x1  }
0x38: {  	(xrf2) =	vadd.scan.msk.f32 $0xffff, v5;
	_ =	sdelay $0x5  }
0x39: {  	v10 =	vld.msk [tilespmem:s2+$0x1D580 ss:$0x0], $0xffff;
	_ =	sdelay $0x3  }
0x3a: {  	v11, _, _ =	vpop (xrf2)  }
0x3b: {  	vm1 =	vlt.f32 v11, v10  }
0x3c: {  	v12 =	vsel vm1, $0x1, v4  }
0x3d: {  	(xrf0) =	vadd.scan.msk.s32 $0xffff, v12;
	_ =	sdelay $0x5  }
0x3e: {  	v12, _, _ =	vpop (xrf0)  }
0x3f: {  	(v2sf) =	vpush v12, $0xF  }
0x40: {  	(v2sf) =	vpush v11, $0xF;
	_ =	sdelay $0x4  }
0x41: {  	v6 =	vmul.f32 v7, v6;
	_ =	sdelay $0x1  }
0x42: {  	(xrf2) =	vadd.scan.msk.f32 $0xffff, v6;
	_ =	sdelay $0x6  }
0x43: {  	s1 =	spop (v2sf)  }
0x44: {  	s3 =	spop (v2sf)  }
0x45: {  	s3 =	sadd.f32 $0.0e+00, s3  }
0x46: {  	v58, _, _ =	vpop (xrf2)  }
0x47: {  	v59 =	vadd.f32 s3, v58;
	_ =	sdelay $0x1  }
0x48: {  	vm1 =	vlt.f32 v59, v10  }
0x49: {  	v12 =	vsel vm1, $0x1, v4  }
0x4a: {  	(xrf0) =	vadd.scan.msk.s32 $0xffff, v12;
	_ =	sdelay $0x5  }
0x4b: {  	v12, _, _ =	vpop (xrf0)  }
0x4c: {  	(v2sf) =	vpush v12, $0xF  }
0x4d: {  	(v2sf) =	vpush v58, $0xF;
	_ =	sdelay $0x4  }
0x4e: {  	v8 =	vmul.f32 v7, v56;
	_ =	sdelay $0x1  }
0x4f: {  	(xrf2) =	vadd.scan.msk.f32 $0xffff, v8;
	_ =	sdelay $0x6  }
0x50: {  	s4 =	spop (v2sf)  }
0x51: {  	s8 =	spop (v2sf)  }
0x52: {  	s3 =	sadd.f32 s3, s8  }
0x53: {  	v60, _, _ =	vpop (xrf2)  }
0x54: {  	v61 =	vadd.f32 s3, v60;
	_ =	sdelay $0x1  }
0x55: {  	vm1 =	vlt.f32 v61, v10  }
0x56: {  	v12 =	vsel vm1, $0x1, v4  }
0x57: {  	(xrf0) =	vadd.scan.msk.s32 $0xffff, v12;
	_ =	sdelay $0x5  }
0x58: {  	v12, _, _ =	vpop (xrf0)  }
0x59: {  	(v2sf) =	vpush v12, $0xF  }
0x5a: {  	(v2sf) =	vpush v60, $0xF;
	_ =	sdelay $0x4  }
0x5b: {  	v7 =	vmul.f32 v7, v57;
	_ =	sdelay $0x1  }
0x5c: {  	(xrf2) =	vadd.scan.msk.f32 $0xffff, v7;
	_ =	sdelay $0x6  }
0x5d: {  	s31 =	spop (v2sf)  }
0x5e: {  	s9 =	spop (v2sf)  }
0x5f: {  	s3 =	sadd.f32 s3, s9  }
0x60: {  	v62, _, _ =	vpop (xrf2)  }
0x61: {  	v9 =	vadd.f32 s3, v62;
	_ =	sdelay $0x1  }
0x62: {  	vm1 =	vlt.f32 v9, v10  }
0x63: {  	v9 =	vsel vm1, $0x1, v4  }
0x64: {  	(xrf0) =	vadd.scan.msk.s32 $0xffff, v9;
	_ =	sdelay $0x5  }
0x65: {  	v9, _, _ =	vpop (xrf0)  }
0x66: {  	(v2sf) =	vpush v9, $0xF;
	_ =	sdelay $0xd  }
0x67: {  	s1 =	sadd.s32 s1, s4  }
0x68: {  	s1 =	sadd.s32 s31, s1;
	s8 =	spop (v2sf)  }
0x69: {  	s1 =	sadd.s32 s8, s1  }
0x6a: {  	p0 =	sgt.s32 s1, $0x0  }
0x6b: {  	s1 =	simm.s32 @!p0 $0x0  }
0x6c: {  	s1 =	smin.u32 s1, $0x31  }
0x6d: {  	v63 =	vld [tilespmem:s1+$0x1D500]  }
0x6e: {  	[tilespmem:$0x1D680] =	vst v5  }
0x6f: {  	[tilespmem:$0x1D690] =	vst v6  }
0x70: {  	[tilespmem:$0x1D6A0] =	vst v8  }
0x71: {  	s11 =	rddreg [dreg:$0x2];
	s9 =	sshll.u32 s2, $0x3;
	[tilespmem:$0x1D6B0] =	vst v7  }
0x72: {  	s1 =	sadd.s32 s11, s9;
	[tilespmem:s29+$0x0] =	vst.msk $0x1, v63  }
0x73: {  	[hbm4b:s1+s5] =	stream.linear.scatter [tilespmem:s30], [sflag:$0x3], $0x40, $0x38;
	[tilespmem:$0x1D780] =	vst v63  }
0x74: {  	_ =	swait.ge [sflag:s10], $0x40  }
0x75: {  	[sflag:s10] =	ssyncset.done $0x0  }
0x76: {  	s6 =	sadd.s32 $0x1, s6;
	[sflag:s10] =	ssyncadd.s32 $0xFFFFFFC0  }
0x77: {  	p0 =	sne.s32 s6, $0x4;
	s31 =	rddreg [dreg:$0x3]  }
.Ltmp4:
0x78: {  	s1 =	sadd.s32 s31, s2;
	(pc) =	sbr.rel @!p0 .LBB2_57-.Ltmp4, $4  }
0x79: {  	[hbm4b:s1+s5] =	stream.linear.scatter [tilespmem:s29], [sflag:$0x3], $0x8, $0x38;
	[tilespmem:$0x1D780] =	vst v63  }
0x7a: {  	_ =	swait.ge [sflag:s10], $0x8  }
0x7b: {  	[sflag:s10] =	ssyncset.done $0x0  }
0x7c: {  	[sflag:s10] =	ssyncadd.s32 $0xFFFFFFF8  }
.LBB2_4:
0x7d: {  	s2 =	sadd.s32 s7, s6  }
0x7e: {  	s1 =	smul.u32 $0x186A0, s2;
	_ =	sdelay $0x1  }
0x7f: {  	s3 =	rddreg [dreg:$0x0];
	s1 =	sshrl.u32 s1, $0x3  }
0x80: {  	s9 =	sadd.s32 s3, s1  }
0x81: {  	[tilespmem:s0], [sflag:$0x1] =	stream.linear.gather [hbm4b:s9+s0], $0x1900, $0x38;
	[tilespmem:$0x1D780] =	vst v63  }
0x82: {  	s8 =	simm.s32 $0x1900;
	s1 =	sadd.s32 $0x320, s9  }
0x83: {  	[tilespmem:s8], [sflag:$0x2] =	stream.linear.gather [hbm4b:s1+s0], $0x1900, $0x38;
	[tilespmem:$0x1D780] =	vst v63  }
0x84: {  	_ =	swait.ge [sflag:s12], $0x1900  }
0x85: {  	[sflag:s12] =	ssyncset.done $0x0  }
0x86: {  	s31 =	simm.s32 $0x80;
	s11 =	sadd.s32 $0x640, s9;
	[sflag:s12] =	ssyncadd.s32 $0xFFFFE700  }
0x87: {  	[tilespmem:s13], [sflag:$0x1] =	stream.linear.gather [hbm4b:s11+s0], $0x1900, $0x38;
	[tilespmem:$0x1D780] =	vst v63  }
0x88: {  	v6 =	vld [tilespmem:s31+$0xFFFFFF90]  }
0x89: {  	v5 =	vimm.f32 $-Inf;
	s1 =	simm.s32 $0x40;
	s8 =	simm.s32 $0x0;
	v7 =	vld [tilespmem:s31+$0xFFFFFF80]  }
.LBB2_5:
0x8a: {  	p0 =	sne.s32 s1, $0x600;
	v8 =	vld [tilespmem:s31+$0xFFFFFFA0]  }
0x8b: {  	v9 =	vld [tilespmem:s31+$0xFFFFFFB0]  }
0x8c: {  	v10 =	vld [tilespmem:s31+$0xFFFFFFC0]  }
0x8d: {  	v11 =	vld [tilespmem:s31+$0xFFFFFFD0]  }
0x8e: {  	v6 =	vmax.f32 v7, v6;
	v7 =	vld [tilespmem:s31+$0xFFFFFFE0]  }
0x8f: {  	v6 =	vmax.f32 v6, v8;
	v8 =	vld [tilespmem:s31+$0xFFFFFFF0]  }
0x90: {  	v6 =	vmax.f32 v6, v9;
	v9 =	vld [tilespmem:s31+$0x0]  }
0x91: {  	v6 =	vmax.f32 v6, v10;
	v10 =	vld [tilespmem:s31+$0x10]  }
0x92: {  	v6 =	vmax.f32 v6, v11;
	v11 =	vld [tilespmem:s31+$0x20]  }
0x93: {  	v6 =	vmax.f32 v6, v7;
	v7 =	vld [tilespmem:s31+$0x30]  }
0x94: {  	v6 =	vmax.f32 v6, v8;
	v8 =	vld [tilespmem:s31+$0x40]  }
0x95: {  	v6 =	vmax.f32 v6, v9;
	v9 =	vld [tilespmem:s31+$0x50]  }
0x96: {  	v6 =	vmax.f32 v6, v10;
	v10 =	vld [tilespmem:s31+$0x60]  }
0x97: {  	v6 =	vmax.f32 v6, v11;
	v11 =	vld [tilespmem:s31+$0x70]  }
0x98: {  	v6 =	vmax.f32 v6, v7  }
0x99: {  	v6 =	vmax.f32 v6, v8  }
0x9a: {  	v6 =	vmax.f32 v6, v9  }
.Ltmp5:
0x9b: {  	v6 =	vmax.f32 v6, v10;
	(pc) =	sbr.rel @p0 .LBB2_5-.Ltmp5, $4  }
0x9c: {  	s3 =	sshra.s32 s8, $0x2;
	s8 =	smov.u32 s1;
	v6 =	vmax.f32 v6, v11  }
0x9d: {  	s31 =	sadd.s32 $0x100, s31;
	[tilespmem:s3+$0x19000] =	vst v6;
	v5 =	vmax.f32 v5, v6  }
0x9e: {  	v6 =	vld [tilespmem:s31+$0xFFFFFF90]  }
0x9f: {  	s1 =	sadd.s32 $0x40, s1;
	v7 =	vld [tilespmem:s31+$0xFFFFFF80]  }
0xa0: {  	v8 =	vld [tilespmem:s31+$0xFFFFFFA0]  }
0xa1: {  	v9 =	vld [tilespmem:s31+$0xFFFFFFB0]  }
0xa2: {  	v10 =	vld [tilespmem:s31+$0xFFFFFFC0]  }
0xa3: {  	v11 =	vld [tilespmem:s31+$0xFFFFFFD0]  }
0xa4: {  	v6 =	vmax.f32 v7, v6;
	v7 =	vld [tilespmem:s31+$0xFFFFFFE0]  }
0xa5: {  	v6 =	vmax.f32 v6, v8;
	v8 =	vld [tilespmem:s31+$0xFFFFFFF0]  }
0xa6: {  	v58 =	vld [tilespmem:s31+$0x0];
	v6 =	vmax.f32 v6, v9  }
0xa7: {  	v59 =	vld [tilespmem:s31+$0x10];
	v6 =	vmax.f32 v6, v10  }
0xa8: {  	v60 =	vld [tilespmem:s31+$0x20];
	v6 =	vmax.f32 v6, v11  }
0xa9: {  	v6 =	vmax.f32 v6, v7;
	v7 =	vld [tilespmem:s31+$0x30]  }
0xaa: {  	v6 =	vmax.f32 v6, v8;
	v8 =	vld [tilespmem:s31+$0x40]  }
0xab: {  	v61 =	vld [tilespmem:s31+$0x50];
	v6 =	vmax.f32 v6, v58  }
0xac: {  	v62 =	vld [tilespmem:s31+$0x60];
	v6 =	vmax.f32 v6, v59  }
0xad: {  	v63 =	vld [tilespmem:s31+$0x70];
	v6 =	vmax.f32 v6, v60  }
0xae: {  	v6 =	vmax.f32 v6, v7  }
0xaf: {  	v6 =	vmax.f32 v6, v8  }
0xb0: {  	v6 =	vmax.f32 v6, v61  }
0xb1: {  	v6 =	vmax.f32 v6, v62  }
0xb2: {  	s1 =	sshra.s32 s8, $0x2;
	v6 =	vmax.f32 v6, v63  }
0xb3: {  	[tilespmem:s1+$0x19000] =	vst v6;
	v5 =	vmax.f32 v5, v6  }
0xb4: {  	[tilespmem:$0x1A900] =	vst v5  }
0xb5: {  	_ =	swait.ge [sflag:s14], $0x1900  }
0xb6: {  	s11 =	sadd.s32 $0x960, s9;
	[sflag:s14] =	ssyncset.done $0x0  }
0xb7: {  	s8 =	simm.s32 $0x0;
	s31 =	simm.s32 $0x19F0;
	[sflag:s14] =	ssyncadd.s32 $0xFFFFE700  }
0xb8: {  	[tilespmem:s15], [sflag:$0x2] =	stream.linear.gather [hbm4b:s11+s8], $0x1900, $0x38;
	[tilespmem:$0x1D780] =	vst v63  }
0xb9: {  	v6 =	vld [tilespmem:s31+$0xFFFFFF20]  }
0xba: {  	s1 =	simm.s32 $0x40;
	v5 =	vimm.f32 $-Inf;
	v7 =	vld [tilespmem:s31+$0xFFFFFF10]  }
.LBB2_7:
0xbb: {  	p0 =	sne.s32 s1, $0x600;
	v8 =	vld [tilespmem:s31+$0xFFFFFF30]  }
0xbc: {  	v9 =	vld [tilespmem:s31+$0xFFFFFF40]  }
0xbd: {  	v10 =	vld [tilespmem:s31+$0xFFFFFF50]  }
0xbe: {  	v11 =	vld [tilespmem:s31+$0xFFFFFF60]  }
0xbf: {  	v6 =	vmax.f32 v7, v6;
	v7 =	vld [tilespmem:s31+$0xFFFFFF70]  }
0xc0: {  	v6 =	vmax.f32 v6, v8;
	v8 =	vld [tilespmem:s31+$0xFFFFFF80]  }
0xc1: {  	v6 =	vmax.f32 v6, v9;
	v9 =	vld [tilespmem:s31+$0xFFFFFF90]  }
0xc2: {  	v6 =	vmax.f32 v6, v10;
	v10 =	vld [tilespmem:s31+$0xFFFFFFA0]  }
0xc3: {  	v6 =	vmax.f32 v6, v11;
	v11 =	vld [tilespmem:s31+$0xFFFFFFB0]  }
0xc4: {  	v6 =	vmax.f32 v6, v7;
	v7 =	vld [tilespmem:s31+$0xFFFFFFC0]  }
0xc5: {  	v6 =	vmax.f32 v6, v8;
	v8 =	vld [tilespmem:s31+$0xFFFFFFD0]  }
0xc6: {  	v6 =	vmax.f32 v6, v9;
	v9 =	vld [tilespmem:s31+$0xFFFFFFE0]  }
0xc7: {  	v6 =	vmax.f32 v6, v10;
	v10 =	vld [tilespmem:s31+$0xFFFFFFF0]  }
0xc8: {  	v6 =	vmax.f32 v6, v11;
	v11 =	vld [tilespmem:s31+$0x0]  }
0xc9: {  	v6 =	vmax.f32 v6, v7  }
0xca: {  	v6 =	vmax.f32 v6, v8  }
0xcb: {  	v6 =	vmax.f32 v6, v9  }
.Ltmp6:
0xcc: {  	v6 =	vmax.f32 v6, v10;
	(pc) =	sbr.rel @p0 .LBB2_7-.Ltmp6, $4  }
0xcd: {  	s3 =	sshra.s32 s8, $0x2;
	s8 =	smov.u32 s1;
	v6 =	vmax.f32 v6, v11  }
0xce: {  	s31 =	sadd.s32 $0x100, s31;
	[tilespmem:s3+$0x19190] =	vst v6;
	v5 =	vmax.f32 v5, v6  }
0xcf: {  	v6 =	vld [tilespmem:s31+$0xFFFFFF20]  }
0xd0: {  	s1 =	sadd.s32 $0x40, s1;
	v7 =	vld [tilespmem:s31+$0xFFFFFF10]  }
0xd1: {  	v8 =	vld [tilespmem:s31+$0xFFFFFF30]  }
0xd2: {  	v9 =	vld [tilespmem:s31+$0xFFFFFF40]  }
0xd3: {  	v10 =	vld [tilespmem:s31+$0xFFFFFF50]  }
0xd4: {  	v11 =	vld [tilespmem:s31+$0xFFFFFF60]  }
0xd5: {  	v6 =	vmax.f32 v7, v6;
	v7 =	vld [tilespmem:s31+$0xFFFFFF70]  }
0xd6: {  	v6 =	vmax.f32 v6, v8;
	v8 =	vld [tilespmem:s31+$0xFFFFFF80]  }
0xd7: {  	v58 =	vld [tilespmem:s31+$0xFFFFFF90];
	v6 =	vmax.f32 v6, v9  }
0xd8: {  	v59 =	vld [tilespmem:s31+$0xFFFFFFA0];
	v6 =	vmax.f32 v6, v10  }
0xd9: {  	v60 =	vld [tilespmem:s31+$0xFFFFFFB0];
	v6 =	vmax.f32 v6, v11  }
0xda: {  	v6 =	vmax.f32 v6, v7;
	v7 =	vld [tilespmem:s31+$0xFFFFFFC0]  }
0xdb: {  	v6 =	vmax.f32 v6, v8;
	v8 =	vld [tilespmem:s31+$0xFFFFFFD0]  }
0xdc: {  	v61 =	vld [tilespmem:s31+$0xFFFFFFE0];
	v6 =	vmax.f32 v6, v58  }
0xdd: {  	v62 =	vld [tilespmem:s31+$0xFFFFFFF0];
	v6 =	vmax.f32 v6, v59  }
0xde: {  	v63 =	vld [tilespmem:s31+$0x0];
	v6 =	vmax.f32 v6, v60  }
0xdf: {  	v6 =	vmax.f32 v6, v7  }
0xe0: {  	v6 =	vmax.f32 v6, v8  }
0xe1: {  	v6 =	vmax.f32 v6, v61  }
0xe2: {  	v6 =	vmax.f32 v6, v62  }
0xe3: {  	s1 =	sshra.s32 s8, $0x2;
	v6 =	vmax.f32 v6, v63  }
0xe4: {  	[tilespmem:s1+$0x19190] =	vst v6;
	v5 =	vmax.f32 v5, v6  }
0xe5: {  	[tilespmem:$0x1A910] =	vst v5  }
0xe6: {  	_ =	swait.ge [sflag:s12], $0x1900  }
0xe7: {  	s11 =	sadd.s32 $0xC80, s9;
	[sflag:s12] =	ssyncset.done $0x0  }
0xe8: {  	s8 =	simm.s32 $0x0;
	s31 =	simm.s32 $0x32F0;
	[sflag:s12] =	ssyncadd.s32 $0xFFFFE700  }
0xe9: {  	[tilespmem:s16], [sflag:$0x1] =	stream.linear.gather [hbm4b:s11+s8], $0x1900, $0x38;
	[tilespmem:$0x1D780] =	vst v63  }
0xea: {  	v6 =	vld [tilespmem:s31+$0xFFFFFF20]  }
0xeb: {  	s1 =	simm.s32 $0x40;
	v5 =	vimm.f32 $-Inf;
	v7 =	vld [tilespmem:s31+$0xFFFFFF10]  }
.LBB2_9:
0xec: {  	p0 =	sne.s32 s1, $0x600;
	v8 =	vld [tilespmem:s31+$0xFFFFFF30]  }
0xed: {  	v9 =	vld [tilespmem:s31+$0xFFFFFF40]  }
0xee: {  	v10 =	vld [tilespmem:s31+$0xFFFFFF50]  }
0xef: {  	v11 =	vld [tilespmem:s31+$0xFFFFFF60]  }
0xf0: {  	v6 =	vmax.f32 v7, v6;
	v7 =	vld [tilespmem:s31+$0xFFFFFF70]  }
0xf1: {  	v6 =	vmax.f32 v6, v8;
	v8 =	vld [tilespmem:s31+$0xFFFFFF80]  }
0xf2: {  	v6 =	vmax.f32 v6, v9;
	v9 =	vld [tilespmem:s31+$0xFFFFFF90]  }
0xf3: {  	v6 =	vmax.f32 v6, v10;
	v10 =	vld [tilespmem:s31+$0xFFFFFFA0]  }
0xf4: {  	v6 =	vmax.f32 v6, v11;
	v11 =	vld [tilespmem:s31+$0xFFFFFFB0]  }
0xf5: {  	v6 =	vmax.f32 v6, v7;
	v7 =	vld [tilespmem:s31+$0xFFFFFFC0]  }
0xf6: {  	v6 =	vmax.f32 v6, v8;
	v8 =	vld [tilespmem:s31+$0xFFFFFFD0]  }
0xf7: {  	v6 =	vmax.f32 v6, v9;
	v9 =	vld [tilespmem:s31+$0xFFFFFFE0]  }
0xf8: {  	v6 =	vmax.f32 v6, v10;
	v10 =	vld [tilespmem:s31+$0xFFFFFFF0]  }
0xf9: {  	v6 =	vmax.f32 v6, v11;
	v11 =	vld [tilespmem:s31+$0x0]  }
0xfa: {  	v6 =	vmax.f32 v6, v7  }
0xfb: {  	v6 =	vmax.f32 v6, v8  }
0xfc: {  	v6 =	vmax.f32 v6, v9  }
.Ltmp7:
0xfd: {  	v6 =	vmax.f32 v6, v10;
	(pc) =	sbr.rel @p0 .LBB2_9-.Ltmp7, $4  }
0xfe: {  	s3 =	sshra.s32 s8, $0x2;
	s8 =	smov.u32 s1;
	v6 =	vmax.f32 v6, v11  }
0xff: {  	s31 =	sadd.s32 $0x100, s31;
	[tilespmem:s3+$0x19320] =	vst v6;
	v5 =	vmax.f32 v5, v6  }
0x100: {  	v6 =	vld [tilespmem:s31+$0xFFFFFF20]  }
0x101: {  	s1 =	sadd.s32 $0x40, s1;
	v7 =	vld [tilespmem:s31+$0xFFFFFF10]  }
0x102: {  	v8 =	vld [tilespmem:s31+$0xFFFFFF30]  }
0x103: {  	v9 =	vld [tilespmem:s31+$0xFFFFFF40]  }
0x104: {  	v10 =	vld [tilespmem:s31+$0xFFFFFF50]  }
0x105: {  	v11 =	vld [tilespmem:s31+$0xFFFFFF60]  }
0x106: {  	v6 =	vmax.f32 v7, v6;
	v7 =	vld [tilespmem:s31+$0xFFFFFF70]  }
0x107: {  	v6 =	vmax.f32 v6, v8;
	v8 =	vld [tilespmem:s31+$0xFFFFFF80]  }
0x108: {  	v52 =	vld [tilespmem:s31+$0xFFFFFF90];
	v6 =	vmax.f32 v6, v9  }
0x109: {  	v53 =	vld [tilespmem:s31+$0xFFFFFFA0];
	v6 =	vmax.f32 v6, v10  }
0x10a: {  	v54 =	vld [tilespmem:s31+$0xFFFFFFB0];
	v6 =	vmax.f32 v6, v11  }
0x10b: {  	v6 =	vmax.f32 v6, v7;
	v7 =	vld [tilespmem:s31+$0xFFFFFFC0]  }
0x10c: {  	v6 =	vmax.f32 v6, v8;
	v8 =	vld [tilespmem:s31+$0xFFFFFFD0]  }
0x10d: {  	v55 =	vld [tilespmem:s31+$0xFFFFFFE0];
	v6 =	vmax.f32 v6, v52  }
0x10e: {  	v56 =	vld [tilespmem:s31+$0xFFFFFFF0];
	v6 =	vmax.f32 v6, v53  }
0x10f: {  	v57 =	vld [tilespmem:s31+$0x0];
	v6 =	vmax.f32 v6, v54  }
0x110: {  	v6 =	vmax.f32 v6, v7  }
0x111: {  	v6 =	vmax.f32 v6, v8  }
0x112: {  	v6 =	vmax.f32 v6, v55  }
0x113: {  	v6 =	vmax.f32 v6, v56  }
0x114: {  	s1 =	sshra.s32 s8, $0x2;
	v6 =	vmax.f32 v6, v57  }
0x115: {  	[tilespmem:s1+$0x19320] =	vst v6;
	v5 =	vmax.f32 v5, v6  }
0x116: {  	[tilespmem:$0x1A920] =	vst v5  }
0x117: {  	_ =	swait.ge [sflag:s14], $0x1900  }
0x118: {  	s8 =	sadd.s32 $0xFA0, s9;
	[sflag:s14] =	ssyncset.done $0x0  }
0x119: {  	s3 =	simm.s32 $0x0;
	s11 =	simm.s32 $0x0;
	[sflag:s14] =	ssyncadd.s32 $0xFFFFE700  }
0x11a: {  	[tilespmem:s17], [sflag:$0x2] =	stream.linear.gather [hbm4b:s8+s3], $0x1900, $0x38;
	[tilespmem:$0x1D780] =	vst v63  }
0x11b: {  	v5 =	vld [tilespmem:s11+$0x4B10]  }
0x11c: {  	v6 =	vld [tilespmem:s11+$0x4B00]  }
0x11d: {  	v7 =	vld [tilespmem:s11+$0x4B20]  }
0x11e: {  	v8 =	vld [tilespmem:s11+$0x4B30]  }
0x11f: {  	v58 =	vld [tilespmem:s11+$0x4B40]  }
0x120: {  	v59 =	vld [tilespmem:s11+$0x4B50]  }
0x121: {  	v5 =	vmax.f32 v6, v5;
	v6 =	vld [tilespmem:s11+$0x4B60]  }
0x122: {  	v5 =	vmax.f32 v5, v7;
	v7 =	vld [tilespmem:s11+$0x4B70]  }
0x123: {  	v5 =	vmax.f32 v5, v8;
	v8 =	vld [tilespmem:s11+$0x4B80]  }
0x124: {  	v60 =	vld [tilespmem:s11+$0x4B90];
	v5 =	vmax.f32 v5, v58  }
0x125: {  	v61 =	vld [tilespmem:s11+$0x4BA0];
	v5 =	vmax.f32 v5, v59  }
0x126: {  	v5 =	vmax.f32 v5, v6;
	v6 =	vld [tilespmem:s11+$0x4BB0]  }
0x127: {  	v5 =	vmax.f32 v5, v7;
	v7 =	vld [tilespmem:s11+$0x4BC0]  }
0x128: {  	v5 =	vmax.f32 v5, v8;
	v8 =	vld [tilespmem:s11+$0x4BD0]  }
0x129: {  	v62 =	vld [tilespmem:s11+$0x4BE0];
	v5 =	vmax.f32 v5, v60  }
0x12a: {  	v63 =	vld [tilespmem:s11+$0x4BF0];
	v5 =	vmax.f32 v5, v61  }
0x12b: {  	v5 =	vmax.f32 v5, v6  }
0x12c: {  	v5 =	vmax.f32 v5, v7  }
0x12d: {  	v5 =	vmax.f32 v5, v8  }
0x12e: {  	v5 =	vmax.f32 v5, v62  }
0x12f: {  	s8 =	simm.s32 $0x194B0;
	v5 =	vmax.f32 v5, v63  }
0x130: {  	s31 =	simm.s32 $0x100;
	v6 =	vimm.f32 $-Inf;
	[tilespmem:s8+$0x0] =	vst v5  }
0x131: {  	s1 =	simm.s32 $0x800;
	v5 =	vmax.f32 v6, v5;
	v6 =	vld [tilespmem:s31+$0x4B10]  }
.LBB2_11:
0x132: {  	p0 =	sne.s32 s1, $0x6000;
	v7 =	vld [tilespmem:s31+$0x4B00]  }
0x133: {  	v8 =	vld [tilespmem:s31+$0x4B20]  }
0x134: {  	v9 =	vld [tilespmem:s31+$0x4B30]  }
0x135: {  	v10 =	vld [tilespmem:s31+$0x4B40]  }
0x136: {  	v11 =	vld [tilespmem:s31+$0x4B50]  }
0x137: {  	v6 =	vmax.f32 v7, v6;
	v7 =	vld [tilespmem:s31+$0x4B60]  }
0x138: {  	v6 =	vmax.f32 v6, v8;
	v8 =	vld [tilespmem:s31+$0x4B70]  }
0x139: {  	v6 =	vmax.f32 v6, v9;
	v9 =	vld [tilespmem:s31+$0x4B80]  }
0x13a: {  	v6 =	vmax.f32 v6, v10;
	v10 =	vld [tilespmem:s31+$0x4B90]  }
0x13b: {  	v6 =	vmax.f32 v6, v11;
	v11 =	vld [tilespmem:s31+$0x4BA0]  }
0x13c: {  	v6 =	vmax.f32 v6, v7;
	v7 =	vld [tilespmem:s31+$0x4BB0]  }
0x13d: {  	v6 =	vmax.f32 v6, v8;
	v8 =	vld [tilespmem:s31+$0x4BC0]  }
0x13e: {  	v6 =	vmax.f32 v6, v9;
	v9 =	vld [tilespmem:s31+$0x4BD0]  }
0x13f: {  	v6 =	vmax.f32 v6, v10;
	v10 =	vld [tilespmem:s31+$0x4BE0]  }
0x140: {  	v6 =	vmax.f32 v6, v11;
	v11 =	vld [tilespmem:s31+$0x4BF0]  }
0x141: {  	v6 =	vmax.f32 v6, v7  }
0x142: {  	v6 =	vmax.f32 v6, v8  }
.Ltmp8:
0x143: {  	v6 =	vmax.f32 v6, v9;
	(pc) =	sbr.rel @p0 .LBB2_11-.Ltmp8, $4  }
0x144: {  	v6 =	vmax.f32 v6, v10  }
0x145: {  	s8 =	sadd.s32 $0x10, s8;
	v6 =	vmax.f32 v6, v11  }
0x146: {  	s31 =	sshra.s32 s1, $0x2;
	[tilespmem:s8+$0x0] =	vst v6;
	v5 =	vmax.f32 v5, v6  }
0x147: {  	s1 =	sadd.s32 $0x400, s1;
	v6 =	vld [tilespmem:s31+$0x4B10]  }
0x148: {  	v7 =	vld [tilespmem:s31+$0x4B00]  }
0x149: {  	v8 =	vld [tilespmem:s31+$0x4B20]  }
0x14a: {  	v9 =	vld [tilespmem:s31+$0x4B30]  }
0x14b: {  	v10 =	vld [tilespmem:s31+$0x4B40]  }
0x14c: {  	v11 =	vld [tilespmem:s31+$0x4B50]  }
0x14d: {  	v6 =	vmax.f32 v7, v6;
	v7 =	vld [tilespmem:s31+$0x4B60]  }
0x14e: {  	v6 =	vmax.f32 v6, v8;
	v8 =	vld [tilespmem:s31+$0x4B70]  }
0x14f: {  	v52 =	vld [tilespmem:s31+$0x4B80];
	v6 =	vmax.f32 v6, v9  }
0x150: {  	v53 =	vld [tilespmem:s31+$0x4B90];
	v6 =	vmax.f32 v6, v10  }
0x151: {  	v54 =	vld [tilespmem:s31+$0x4BA0];
	v6 =	vmax.f32 v6, v11  }
0x152: {  	v6 =	vmax.f32 v6, v7;
	v7 =	vld [tilespmem:s31+$0x4BB0]  }
0x153: {  	v6 =	vmax.f32 v6, v8;
	v8 =	vld [tilespmem:s31+$0x4BC0]  }
0x154: {  	v55 =	vld [tilespmem:s31+$0x4BD0];
	v6 =	vmax.f32 v6, v52  }
0x155: {  	v56 =	vld [tilespmem:s31+$0x4BE0];
	v6 =	vmax.f32 v6, v53  }
0x156: {  	v57 =	vld [tilespmem:s31+$0x4BF0];
	v6 =	vmax.f32 v6, v54  }
0x157: {  	v6 =	vmax.f32 v6, v7  }
0x158: {  	v6 =	vmax.f32 v6, v8  }
0x159: {  	v6 =	vmax.f32 v6, v55  }
0x15a: {  	v6 =	vmax.f32 v6, v56  }
0x15b: {  	s1 =	sadd.s32 $0x10, s8;
	v6 =	vmax.f32 v6, v57  }
0x15c: {  	[tilespmem:s1+$0x0] =	vst v6;
	v5 =	vmax.f32 v5, v6  }
0x15d: {  	[tilespmem:$0x1A930] =	vst v5  }
0x15e: {  	_ =	swait.ge [sflag:s12], $0x1900  }
0x15f: {  	s8 =	sadd.s32 $0x12C0, s9;
	[sflag:s12] =	ssyncset.done $0x0  }
0x160: {  	s3 =	simm.s32 $0x0;
	s11 =	simm.s32 $0x0;
	[sflag:s12] =	ssyncadd.s32 $0xFFFFE700  }
0x161: {  	[tilespmem:s18], [sflag:$0x1] =	stream.linear.gather [hbm4b:s8+s3], $0x1900, $0x38;
	[tilespmem:$0x1D780] =	vst v63  }
0x162: {  	v5 =	vld [tilespmem:s11+$0x6410]  }
0x163: {  	v6 =	vld [tilespmem:s11+$0x6400]  }
0x164: {  	v7 =	vld [tilespmem:s11+$0x6420]  }
0x165: {  	v8 =	vld [tilespmem:s11+$0x6430]  }
0x166: {  	v58 =	vld [tilespmem:s11+$0x6440]  }
0x167: {  	v59 =	vld [tilespmem:s11+$0x6450]  }
0x168: {  	v5 =	vmax.f32 v6, v5;
	v6 =	vld [tilespmem:s11+$0x6460]  }
0x169: {  	v5 =	vmax.f32 v5, v7;
	v7 =	vld [tilespmem:s11+$0x6470]  }
0x16a: {  	v5 =	vmax.f32 v5, v8;
	v8 =	vld [tilespmem:s11+$0x6480]  }
0x16b: {  	v60 =	vld [tilespmem:s11+$0x6490];
	v5 =	vmax.f32 v5, v58  }
0x16c: {  	v61 =	vld [tilespmem:s11+$0x64A0];
	v5 =	vmax.f32 v5, v59  }
0x16d: {  	v5 =	vmax.f32 v5, v6;
	v6 =	vld [tilespmem:s11+$0x64B0]  }
0x16e: {  	v5 =	vmax.f32 v5, v7;
	v7 =	vld [tilespmem:s11+$0x64C0]  }
0x16f: {  	v5 =	vmax.f32 v5, v8;
	v8 =	vld [tilespmem:s11+$0x64D0]  }
0x170: {  	v62 =	vld [tilespmem:s11+$0x64E0];
	v5 =	vmax.f32 v5, v60  }
0x171: {  	v63 =	vld [tilespmem:s11+$0x64F0];
	v5 =	vmax.f32 v5, v61  }
0x172: {  	v5 =	vmax.f32 v5, v6  }
0x173: {  	v5 =	vmax.f32 v5, v7  }
0x174: {  	v5 =	vmax.f32 v5, v8  }
0x175: {  	v5 =	vmax.f32 v5, v62  }
0x176: {  	s8 =	simm.s32 $0x19640;
	v5 =	vmax.f32 v5, v63  }
0x177: {  	s31 =	simm.s32 $0x100;
	v6 =	vimm.f32 $-Inf;
	[tilespmem:s8+$0x0] =	vst v5  }
0x178: {  	s1 =	simm.s32 $0x800;
	v5 =	vmax.f32 v6, v5;
	v6 =	vld [tilespmem:s31+$0x6410]  }
.LBB2_13:
0x179: {  	p0 =	sne.s32 s1, $0x6000;
	v7 =	vld [tilespmem:s31+$0x6400]  }
0x17a: {  	v8 =	vld [tilespmem:s31+$0x6420]  }
0x17b: {  	v9 =	vld [tilespmem:s31+$0x6430]  }
0x17c: {  	v10 =	vld [tilespmem:s31+$0x6440]  }
0x17d: {  	v11 =	vld [tilespmem:s31+$0x6450]  }
0x17e: {  	v6 =	vmax.f32 v7, v6;
	v7 =	vld [tilespmem:s31+$0x6460]  }
0x17f: {  	v6 =	vmax.f32 v6, v8;
	v8 =	vld [tilespmem:s31+$0x6470]  }
0x180: {  	v6 =	vmax.f32 v6, v9;
	v9 =	vld [tilespmem:s31+$0x6480]  }
0x181: {  	v6 =	vmax.f32 v6, v10;
	v10 =	vld [tilespmem:s31+$0x6490]  }
0x182: {  	v6 =	vmax.f32 v6, v11;
	v11 =	vld [tilespmem:s31+$0x64A0]  }
0x183: {  	v6 =	vmax.f32 v6, v7;
	v7 =	vld [tilespmem:s31+$0x64B0]  }
0x184: {  	v6 =	vmax.f32 v6, v8;
	v8 =	vld [tilespmem:s31+$0x64C0]  }
0x185: {  	v6 =	vmax.f32 v6, v9;
	v9 =	vld [tilespmem:s31+$0x64D0]  }
0x186: {  	v6 =	vmax.f32 v6, v10;
	v10 =	vld [tilespmem:s31+$0x64E0]  }
0x187: {  	v6 =	vmax.f32 v6, v11;
	v11 =	vld [tilespmem:s31+$0x64F0]  }
0x188: {  	v6 =	vmax.f32 v6, v7  }
0x189: {  	v6 =	vmax.f32 v6, v8  }
.Ltmp9:
0x18a: {  	v6 =	vmax.f32 v6, v9;
	(pc) =	sbr.rel @p0 .LBB2_13-.Ltmp9, $4  }
0x18b: {  	v6 =	vmax.f32 v6, v10  }
0x18c: {  	s8 =	sadd.s32 $0x10, s8;
	v6 =	vmax.f32 v6, v11  }
0x18d: {  	s31 =	sshra.s32 s1, $0x2;
	[tilespmem:s8+$0x0] =	vst v6;
	v5 =	vmax.f32 v5, v6  }
0x18e: {  	s1 =	sadd.s32 $0x400, s1;
	v6 =	vld [tilespmem:s31+$0x6410]  }
0x18f: {  	v7 =	vld [tilespmem:s31+$0x6400]  }
0x190: {  	v8 =	vld [tilespmem:s31+$0x6420]  }
0x191: {  	v9 =	vld [tilespmem:s31+$0x6430]  }
0x192: {  	v10 =	vld [tilespmem:s31+$0x6440]  }
0x193: {  	v11 =	vld [tilespmem:s31+$0x6450]  }
0x194: {  	v6 =	vmax.f32 v7, v6;
	v7 =	vld [tilespmem:s31+$0x6460]  }
0x195: {  	v6 =	vmax.f32 v6, v8;
	v8 =	vld [tilespmem:s31+$0x6470]  }
0x196: {  	v52 =	vld [tilespmem:s31+$0x6480];
	v6 =	vmax.f32 v6, v9  }
0x197: {  	v53 =	vld [tilespmem:s31+$0x6490];
	v6 =	vmax.f32 v6, v10  }
0x198: {  	v54 =	vld [tilespmem:s31+$0x64A0];
	v6 =	vmax.f32 v6, v11  }
0x199: {  	v6 =	vmax.f32 v6, v7;
	v7 =	vld [tilespmem:s31+$0x64B0]  }
0x19a: {  	v6 =	vmax.f32 v6, v8;
	v8 =	vld [tilespmem:s31+$0x64C0]  }
0x19b: {  	v55 =	vld [tilespmem:s31+$0x64D0];
	v6 =	vmax.f32 v6, v52  }
0x19c: {  	v56 =	vld [tilespmem:s31+$0x64E0];
	v6 =	vmax.f32 v6, v53  }
0x19d: {  	v57 =	vld [tilespmem:s31+$0x64F0];
	v6 =	vmax.f32 v6, v54  }
0x19e: {  	v6 =	vmax.f32 v6, v7  }
0x19f: {  	v6 =	vmax.f32 v6, v8  }
0x1a0: {  	v6 =	vmax.f32 v6, v55  }
0x1a1: {  	v6 =	vmax.f32 v6, v56  }
0x1a2: {  	s1 =	sadd.s32 $0x10, s8;
	v6 =	vmax.f32 v6, v57  }
0x1a3: {  	[tilespmem:s1+$0x0] =	vst v6;
	v5 =	vmax.f32 v5, v6  }
0x1a4: {  	[tilespmem:$0x1A940] =	vst v5  }
0x1a5: {  	_ =	swait.ge [sflag:s14], $0x1900  }
0x1a6: {  	s8 =	sadd.s32 $0x15E0, s9;
	[sflag:s14] =	ssyncset.done $0x0  }
0x1a7: {  	s3 =	simm.s32 $0x0;
	s11 =	simm.s32 $0x0;
	[sflag:s14] =	ssyncadd.s32 $0xFFFFE700  }
0x1a8: {  	[tilespmem:s19], [sflag:$0x2] =	stream.linear.gather [hbm4b:s8+s3], $0x1900, $0x38;
	[tilespmem:$0x1D780] =	vst v63  }
0x1a9: {  	v5 =	vld [tilespmem:s11+$0x7D10]  }
0x1aa: {  	v6 =	vld [tilespmem:s11+$0x7D00]  }
0x1ab: {  	v7 =	vld [tilespmem:s11+$0x7D20]  }
0x1ac: {  	v8 =	vld [tilespmem:s11+$0x7D30]  }
0x1ad: {  	v58 =	vld [tilespmem:s11+$0x7D40]  }
0x1ae: {  	v59 =	vld [tilespmem:s11+$0x7D50]  }
0x1af: {  	v5 =	vmax.f32 v6, v5;
	v6 =	vld [tilespmem:s11+$0x7D60]  }
0x1b0: {  	v5 =	vmax.f32 v5, v7;
	v7 =	vld [tilespmem:s11+$0x7D70]  }
0x1b1: {  	v5 =	vmax.f32 v5, v8;
	v8 =	vld [tilespmem:s11+$0x7D80]  }
0x1b2: {  	v60 =	vld [tilespmem:s11+$0x7D90];
	v5 =	vmax.f32 v5, v58  }
0x1b3: {  	v61 =	vld [tilespmem:s11+$0x7DA0];
	v5 =	vmax.f32 v5, v59  }
0x1b4: {  	v5 =	vmax.f32 v5, v6;
	v6 =	vld [tilespmem:s11+$0x7DB0]  }
0x1b5: {  	v5 =	vmax.f32 v5, v7;
	v7 =	vld [tilespmem:s11+$0x7DC0]  }
0x1b6: {  	v5 =	vmax.f32 v5, v8;
	v8 =	vld [tilespmem:s11+$0x7DD0]  }
0x1b7: {  	v62 =	vld [tilespmem:s11+$0x7DE0];
	v5 =	vmax.f32 v5, v60  }
0x1b8: {  	v63 =	vld [tilespmem:s11+$0x7DF0];
	v5 =	vmax.f32 v5, v61  }
0x1b9: {  	v5 =	vmax.f32 v5, v6  }
0x1ba: {  	v5 =	vmax.f32 v5, v7  }
0x1bb: {  	v5 =	vmax.f32 v5, v8  }
0x1bc: {  	v5 =	vmax.f32 v5, v62  }
0x1bd: {  	s8 =	simm.s32 $0x197D0;
	v5 =	vmax.f32 v5, v63  }
0x1be: {  	s31 =	simm.s32 $0x100;
	v6 =	vimm.f32 $-Inf;
	[tilespmem:s8+$0x0] =	vst v5  }
0x1bf: {  	s1 =	simm.s32 $0x800;
	v5 =	vmax.f32 v6, v5;
	v6 =	vld [tilespmem:s31+$0x7D10]  }
.LBB2_15:
0x1c0: {  	p0 =	sne.s32 s1, $0x6000;
	v7 =	vld [tilespmem:s31+$0x7D00]  }
0x1c1: {  	v8 =	vld [tilespmem:s31+$0x7D20]  }
0x1c2: {  	v9 =	vld [tilespmem:s31+$0x7D30]  }
0x1c3: {  	v10 =	vld [tilespmem:s31+$0x7D40]  }
0x1c4: {  	v11 =	vld [tilespmem:s31+$0x7D50]  }
0x1c5: {  	v6 =	vmax.f32 v7, v6;
	v7 =	vld [tilespmem:s31+$0x7D60]  }
0x1c6: {  	v6 =	vmax.f32 v6, v8;
	v8 =	vld [tilespmem:s31+$0x7D70]  }
0x1c7: {  	v6 =	vmax.f32 v6, v9;
	v9 =	vld [tilespmem:s31+$0x7D80]  }
0x1c8: {  	v6 =	vmax.f32 v6, v10;
	v10 =	vld [tilespmem:s31+$0x7D90]  }
0x1c9: {  	v6 =	vmax.f32 v6, v11;
	v11 =	vld [tilespmem:s31+$0x7DA0]  }
0x1ca: {  	v6 =	vmax.f32 v6, v7;
	v7 =	vld [tilespmem:s31+$0x7DB0]  }
0x1cb: {  	v6 =	vmax.f32 v6, v8;
	v8 =	vld [tilespmem:s31+$0x7DC0]  }
0x1cc: {  	v6 =	vmax.f32 v6, v9;
	v9 =	vld [tilespmem:s31+$0x7DD0]  }
0x1cd: {  	v6 =	vmax.f32 v6, v10;
	v10 =	vld [tilespmem:s31+$0x7DE0]  }
0x1ce: {  	v6 =	vmax.f32 v6, v11;
	v11 =	vld [tilespmem:s31+$0x7DF0]  }
0x1cf: {  	v6 =	vmax.f32 v6, v7  }
0x1d0: {  	v6 =	vmax.f32 v6, v8  }
.Ltmp10:
0x1d1: {  	v6 =	vmax.f32 v6, v9;
	(pc) =	sbr.rel @p0 .LBB2_15-.Ltmp10, $4  }
0x1d2: {  	v6 =	vmax.f32 v6, v10  }
0x1d3: {  	s8 =	sadd.s32 $0x10, s8;
	v6 =	vmax.f32 v6, v11  }
0x1d4: {  	s31 =	sshra.s32 s1, $0x2;
	[tilespmem:s8+$0x0] =	vst v6;
	v5 =	vmax.f32 v5, v6  }
0x1d5: {  	s1 =	sadd.s32 $0x400, s1;
	v6 =	vld [tilespmem:s31+$0x7D10]  }
0x1d6: {  	v7 =	vld [tilespmem:s31+$0x7D00]  }
0x1d7: {  	v8 =	vld [tilespmem:s31+$0x7D20]  }
0x1d8: {  	v9 =	vld [tilespmem:s31+$0x7D30]  }
0x1d9: {  	v10 =	vld [tilespmem:s31+$0x7D40]  }
0x1da: {  	v11 =	vld [tilespmem:s31+$0x7D50]  }
0x1db: {  	v6 =	vmax.f32 v7, v6;
	v7 =	vld [tilespmem:s31+$0x7D60]  }
0x1dc: {  	v6 =	vmax.f32 v6, v8;
	v8 =	vld [tilespmem:s31+$0x7D70]  }
0x1dd: {  	v52 =	vld [tilespmem:s31+$0x7D80];
	v6 =	vmax.f32 v6, v9  }
0x1de: {  	v53 =	vld [tilespmem:s31+$0x7D90];
	v6 =	vmax.f32 v6, v10  }
0x1df: {  	v54 =	vld [tilespmem:s31+$0x7DA0];
	v6 =	vmax.f32 v6, v11  }
0x1e0: {  	v6 =	vmax.f32 v6, v7;
	v7 =	vld [tilespmem:s31+$0x7DB0]  }
0x1e1: {  	v6 =	vmax.f32 v6, v8;
	v8 =	vld [tilespmem:s31+$0x7DC0]  }
0x1e2: {  	v55 =	vld [tilespmem:s31+$0x7DD0];
	v6 =	vmax.f32 v6, v52  }
0x1e3: {  	v56 =	vld [tilespmem:s31+$0x7DE0];
	v6 =	vmax.f32 v6, v53  }
0x1e4: {  	v57 =	vld [tilespmem:s31+$0x7DF0];
	v6 =	vmax.f32 v6, v54  }
0x1e5: {  	v6 =	vmax.f32 v6, v7  }
0x1e6: {  	v6 =	vmax.f32 v6, v8  }
0x1e7: {  	v6 =	vmax.f32 v6, v55  }
0x1e8: {  	v6 =	vmax.f32 v6, v56  }
0x1e9: {  	s1 =	sadd.s32 $0x10, s8;
	v6 =	vmax.f32 v6, v57  }
0x1ea: {  	[tilespmem:s1+$0x0] =	vst v6;
	v5 =	vmax.f32 v5, v6  }
0x1eb: {  	[tilespmem:$0x1A950] =	vst v5  }
0x1ec: {  	_ =	swait.ge [sflag:s12], $0x1900  }
0x1ed: {  	s8 =	sadd.s32 $0x1900, s9;
	[sflag:s12] =	ssyncset.done $0x0  }
0x1ee: {  	s3 =	simm.s32 $0x0;
	s11 =	simm.s32 $0x0;
	[sflag:s12] =	ssyncadd.s32 $0xFFFFE700  }
0x1ef: {  	[tilespmem:s20], [sflag:$0x1] =	stream.linear.gather [hbm4b:s8+s3], $0x1900, $0x38;
	[tilespmem:$0x1D780] =	vst v63  }
0x1f0: {  	v5 =	vld [tilespmem:s11+$0x9610]  }
0x1f1: {  	v6 =	vld [tilespmem:s11+$0x9600]  }
0x1f2: {  	v7 =	vld [tilespmem:s11+$0x9620]  }
0x1f3: {  	v8 =	vld [tilespmem:s11+$0x9630]  }
0x1f4: {  	v58 =	vld [tilespmem:s11+$0x9640]  }
0x1f5: {  	v59 =	vld [tilespmem:s11+$0x9650]  }
0x1f6: {  	v5 =	vmax.f32 v6, v5;
	v6 =	vld [tilespmem:s11+$0x9660]  }
0x1f7: {  	v5 =	vmax.f32 v5, v7;
	v7 =	vld [tilespmem:s11+$0x9670]  }
0x1f8: {  	v5 =	vmax.f32 v5, v8;
	v8 =	vld [tilespmem:s11+$0x9680]  }
0x1f9: {  	v60 =	vld [tilespmem:s11+$0x9690];
	v5 =	vmax.f32 v5, v58  }
0x1fa: {  	v61 =	vld [tilespmem:s11+$0x96A0];
	v5 =	vmax.f32 v5, v59  }
0x1fb: {  	v5 =	vmax.f32 v5, v6;
	v6 =	vld [tilespmem:s11+$0x96B0]  }
0x1fc: {  	v5 =	vmax.f32 v5, v7;
	v7 =	vld [tilespmem:s11+$0x96C0]  }
0x1fd: {  	v5 =	vmax.f32 v5, v8;
	v8 =	vld [tilespmem:s11+$0x96D0]  }
0x1fe: {  	v62 =	vld [tilespmem:s11+$0x96E0];
	v5 =	vmax.f32 v5, v60  }
0x1ff: {  	v63 =	vld [tilespmem:s11+$0x96F0];
	v5 =	vmax.f32 v5, v61  }
0x200: {  	v5 =	vmax.f32 v5, v6  }
0x201: {  	v5 =	vmax.f32 v5, v7  }
0x202: {  	v5 =	vmax.f32 v5, v8  }
0x203: {  	v5 =	vmax.f32 v5, v62  }
0x204: {  	s8 =	simm.s32 $0x19960;
	v5 =	vmax.f32 v5, v63  }
0x205: {  	s31 =	simm.s32 $0x100;
	v6 =	vimm.f32 $-Inf;
	[tilespmem:s8+$0x0] =	vst v5  }
0x206: {  	s1 =	simm.s32 $0x800;
	v5 =	vmax.f32 v6, v5;
	v6 =	vld [tilespmem:s31+$0x9610]  }
.LBB2_17:
0x207: {  	p0 =	sne.s32 s1, $0x6000;
	v7 =	vld [tilespmem:s31+$0x9600]  }
0x208: {  	v8 =	vld [tilespmem:s31+$0x9620]  }
0x209: {  	v9 =	vld [tilespmem:s31+$0x9630]  }
0x20a: {  	v10 =	vld [tilespmem:s31+$0x9640]  }
0x20b: {  	v11 =	vld [tilespmem:s31+$0x9650]  }
0x20c: {  	v6 =	vmax.f32 v7, v6;
	v7 =	vld [tilespmem:s31+$0x9660]  }
0x20d: {  	v6 =	vmax.f32 v6, v8;
	v8 =	vld [tilespmem:s31+$0x9670]  }
0x20e: {  	v6 =	vmax.f32 v6, v9;
	v9 =	vld [tilespmem:s31+$0x9680]  }
0x20f: {  	v6 =	vmax.f32 v6, v10;
	v10 =	vld [tilespmem:s31+$0x9690]  }
0x210: {  	v6 =	vmax.f32 v6, v11;
	v11 =	vld [tilespmem:s31+$0x96A0]  }
0x211: {  	v6 =	vmax.f32 v6, v7;
	v7 =	vld [tilespmem:s31+$0x96B0]  }
0x212: {  	v6 =	vmax.f32 v6, v8;
	v8 =	vld [tilespmem:s31+$0x96C0]  }
0x213: {  	v6 =	vmax.f32 v6, v9;
	v9 =	vld [tilespmem:s31+$0x96D0]  }
0x214: {  	v6 =	vmax.f32 v6, v10;
	v10 =	vld [tilespmem:s31+$0x96E0]  }
0x215: {  	v6 =	vmax.f32 v6, v11;
	v11 =	vld [tilespmem:s31+$0x96F0]  }
0x216: {  	v6 =	vmax.f32 v6, v7  }
0x217: {  	v6 =	vmax.f32 v6, v8  }
.Ltmp11:
0x218: {  	v6 =	vmax.f32 v6, v9;
	(pc) =	sbr.rel @p0 .LBB2_17-.Ltmp11, $4  }
0x219: {  	v6 =	vmax.f32 v6, v10  }
0x21a: {  	s8 =	sadd.s32 $0x10, s8;
	v6 =	vmax.f32 v6, v11  }
0x21b: {  	s31 =	sshra.s32 s1, $0x2;
	[tilespmem:s8+$0x0] =	vst v6;
	v5 =	vmax.f32 v5, v6  }
0x21c: {  	s1 =	sadd.s32 $0x400, s1;
	v6 =	vld [tilespmem:s31+$0x9610]  }
0x21d: {  	v7 =	vld [tilespmem:s31+$0x9600]  }
0x21e: {  	v8 =	vld [tilespmem:s31+$0x9620]  }
0x21f: {  	v9 =	vld [tilespmem:s31+$0x9630]  }
0x220: {  	v10 =	vld [tilespmem:s31+$0x9640]  }
0x221: {  	v11 =	vld [tilespmem:s31+$0x9650]  }
0x222: {  	v6 =	vmax.f32 v7, v6;
	v7 =	vld [tilespmem:s31+$0x9660]  }
0x223: {  	v6 =	vmax.f32 v6, v8;
	v8 =	vld [tilespmem:s31+$0x9670]  }
0x224: {  	v52 =	vld [tilespmem:s31+$0x9680];
	v6 =	vmax.f32 v6, v9  }
0x225: {  	v53 =	vld [tilespmem:s31+$0x9690];
	v6 =	vmax.f32 v6, v10  }
0x226: {  	v54 =	vld [tilespmem:s31+$0x96A0];
	v6 =	vmax.f32 v6, v11  }
0x227: {  	v6 =	vmax.f32 v6, v7;
	v7 =	vld [tilespmem:s31+$0x96B0]  }
0x228: {  	v6 =	vmax.f32 v6, v8;
	v8 =	vld [tilespmem:s31+$0x96C0]  }
0x229: {  	v55 =	vld [tilespmem:s31+$0x96D0];
	v6 =	vmax.f32 v6, v52  }
0x22a: {  	v56 =	vld [tilespmem:s31+$0x96E0];
	v6 =	vmax.f32 v6, v53  }
0x22b: {  	v57 =	vld [tilespmem:s31+$0x96F0];
	v6 =	vmax.f32 v6, v54  }
0x22c: {  	v6 =	vmax.f32 v6, v7  }
0x22d: {  	v6 =	vmax.f32 v6, v8  }
0x22e: {  	v6 =	vmax.f32 v6, v55  }
0x22f: {  	v6 =	vmax.f32 v6, v56  }
0x230: {  	s1 =	sadd.s32 $0x10, s8;
	v6 =	vmax.f32 v6, v57  }
0x231: {  	[tilespmem:s1+$0x0] =	vst v6;
	v5 =	vmax.f32 v5, v6  }
0x232: {  	[tilespmem:$0x1A960] =	vst v5  }
0x233: {  	_ =	swait.ge [sflag:s14], $0x1900  }
0x234: {  	s8 =	sadd.s32 $0x1C20, s9;
	[sflag:s14] =	ssyncset.done $0x0  }
0x235: {  	s3 =	simm.s32 $0x0;
	s11 =	simm.s32 $0x0;
	[sflag:s14] =	ssyncadd.s32 $0xFFFFE700  }
0x236: {  	[tilespmem:s21], [sflag:$0x2] =	stream.linear.gather [hbm4b:s8+s3], $0x1900, $0x38;
	[tilespmem:$0x1D780] =	vst v63  }
0x237: {  	v5 =	vld [tilespmem:s11+$0xAF10]  }
0x238: {  	v6 =	vld [tilespmem:s11+$0xAF00]  }
0x239: {  	v7 =	vld [tilespmem:s11+$0xAF20]  }
0x23a: {  	v8 =	vld [tilespmem:s11+$0xAF30]  }
0x23b: {  	v58 =	vld [tilespmem:s11+$0xAF40]  }
0x23c: {  	v59 =	vld [tilespmem:s11+$0xAF50]  }
0x23d: {  	v5 =	vmax.f32 v6, v5;
	v6 =	vld [tilespmem:s11+$0xAF60]  }
0x23e: {  	v5 =	vmax.f32 v5, v7;
	v7 =	vld [tilespmem:s11+$0xAF70]  }
0x23f: {  	v5 =	vmax.f32 v5, v8;
	v8 =	vld [tilespmem:s11+$0xAF80]  }
0x240: {  	v60 =	vld [tilespmem:s11+$0xAF90];
	v5 =	vmax.f32 v5, v58  }
0x241: {  	v61 =	vld [tilespmem:s11+$0xAFA0];
	v5 =	vmax.f32 v5, v59  }
0x242: {  	v5 =	vmax.f32 v5, v6;
	v6 =	vld [tilespmem:s11+$0xAFB0]  }
0x243: {  	v5 =	vmax.f32 v5, v7;
	v7 =	vld [tilespmem:s11+$0xAFC0]  }
0x244: {  	v5 =	vmax.f32 v5, v8;
	v8 =	vld [tilespmem:s11+$0xAFD0]  }
0x245: {  	v62 =	vld [tilespmem:s11+$0xAFE0];
	v5 =	vmax.f32 v5, v60  }
0x246: {  	v63 =	vld [tilespmem:s11+$0xAFF0];
	v5 =	vmax.f32 v5, v61  }
0x247: {  	v5 =	vmax.f32 v5, v6  }
0x248: {  	v5 =	vmax.f32 v5, v7  }
0x249: {  	v5 =	vmax.f32 v5, v8  }
0x24a: {  	v5 =	vmax.f32 v5, v62  }
0x24b: {  	s8 =	simm.s32 $0x19AF0;
	v5 =	vmax.f32 v5, v63  }
0x24c: {  	s31 =	simm.s32 $0x100;
	v6 =	vimm.f32 $-Inf;
	[tilespmem:s8+$0x0] =	vst v5  }
0x24d: {  	s1 =	simm.s32 $0x800;
	v5 =	vmax.f32 v6, v5;
	v6 =	vld [tilespmem:s31+$0xAF10]  }
.LBB2_19:
0x24e: {  	p0 =	sne.s32 s1, $0x6000;
	v7 =	vld [tilespmem:s31+$0xAF00]  }
0x24f: {  	v8 =	vld [tilespmem:s31+$0xAF20]  }
0x250: {  	v9 =	vld [tilespmem:s31+$0xAF30]  }
0x251: {  	v10 =	vld [tilespmem:s31+$0xAF40]  }
0x252: {  	v11 =	vld [tilespmem:s31+$0xAF50]  }
0x253: {  	v6 =	vmax.f32 v7, v6;
	v7 =	vld [tilespmem:s31+$0xAF60]  }
0x254: {  	v6 =	vmax.f32 v6, v8;
	v8 =	vld [tilespmem:s31+$0xAF70]  }
0x255: {  	v6 =	vmax.f32 v6, v9;
	v9 =	vld [tilespmem:s31+$0xAF80]  }
0x256: {  	v6 =	vmax.f32 v6, v10;
	v10 =	vld [tilespmem:s31+$0xAF90]  }
0x257: {  	v6 =	vmax.f32 v6, v11;
	v11 =	vld [tilespmem:s31+$0xAFA0]  }
0x258: {  	v6 =	vmax.f32 v6, v7;
	v7 =	vld [tilespmem:s31+$0xAFB0]  }
0x259: {  	v6 =	vmax.f32 v6, v8;
	v8 =	vld [tilespmem:s31+$0xAFC0]  }
0x25a: {  	v6 =	vmax.f32 v6, v9;
	v9 =	vld [tilespmem:s31+$0xAFD0]  }
0x25b: {  	v6 =	vmax.f32 v6, v10;
	v10 =	vld [tilespmem:s31+$0xAFE0]  }
0x25c: {  	v6 =	vmax.f32 v6, v11;
	v11 =	vld [tilespmem:s31+$0xAFF0]  }
0x25d: {  	v6 =	vmax.f32 v6, v7  }
0x25e: {  	v6 =	vmax.f32 v6, v8  }
.Ltmp12:
0x25f: {  	v6 =	vmax.f32 v6, v9;
	(pc) =	sbr.rel @p0 .LBB2_19-.Ltmp12, $4  }
0x260: {  	v6 =	vmax.f32 v6, v10  }
0x261: {  	s8 =	sadd.s32 $0x10, s8;
	v6 =	vmax.f32 v6, v11  }
0x262: {  	s31 =	sshra.s32 s1, $0x2;
	[tilespmem:s8+$0x0] =	vst v6;
	v5 =	vmax.f32 v5, v6  }
0x263: {  	s1 =	sadd.s32 $0x400, s1;
	v6 =	vld [tilespmem:s31+$0xAF10]  }
0x264: {  	v7 =	vld [tilespmem:s31+$0xAF00]  }
0x265: {  	v8 =	vld [tilespmem:s31+$0xAF20]  }
0x266: {  	v9 =	vld [tilespmem:s31+$0xAF30]  }
0x267: {  	v10 =	vld [tilespmem:s31+$0xAF40]  }
0x268: {  	v11 =	vld [tilespmem:s31+$0xAF50]  }
0x269: {  	v6 =	vmax.f32 v7, v6;
	v7 =	vld [tilespmem:s31+$0xAF60]  }
0x26a: {  	v6 =	vmax.f32 v6, v8;
	v8 =	vld [tilespmem:s31+$0xAF70]  }
0x26b: {  	v52 =	vld [tilespmem:s31+$0xAF80];
	v6 =	vmax.f32 v6, v9  }
0x26c: {  	v53 =	vld [tilespmem:s31+$0xAF90];
	v6 =	vmax.f32 v6, v10  }
0x26d: {  	v54 =	vld [tilespmem:s31+$0xAFA0];
	v6 =	vmax.f32 v6, v11  }
0x26e: {  	v6 =	vmax.f32 v6, v7;
	v7 =	vld [tilespmem:s31+$0xAFB0]  }
0x26f: {  	v6 =	vmax.f32 v6, v8;
	v8 =	vld [tilespmem:s31+$0xAFC0]  }
0x270: {  	v55 =	vld [tilespmem:s31+$0xAFD0];
	v6 =	vmax.f32 v6, v52  }
0x271: {  	v56 =	vld [tilespmem:s31+$0xAFE0];
	v6 =	vmax.f32 v6, v53  }
0x272: {  	v57 =	vld [tilespmem:s31+$0xAFF0];
	v6 =	vmax.f32 v6, v54  }
0x273: {  	v6 =	vmax.f32 v6, v7  }
0x274: {  	v6 =	vmax.f32 v6, v8  }
0x275: {  	v6 =	vmax.f32 v6, v55  }
0x276: {  	v6 =	vmax.f32 v6, v56  }
0x277: {  	s1 =	sadd.s32 $0x10, s8;
	v6 =	vmax.f32 v6, v57  }
0x278: {  	[tilespmem:s1+$0x0] =	vst v6;
	v5 =	vmax.f32 v5, v6  }
0x279: {  	[tilespmem:$0x1A970] =	vst v5  }
0x27a: {  	_ =	swait.ge [sflag:s12], $0x1900  }
0x27b: {  	s8 =	sadd.s32 $0x1F40, s9;
	[sflag:s12] =	ssyncset.done $0x0  }
0x27c: {  	s3 =	simm.s32 $0x0;
	s11 =	simm.s32 $0x0;
	[sflag:s12] =	ssyncadd.s32 $0xFFFFE700  }
0x27d: {  	[tilespmem:s22], [sflag:$0x1] =	stream.linear.gather [hbm4b:s8+s3], $0x1900, $0x38;
	[tilespmem:$0x1D780] =	vst v63  }
0x27e: {  	v5 =	vld [tilespmem:s11+$0xC810]  }
0x27f: {  	v6 =	vld [tilespmem:s11+$0xC800]  }
0x280: {  	v7 =	vld [tilespmem:s11+$0xC820]  }
0x281: {  	v8 =	vld [tilespmem:s11+$0xC830]  }
0x282: {  	v58 =	vld [tilespmem:s11+$0xC840]  }
0x283: {  	v59 =	vld [tilespmem:s11+$0xC850]  }
0x284: {  	v5 =	vmax.f32 v6, v5;
	v6 =	vld [tilespmem:s11+$0xC860]  }
0x285: {  	v5 =	vmax.f32 v5, v7;
	v7 =	vld [tilespmem:s11+$0xC870]  }
0x286: {  	v5 =	vmax.f32 v5, v8;
	v8 =	vld [tilespmem:s11+$0xC880]  }
0x287: {  	v60 =	vld [tilespmem:s11+$0xC890];
	v5 =	vmax.f32 v5, v58  }
0x288: {  	v61 =	vld [tilespmem:s11+$0xC8A0];
	v5 =	vmax.f32 v5, v59  }
0x289: {  	v5 =	vmax.f32 v5, v6;
	v6 =	vld [tilespmem:s11+$0xC8B0]  }
0x28a: {  	v5 =	vmax.f32 v5, v7;
	v7 =	vld [tilespmem:s11+$0xC8C0]  }
0x28b: {  	v5 =	vmax.f32 v5, v8;
	v8 =	vld [tilespmem:s11+$0xC8D0]  }
0x28c: {  	v62 =	vld [tilespmem:s11+$0xC8E0];
	v5 =	vmax.f32 v5, v60  }
0x28d: {  	v63 =	vld [tilespmem:s11+$0xC8F0];
	v5 =	vmax.f32 v5, v61  }
0x28e: {  	v5 =	vmax.f32 v5, v6  }
0x28f: {  	v5 =	vmax.f32 v5, v7  }
0x290: {  	v5 =	vmax.f32 v5, v8  }
0x291: {  	v5 =	vmax.f32 v5, v62  }
0x292: {  	s8 =	simm.s32 $0x19C80;
	v5 =	vmax.f32 v5, v63  }
0x293: {  	s31 =	simm.s32 $0x100;
	v6 =	vimm.f32 $-Inf;
	[tilespmem:s8+$0x0] =	vst v5  }
0x294: {  	s1 =	simm.s32 $0x800;
	v5 =	vmax.f32 v6, v5;
	v6 =	vld [tilespmem:s31+$0xC810]  }
.LBB2_21:
0x295: {  	p0 =	sne.s32 s1, $0x6000;
	v7 =	vld [tilespmem:s31+$0xC800]  }
0x296: {  	v8 =	vld [tilespmem:s31+$0xC820]  }
0x297: {  	v9 =	vld [tilespmem:s31+$0xC830]  }
0x298: {  	v10 =	vld [tilespmem:s31+$0xC840]  }
0x299: {  	v11 =	vld [tilespmem:s31+$0xC850]  }
0x29a: {  	v6 =	vmax.f32 v7, v6;
	v7 =	vld [tilespmem:s31+$0xC860]  }
0x29b: {  	v6 =	vmax.f32 v6, v8;
	v8 =	vld [tilespmem:s31+$0xC870]  }
0x29c: {  	v6 =	vmax.f32 v6, v9;
	v9 =	vld [tilespmem:s31+$0xC880]  }
0x29d: {  	v6 =	vmax.f32 v6, v10;
	v10 =	vld [tilespmem:s31+$0xC890]  }
0x29e: {  	v6 =	vmax.f32 v6, v11;
	v11 =	vld [tilespmem:s31+$0xC8A0]  }
0x29f: {  	v6 =	vmax.f32 v6, v7;
	v7 =	vld [tilespmem:s31+$0xC8B0]  }
0x2a0: {  	v6 =	vmax.f32 v6, v8;
	v8 =	vld [tilespmem:s31+$0xC8C0]  }
0x2a1: {  	v6 =	vmax.f32 v6, v9;
	v9 =	vld [tilespmem:s31+$0xC8D0]  }
0x2a2: {  	v6 =	vmax.f32 v6, v10;
	v10 =	vld [tilespmem:s31+$0xC8E0]  }
0x2a3: {  	v6 =	vmax.f32 v6, v11;
	v11 =	vld [tilespmem:s31+$0xC8F0]  }
0x2a4: {  	v6 =	vmax.f32 v6, v7  }
0x2a5: {  	v6 =	vmax.f32 v6, v8  }
.Ltmp13:
0x2a6: {  	v6 =	vmax.f32 v6, v9;
	(pc) =	sbr.rel @p0 .LBB2_21-.Ltmp13, $4  }
0x2a7: {  	v6 =	vmax.f32 v6, v10  }
0x2a8: {  	s8 =	sadd.s32 $0x10, s8;
	v6 =	vmax.f32 v6, v11  }
0x2a9: {  	s31 =	sshra.s32 s1, $0x2;
	[tilespmem:s8+$0x0] =	vst v6;
	v5 =	vmax.f32 v5, v6  }
0x2aa: {  	s1 =	sadd.s32 $0x400, s1;
	v6 =	vld [tilespmem:s31+$0xC810]  }
0x2ab: {  	v7 =	vld [tilespmem:s31+$0xC800]  }
0x2ac: {  	v8 =	vld [tilespmem:s31+$0xC820]  }
0x2ad: {  	v9 =	vld [tilespmem:s31+$0xC830]  }
0x2ae: {  	v10 =	vld [tilespmem:s31+$0xC840]  }
0x2af: {  	v11 =	vld [tilespmem:s31+$0xC850]  }
0x2b0: {  	v6 =	vmax.f32 v7, v6;
	v7 =	vld [tilespmem:s31+$0xC860]  }
0x2b1: {  	v6 =	vmax.f32 v6, v8;
	v8 =	vld [tilespmem:s31+$0xC870]  }
0x2b2: {  	v52 =	vld [tilespmem:s31+$0xC880];
	v6 =	vmax.f32 v6, v9  }
0x2b3: {  	v53 =	vld [tilespmem:s31+$0xC890];
	v6 =	vmax.f32 v6, v10  }
0x2b4: {  	v54 =	vld [tilespmem:s31+$0xC8A0];
	v6 =	vmax.f32 v6, v11  }
0x2b5: {  	v6 =	vmax.f32 v6, v7;
	v7 =	vld [tilespmem:s31+$0xC8B0]  }
0x2b6: {  	v6 =	vmax.f32 v6, v8;
	v8 =	vld [tilespmem:s31+$0xC8C0]  }
0x2b7: {  	v55 =	vld [tilespmem:s31+$0xC8D0];
	v6 =	vmax.f32 v6, v52  }
0x2b8: {  	v56 =	vld [tilespmem:s31+$0xC8E0];
	v6 =	vmax.f32 v6, v53  }
0x2b9: {  	v57 =	vld [tilespmem:s31+$0xC8F0];
	v6 =	vmax.f32 v6, v54  }
0x2ba: {  	v6 =	vmax.f32 v6, v7  }
0x2bb: {  	v6 =	vmax.f32 v6, v8  }
0x2bc: {  	v6 =	vmax.f32 v6, v55  }
0x2bd: {  	v6 =	vmax.f32 v6, v56  }
0x2be: {  	s1 =	sadd.s32 $0x10, s8;
	v6 =	vmax.f32 v6, v57  }
0x2bf: {  	[tilespmem:s1+$0x0] =	vst v6;
	v5 =	vmax.f32 v5, v6  }
0x2c0: {  	[tilespmem:$0x1A980] =	vst v5  }
0x2c1: {  	_ =	swait.ge [sflag:s14], $0x1900  }
0x2c2: {  	s8 =	sadd.s32 $0x2260, s9;
	[sflag:s14] =	ssyncset.done $0x0  }
0x2c3: {  	s3 =	simm.s32 $0x0;
	s11 =	simm.s32 $0x0;
	[sflag:s14] =	ssyncadd.s32 $0xFFFFE700  }
0x2c4: {  	[tilespmem:s23], [sflag:$0x2] =	stream.linear.gather [hbm4b:s8+s3], $0x1900, $0x38;
	[tilespmem:$0x1D780] =	vst v63  }
0x2c5: {  	v5 =	vld [tilespmem:s11+$0xE110]  }
0x2c6: {  	v6 =	vld [tilespmem:s11+$0xE100]  }
0x2c7: {  	v7 =	vld [tilespmem:s11+$0xE120]  }
0x2c8: {  	v8 =	vld [tilespmem:s11+$0xE130]  }
0x2c9: {  	v58 =	vld [tilespmem:s11+$0xE140]  }
0x2ca: {  	v59 =	vld [tilespmem:s11+$0xE150]  }
0x2cb: {  	v5 =	vmax.f32 v6, v5;
	v6 =	vld [tilespmem:s11+$0xE160]  }
0x2cc: {  	v5 =	vmax.f32 v5, v7;
	v7 =	vld [tilespmem:s11+$0xE170]  }
0x2cd: {  	v5 =	vmax.f32 v5, v8;
	v8 =	vld [tilespmem:s11+$0xE180]  }
0x2ce: {  	v60 =	vld [tilespmem:s11+$0xE190];
	v5 =	vmax.f32 v5, v58  }
0x2cf: {  	v61 =	vld [tilespmem:s11+$0xE1A0];
	v5 =	vmax.f32 v5, v59  }
0x2d0: {  	v5 =	vmax.f32 v5, v6;
	v6 =	vld [tilespmem:s11+$0xE1B0]  }
0x2d1: {  	v5 =	vmax.f32 v5, v7;
	v7 =	vld [tilespmem:s11+$0xE1C0]  }
0x2d2: {  	v5 =	vmax.f32 v5, v8;
	v8 =	vld [tilespmem:s11+$0xE1D0]  }
0x2d3: {  	v62 =	vld [tilespmem:s11+$0xE1E0];
	v5 =	vmax.f32 v5, v60  }
0x2d4: {  	v63 =	vld [tilespmem:s11+$0xE1F0];
	v5 =	vmax.f32 v5, v61  }
0x2d5: {  	v5 =	vmax.f32 v5, v6  }
0x2d6: {  	v5 =	vmax.f32 v5, v7  }
0x2d7: {  	v5 =	vmax.f32 v5, v8  }
0x2d8: {  	v5 =	vmax.f32 v5, v62  }
0x2d9: {  	s8 =	simm.s32 $0x19E10;
	v5 =	vmax.f32 v5, v63  }
0x2da: {  	s31 =	simm.s32 $0x100;
	v6 =	vimm.f32 $-Inf;
	[tilespmem:s8+$0x0] =	vst v5  }
0x2db: {  	s1 =	simm.s32 $0x800;
	v5 =	vmax.f32 v6, v5;
	v6 =	vld [tilespmem:s31+$0xE110]  }
.LBB2_23:
0x2dc: {  	p0 =	sne.s32 s1, $0x6000;
	v7 =	vld [tilespmem:s31+$0xE100]  }
0x2dd: {  	v8 =	vld [tilespmem:s31+$0xE120]  }
0x2de: {  	v9 =	vld [tilespmem:s31+$0xE130]  }
0x2df: {  	v10 =	vld [tilespmem:s31+$0xE140]  }
0x2e0: {  	v11 =	vld [tilespmem:s31+$0xE150]  }
0x2e1: {  	v6 =	vmax.f32 v7, v6;
	v7 =	vld [tilespmem:s31+$0xE160]  }
0x2e2: {  	v6 =	vmax.f32 v6, v8;
	v8 =	vld [tilespmem:s31+$0xE170]  }
0x2e3: {  	v6 =	vmax.f32 v6, v9;
	v9 =	vld [tilespmem:s31+$0xE180]  }
0x2e4: {  	v6 =	vmax.f32 v6, v10;
	v10 =	vld [tilespmem:s31+$0xE190]  }
0x2e5: {  	v6 =	vmax.f32 v6, v11;
	v11 =	vld [tilespmem:s31+$0xE1A0]  }
0x2e6: {  	v6 =	vmax.f32 v6, v7;
	v7 =	vld [tilespmem:s31+$0xE1B0]  }
0x2e7: {  	v6 =	vmax.f32 v6, v8;
	v8 =	vld [tilespmem:s31+$0xE1C0]  }
0x2e8: {  	v6 =	vmax.f32 v6, v9;
	v9 =	vld [tilespmem:s31+$0xE1D0]  }
0x2e9: {  	v6 =	vmax.f32 v6, v10;
	v10 =	vld [tilespmem:s31+$0xE1E0]  }
0x2ea: {  	v6 =	vmax.f32 v6, v11;
	v11 =	vld [tilespmem:s31+$0xE1F0]  }
0x2eb: {  	v6 =	vmax.f32 v6, v7  }
0x2ec: {  	v6 =	vmax.f32 v6, v8  }
.Ltmp14:
0x2ed: {  	v6 =	vmax.f32 v6, v9;
	(pc) =	sbr.rel @p0 .LBB2_23-.Ltmp14, $4  }
0x2ee: {  	v6 =	vmax.f32 v6, v10  }
0x2ef: {  	s8 =	sadd.s32 $0x10, s8;
	v6 =	vmax.f32 v6, v11  }
0x2f0: {  	s31 =	sshra.s32 s1, $0x2;
	[tilespmem:s8+$0x0] =	vst v6;
	v5 =	vmax.f32 v5, v6  }
0x2f1: {  	s1 =	sadd.s32 $0x400, s1;
	v6 =	vld [tilespmem:s31+$0xE110]  }
0x2f2: {  	v7 =	vld [tilespmem:s31+$0xE100]  }
0x2f3: {  	v8 =	vld [tilespmem:s31+$0xE120]  }
0x2f4: {  	v9 =	vld [tilespmem:s31+$0xE130]  }
0x2f5: {  	v10 =	vld [tilespmem:s31+$0xE140]  }
0x2f6: {  	v11 =	vld [tilespmem:s31+$0xE150]  }
0x2f7: {  	v6 =	vmax.f32 v7, v6;
	v7 =	vld [tilespmem:s31+$0xE160]  }
0x2f8: {  	v6 =	vmax.f32 v6, v8;
	v8 =	vld [tilespmem:s31+$0xE170]  }
0x2f9: {  	v52 =	vld [tilespmem:s31+$0xE180];
	v6 =	vmax.f32 v6, v9  }
0x2fa: {  	v53 =	vld [tilespmem:s31+$0xE190];
	v6 =	vmax.f32 v6, v10  }
0x2fb: {  	v54 =	vld [tilespmem:s31+$0xE1A0];
	v6 =	vmax.f32 v6, v11  }
0x2fc: {  	v6 =	vmax.f32 v6, v7;
	v7 =	vld [tilespmem:s31+$0xE1B0]  }
0x2fd: {  	v6 =	vmax.f32 v6, v8;
	v8 =	vld [tilespmem:s31+$0xE1C0]  }
0x2fe: {  	v55 =	vld [tilespmem:s31+$0xE1D0];
	v6 =	vmax.f32 v6, v52  }
0x2ff: {  	v56 =	vld [tilespmem:s31+$0xE1E0];
	v6 =	vmax.f32 v6, v53  }
0x300: {  	v57 =	vld [tilespmem:s31+$0xE1F0];
	v6 =	vmax.f32 v6, v54  }
0x301: {  	v6 =	vmax.f32 v6, v7  }
0x302: {  	v6 =	vmax.f32 v6, v8  }
0x303: {  	v6 =	vmax.f32 v6, v55  }
0x304: {  	v6 =	vmax.f32 v6, v56  }
0x305: {  	s1 =	sadd.s32 $0x10, s8;
	v6 =	vmax.f32 v6, v57  }
0x306: {  	[tilespmem:s1+$0x0] =	vst v6;
	v5 =	vmax.f32 v5, v6  }
0x307: {  	[tilespmem:$0x1A990] =	vst v5  }
0x308: {  	_ =	swait.ge [sflag:s12], $0x1900  }
0x309: {  	s8 =	sadd.s32 $0x2580, s9;
	[sflag:s12] =	ssyncset.done $0x0  }
0x30a: {  	s3 =	simm.s32 $0x0;
	s11 =	simm.s32 $0x0;
	[sflag:s12] =	ssyncadd.s32 $0xFFFFE700  }
0x30b: {  	[tilespmem:s24], [sflag:$0x1] =	stream.linear.gather [hbm4b:s8+s3], $0x1900, $0x38;
	[tilespmem:$0x1D780] =	vst v63  }
0x30c: {  	v5 =	vld [tilespmem:s11+$0xFA10]  }
0x30d: {  	v6 =	vld [tilespmem:s11+$0xFA00]  }
0x30e: {  	v7 =	vld [tilespmem:s11+$0xFA20]  }
0x30f: {  	v8 =	vld [tilespmem:s11+$0xFA30]  }
0x310: {  	v58 =	vld [tilespmem:s11+$0xFA40]  }
0x311: {  	v59 =	vld [tilespmem:s11+$0xFA50]  }
0x312: {  	v5 =	vmax.f32 v6, v5;
	v6 =	vld [tilespmem:s11+$0xFA60]  }
0x313: {  	v5 =	vmax.f32 v5, v7;
	v7 =	vld [tilespmem:s11+$0xFA70]  }
0x314: {  	v5 =	vmax.f32 v5, v8;
	v8 =	vld [tilespmem:s11+$0xFA80]  }
0x315: {  	v60 =	vld [tilespmem:s11+$0xFA90];
	v5 =	vmax.f32 v5, v58  }
0x316: {  	v61 =	vld [tilespmem:s11+$0xFAA0];
	v5 =	vmax.f32 v5, v59  }
0x317: {  	v5 =	vmax.f32 v5, v6;
	v6 =	vld [tilespmem:s11+$0xFAB0]  }
0x318: {  	v5 =	vmax.f32 v5, v7;
	v7 =	vld [tilespmem:s11+$0xFAC0]  }
0x319: {  	v5 =	vmax.f32 v5, v8;
	v8 =	vld [tilespmem:s11+$0xFAD0]  }
0x31a: {  	v62 =	vld [tilespmem:s11+$0xFAE0];
	v5 =	vmax.f32 v5, v60  }
0x31b: {  	v63 =	vld [tilespmem:s11+$0xFAF0];
	v5 =	vmax.f32 v5, v61  }
0x31c: {  	v5 =	vmax.f32 v5, v6  }
0x31d: {  	v5 =	vmax.f32 v5, v7  }
0x31e: {  	v5 =	vmax.f32 v5, v8  }
0x31f: {  	v5 =	vmax.f32 v5, v62  }
0x320: {  	s8 =	simm.s32 $0x19FA0;
	v5 =	vmax.f32 v5, v63  }
0x321: {  	s31 =	simm.s32 $0x100;
	v6 =	vimm.f32 $-Inf;
	[tilespmem:s8+$0x0] =	vst v5  }
0x322: {  	s1 =	simm.s32 $0x800;
	v5 =	vmax.f32 v6, v5;
	v6 =	vld [tilespmem:s31+$0xFA10]  }
.LBB2_25:
0x323: {  	p0 =	sne.s32 s1, $0x6000;
	v7 =	vld [tilespmem:s31+$0xFA00]  }
0x324: {  	v8 =	vld [tilespmem:s31+$0xFA20]  }
0x325: {  	v9 =	vld [tilespmem:s31+$0xFA30]  }
0x326: {  	v10 =	vld [tilespmem:s31+$0xFA40]  }
0x327: {  	v11 =	vld [tilespmem:s31+$0xFA50]  }
0x328: {  	v6 =	vmax.f32 v7, v6;
	v7 =	vld [tilespmem:s31+$0xFA60]  }
0x329: {  	v6 =	vmax.f32 v6, v8;
	v8 =	vld [tilespmem:s31+$0xFA70]  }
0x32a: {  	v6 =	vmax.f32 v6, v9;
	v9 =	vld [tilespmem:s31+$0xFA80]  }
0x32b: {  	v6 =	vmax.f32 v6, v10;
	v10 =	vld [tilespmem:s31+$0xFA90]  }
0x32c: {  	v6 =	vmax.f32 v6, v11;
	v11 =	vld [tilespmem:s31+$0xFAA0]  }
0x32d: {  	v6 =	vmax.f32 v6, v7;
	v7 =	vld [tilespmem:s31+$0xFAB0]  }
0x32e: {  	v6 =	vmax.f32 v6, v8;
	v8 =	vld [tilespmem:s31+$0xFAC0]  }
0x32f: {  	v6 =	vmax.f32 v6, v9;
	v9 =	vld [tilespmem:s31+$0xFAD0]  }
0x330: {  	v6 =	vmax.f32 v6, v10;
	v10 =	vld [tilespmem:s31+$0xFAE0]  }
0x331: {  	v6 =	vmax.f32 v6, v11;
	v11 =	vld [tilespmem:s31+$0xFAF0]  }
0x332: {  	v6 =	vmax.f32 v6, v7  }
0x333: {  	v6 =	vmax.f32 v6, v8  }
.Ltmp15:
0x334: {  	v6 =	vmax.f32 v6, v9;
	(pc) =	sbr.rel @p0 .LBB2_25-.Ltmp15, $4  }
0x335: {  	v6 =	vmax.f32 v6, v10  }
0x336: {  	s8 =	sadd.s32 $0x10, s8;
	v6 =	vmax.f32 v6, v11  }
0x337: {  	s31 =	sshra.s32 s1, $0x2;
	[tilespmem:s8+$0x0] =	vst v6;
	v5 =	vmax.f32 v5, v6  }
0x338: {  	s1 =	sadd.s32 $0x400, s1;
	v6 =	vld [tilespmem:s31+$0xFA10]  }
0x339: {  	v7 =	vld [tilespmem:s31+$0xFA00]  }
0x33a: {  	v8 =	vld [tilespmem:s31+$0xFA20]  }
0x33b: {  	v9 =	vld [tilespmem:s31+$0xFA30]  }
0x33c: {  	v10 =	vld [tilespmem:s31+$0xFA40]  }
0x33d: {  	v11 =	vld [tilespmem:s31+$0xFA50]  }
0x33e: {  	v6 =	vmax.f32 v7, v6;
	v7 =	vld [tilespmem:s31+$0xFA60]  }
0x33f: {  	v6 =	vmax.f32 v6, v8;
	v8 =	vld [tilespmem:s31+$0xFA70]  }
0x340: {  	v52 =	vld [tilespmem:s31+$0xFA80];
	v6 =	vmax.f32 v6, v9  }
0x341: {  	v53 =	vld [tilespmem:s31+$0xFA90];
	v6 =	vmax.f32 v6, v10  }
0x342: {  	v54 =	vld [tilespmem:s31+$0xFAA0];
	v6 =	vmax.f32 v6, v11  }
0x343: {  	v6 =	vmax.f32 v6, v7;
	v7 =	vld [tilespmem:s31+$0xFAB0]  }
0x344: {  	v6 =	vmax.f32 v6, v8;
	v8 =	vld [tilespmem:s31+$0xFAC0]  }
0x345: {  	v55 =	vld [tilespmem:s31+$0xFAD0];
	v6 =	vmax.f32 v6, v52  }
0x346: {  	v56 =	vld [tilespmem:s31+$0xFAE0];
	v6 =	vmax.f32 v6, v53  }
0x347: {  	v57 =	vld [tilespmem:s31+$0xFAF0];
	v6 =	vmax.f32 v6, v54  }
0x348: {  	v6 =	vmax.f32 v6, v7  }
0x349: {  	v6 =	vmax.f32 v6, v8  }
0x34a: {  	v6 =	vmax.f32 v6, v55  }
0x34b: {  	v6 =	vmax.f32 v6, v56  }
0x34c: {  	s1 =	sadd.s32 $0x10, s8;
	v6 =	vmax.f32 v6, v57  }
0x34d: {  	[tilespmem:s1+$0x0] =	vst v6;
	v5 =	vmax.f32 v5, v6  }
0x34e: {  	[tilespmem:$0x1A9A0] =	vst v5  }
0x34f: {  	_ =	swait.ge [sflag:s14], $0x1900  }
0x350: {  	s8 =	sadd.s32 $0x28A0, s9;
	[sflag:s14] =	ssyncset.done $0x0  }
0x351: {  	s3 =	simm.s32 $0x0;
	s11 =	simm.s32 $0x0;
	[sflag:s14] =	ssyncadd.s32 $0xFFFFE700  }
0x352: {  	[tilespmem:s25], [sflag:$0x2] =	stream.linear.gather [hbm4b:s8+s3], $0x1900, $0x38;
	[tilespmem:$0x1D780] =	vst v63  }
0x353: {  	v5 =	vld [tilespmem:s11+$0x11310]  }
0x354: {  	v6 =	vld [tilespmem:s11+$0x11300]  }
0x355: {  	v7 =	vld [tilespmem:s11+$0x11320]  }
0x356: {  	v8 =	vld [tilespmem:s11+$0x11330]  }
0x357: {  	v58 =	vld [tilespmem:s11+$0x11340]  }
0x358: {  	v59 =	vld [tilespmem:s11+$0x11350]  }
0x359: {  	v5 =	vmax.f32 v6, v5;
	v6 =	vld [tilespmem:s11+$0x11360]  }
0x35a: {  	v5 =	vmax.f32 v5, v7;
	v7 =	vld [tilespmem:s11+$0x11370]  }
0x35b: {  	v5 =	vmax.f32 v5, v8;
	v8 =	vld [tilespmem:s11+$0x11380]  }
0x35c: {  	v60 =	vld [tilespmem:s11+$0x11390];
	v5 =	vmax.f32 v5, v58  }
0x35d: {  	v61 =	vld [tilespmem:s11+$0x113A0];
	v5 =	vmax.f32 v5, v59  }
0x35e: {  	v5 =	vmax.f32 v5, v6;
	v6 =	vld [tilespmem:s11+$0x113B0]  }
0x35f: {  	v5 =	vmax.f32 v5, v7;
	v7 =	vld [tilespmem:s11+$0x113C0]  }
0x360: {  	v5 =	vmax.f32 v5, v8;
	v8 =	vld [tilespmem:s11+$0x113D0]  }
0x361: {  	v62 =	vld [tilespmem:s11+$0x113E0];
	v5 =	vmax.f32 v5, v60  }
0x362: {  	v63 =	vld [tilespmem:s11+$0x113F0];
	v5 =	vmax.f32 v5, v61  }
0x363: {  	v5 =	vmax.f32 v5, v6  }
0x364: {  	v5 =	vmax.f32 v5, v7  }
0x365: {  	v5 =	vmax.f32 v5, v8  }
0x366: {  	v5 =	vmax.f32 v5, v62  }
0x367: {  	s8 =	simm.s32 $0x1A130;
	v5 =	vmax.f32 v5, v63  }
0x368: {  	s31 =	simm.s32 $0x100;
	v6 =	vimm.f32 $-Inf;
	[tilespmem:s8+$0x0] =	vst v5  }
0x369: {  	s1 =	simm.s32 $0x800;
	v5 =	vmax.f32 v6, v5;
	v6 =	vld [tilespmem:s31+$0x11310]  }
.LBB2_27:
0x36a: {  	p0 =	sne.s32 s1, $0x6000;
	v7 =	vld [tilespmem:s31+$0x11300]  }
0x36b: {  	v8 =	vld [tilespmem:s31+$0x11320]  }
0x36c: {  	v9 =	vld [tilespmem:s31+$0x11330]  }
0x36d: {  	v10 =	vld [tilespmem:s31+$0x11340]  }
0x36e: {  	v11 =	vld [tilespmem:s31+$0x11350]  }
0x36f: {  	v6 =	vmax.f32 v7, v6;
	v7 =	vld [tilespmem:s31+$0x11360]  }
0x370: {  	v6 =	vmax.f32 v6, v8;
	v8 =	vld [tilespmem:s31+$0x11370]  }
0x371: {  	v6 =	vmax.f32 v6, v9;
	v9 =	vld [tilespmem:s31+$0x11380]  }
0x372: {  	v6 =	vmax.f32 v6, v10;
	v10 =	vld [tilespmem:s31+$0x11390]  }
0x373: {  	v6 =	vmax.f32 v6, v11;
	v11 =	vld [tilespmem:s31+$0x113A0]  }
0x374: {  	v6 =	vmax.f32 v6, v7;
	v7 =	vld [tilespmem:s31+$0x113B0]  }
0x375: {  	v6 =	vmax.f32 v6, v8;
	v8 =	vld [tilespmem:s31+$0x113C0]  }
0x376: {  	v6 =	vmax.f32 v6, v9;
	v9 =	vld [tilespmem:s31+$0x113D0]  }
0x377: {  	v6 =	vmax.f32 v6, v10;
	v10 =	vld [tilespmem:s31+$0x113E0]  }
0x378: {  	v6 =	vmax.f32 v6, v11;
	v11 =	vld [tilespmem:s31+$0x113F0]  }
0x379: {  	v6 =	vmax.f32 v6, v7  }
0x37a: {  	v6 =	vmax.f32 v6, v8  }
.Ltmp16:
0x37b: {  	v6 =	vmax.f32 v6, v9;
	(pc) =	sbr.rel @p0 .LBB2_27-.Ltmp16, $4  }
0x37c: {  	v6 =	vmax.f32 v6, v10  }
0x37d: {  	s8 =	sadd.s32 $0x10, s8;
	v6 =	vmax.f32 v6, v11  }
0x37e: {  	s31 =	sshra.s32 s1, $0x2;
	[tilespmem:s8+$0x0] =	vst v6;
	v5 =	vmax.f32 v5, v6  }
0x37f: {  	s1 =	sadd.s32 $0x400, s1;
	v6 =	vld [tilespmem:s31+$0x11310]  }
0x380: {  	v7 =	vld [tilespmem:s31+$0x11300]  }
0x381: {  	v8 =	vld [tilespmem:s31+$0x11320]  }
0x382: {  	v9 =	vld [tilespmem:s31+$0x11330]  }
0x383: {  	v10 =	vld [tilespmem:s31+$0x11340]  }
0x384: {  	v11 =	vld [tilespmem:s31+$0x11350]  }
0x385: {  	v6 =	vmax.f32 v7, v6;
	v7 =	vld [tilespmem:s31+$0x11360]  }
0x386: {  	v6 =	vmax.f32 v6, v8;
	v8 =	vld [tilespmem:s31+$0x11370]  }
0x387: {  	v52 =	vld [tilespmem:s31+$0x11380];
	v6 =	vmax.f32 v6, v9  }
0x388: {  	v53 =	vld [tilespmem:s31+$0x11390];
	v6 =	vmax.f32 v6, v10  }
0x389: {  	v54 =	vld [tilespmem:s31+$0x113A0];
	v6 =	vmax.f32 v6, v11  }
0x38a: {  	v6 =	vmax.f32 v6, v7;
	v7 =	vld [tilespmem:s31+$0x113B0]  }
0x38b: {  	v6 =	vmax.f32 v6, v8;
	v8 =	vld [tilespmem:s31+$0x113C0]  }
0x38c: {  	v55 =	vld [tilespmem:s31+$0x113D0];
	v6 =	vmax.f32 v6, v52  }
0x38d: {  	v56 =	vld [tilespmem:s31+$0x113E0];
	v6 =	vmax.f32 v6, v53  }
0x38e: {  	v57 =	vld [tilespmem:s31+$0x113F0];
	v6 =	vmax.f32 v6, v54  }
0x38f: {  	v6 =	vmax.f32 v6, v7  }
0x390: {  	v6 =	vmax.f32 v6, v8  }
0x391: {  	v6 =	vmax.f32 v6, v55  }
0x392: {  	v6 =	vmax.f32 v6, v56  }
0x393: {  	s1 =	sadd.s32 $0x10, s8;
	v6 =	vmax.f32 v6, v57  }
0x394: {  	[tilespmem:s1+$0x0] =	vst v6;
	v5 =	vmax.f32 v5, v6  }
0x395: {  	[tilespmem:$0x1A9B0] =	vst v5  }
0x396: {  	_ =	swait.ge [sflag:s12], $0x1900  }
0x397: {  	s8 =	sadd.s32 $0x2BC0, s9;
	[sflag:s12] =	ssyncset.done $0x0  }
0x398: {  	s3 =	simm.s32 $0x0;
	s11 =	simm.s32 $0x0;
	[sflag:s12] =	ssyncadd.s32 $0xFFFFE700  }
0x399: {  	[tilespmem:s26], [sflag:$0x1] =	stream.linear.gather [hbm4b:s8+s3], $0x1900, $0x38;
	[tilespmem:$0x1D780] =	vst v63  }
0x39a: {  	v5 =	vld [tilespmem:s11+$0x12C10]  }
0x39b: {  	v6 =	vld [tilespmem:s11+$0x12C00]  }
0x39c: {  	v7 =	vld [tilespmem:s11+$0x12C20]  }
0x39d: {  	v8 =	vld [tilespmem:s11+$0x12C30]  }
0x39e: {  	v58 =	vld [tilespmem:s11+$0x12C40]  }
0x39f: {  	v59 =	vld [tilespmem:s11+$0x12C50]  }
0x3a0: {  	v5 =	vmax.f32 v6, v5;
	v6 =	vld [tilespmem:s11+$0x12C60]  }
0x3a1: {  	v5 =	vmax.f32 v5, v7;
	v7 =	vld [tilespmem:s11+$0x12C70]  }
0x3a2: {  	v5 =	vmax.f32 v5, v8;
	v8 =	vld [tilespmem:s11+$0x12C80]  }
0x3a3: {  	v60 =	vld [tilespmem:s11+$0x12C90];
	v5 =	vmax.f32 v5, v58  }
0x3a4: {  	v61 =	vld [tilespmem:s11+$0x12CA0];
	v5 =	vmax.f32 v5, v59  }
0x3a5: {  	v5 =	vmax.f32 v5, v6;
	v6 =	vld [tilespmem:s11+$0x12CB0]  }
0x3a6: {  	v5 =	vmax.f32 v5, v7;
	v7 =	vld [tilespmem:s11+$0x12CC0]  }
0x3a7: {  	v5 =	vmax.f32 v5, v8;
	v8 =	vld [tilespmem:s11+$0x12CD0]  }
0x3a8: {  	v62 =	vld [tilespmem:s11+$0x12CE0];
	v5 =	vmax.f32 v5, v60  }
0x3a9: {  	v63 =	vld [tilespmem:s11+$0x12CF0];
	v5 =	vmax.f32 v5, v61  }
0x3aa: {  	v5 =	vmax.f32 v5, v6  }
0x3ab: {  	v5 =	vmax.f32 v5, v7  }
0x3ac: {  	v5 =	vmax.f32 v5, v8  }
0x3ad: {  	v5 =	vmax.f32 v5, v62  }
0x3ae: {  	s8 =	simm.s32 $0x1A2C0;
	v5 =	vmax.f32 v5, v63  }
0x3af: {  	s31 =	simm.s32 $0x100;
	v6 =	vimm.f32 $-Inf;
	[tilespmem:s8+$0x0] =	vst v5  }
0x3b0: {  	s1 =	simm.s32 $0x800;
	v5 =	vmax.f32 v6, v5;
	v6 =	vld [tilespmem:s31+$0x12C10]  }
.LBB2_29:
0x3b1: {  	p0 =	sne.s32 s1, $0x6000;
	v7 =	vld [tilespmem:s31+$0x12C00]  }
0x3b2: {  	v8 =	vld [tilespmem:s31+$0x12C20]  }
0x3b3: {  	v9 =	vld [tilespmem:s31+$0x12C30]  }
0x3b4: {  	v10 =	vld [tilespmem:s31+$0x12C40]  }
0x3b5: {  	v11 =	vld [tilespmem:s31+$0x12C50]  }
0x3b6: {  	v6 =	vmax.f32 v7, v6;
	v7 =	vld [tilespmem:s31+$0x12C60]  }
0x3b7: {  	v6 =	vmax.f32 v6, v8;
	v8 =	vld [tilespmem:s31+$0x12C70]  }
0x3b8: {  	v6 =	vmax.f32 v6, v9;
	v9 =	vld [tilespmem:s31+$0x12C80]  }
0x3b9: {  	v6 =	vmax.f32 v6, v10;
	v10 =	vld [tilespmem:s31+$0x12C90]  }
0x3ba: {  	v6 =	vmax.f32 v6, v11;
	v11 =	vld [tilespmem:s31+$0x12CA0]  }
0x3bb: {  	v6 =	vmax.f32 v6, v7;
	v7 =	vld [tilespmem:s31+$0x12CB0]  }
0x3bc: {  	v6 =	vmax.f32 v6, v8;
	v8 =	vld [tilespmem:s31+$0x12CC0]  }
0x3bd: {  	v6 =	vmax.f32 v6, v9;
	v9 =	vld [tilespmem:s31+$0x12CD0]  }
0x3be: {  	v6 =	vmax.f32 v6, v10;
	v10 =	vld [tilespmem:s31+$0x12CE0]  }
0x3bf: {  	v6 =	vmax.f32 v6, v11;
	v11 =	vld [tilespmem:s31+$0x12CF0]  }
0x3c0: {  	v6 =	vmax.f32 v6, v7  }
0x3c1: {  	v6 =	vmax.f32 v6, v8  }
.Ltmp17:
0x3c2: {  	v6 =	vmax.f32 v6, v9;
	(pc) =	sbr.rel @p0 .LBB2_29-.Ltmp17, $4  }
0x3c3: {  	v6 =	vmax.f32 v6, v10  }
0x3c4: {  	s8 =	sadd.s32 $0x10, s8;
	v6 =	vmax.f32 v6, v11  }
0x3c5: {  	s31 =	sshra.s32 s1, $0x2;
	[tilespmem:s8+$0x0] =	vst v6;
	v5 =	vmax.f32 v5, v6  }
0x3c6: {  	s1 =	sadd.s32 $0x400, s1;
	v6 =	vld [tilespmem:s31+$0x12C10]  }
0x3c7: {  	v7 =	vld [tilespmem:s31+$0x12C00]  }
0x3c8: {  	v8 =	vld [tilespmem:s31+$0x12C20]  }
0x3c9: {  	v9 =	vld [tilespmem:s31+$0x12C30]  }
0x3ca: {  	v10 =	vld [tilespmem:s31+$0x12C40]  }
0x3cb: {  	v11 =	vld [tilespmem:s31+$0x12C50]  }
0x3cc: {  	v6 =	vmax.f32 v7, v6;
	v7 =	vld [tilespmem:s31+$0x12C60]  }
0x3cd: {  	v6 =	vmax.f32 v6, v8;
	v8 =	vld [tilespmem:s31+$0x12C70]  }
0x3ce: {  	v52 =	vld [tilespmem:s31+$0x12C80];
	v6 =	vmax.f32 v6, v9  }
0x3cf: {  	v53 =	vld [tilespmem:s31+$0x12C90];
	v6 =	vmax.f32 v6, v10  }
0x3d0: {  	v54 =	vld [tilespmem:s31+$0x12CA0];
	v6 =	vmax.f32 v6, v11  }
0x3d1: {  	v6 =	vmax.f32 v6, v7;
	v7 =	vld [tilespmem:s31+$0x12CB0]  }
0x3d2: {  	v6 =	vmax.f32 v6, v8;
	v8 =	vld [tilespmem:s31+$0x12CC0]  }
0x3d3: {  	v55 =	vld [tilespmem:s31+$0x12CD0];
	v6 =	vmax.f32 v6, v52  }
0x3d4: {  	v56 =	vld [tilespmem:s31+$0x12CE0];
	v6 =	vmax.f32 v6, v53  }
0x3d5: {  	v57 =	vld [tilespmem:s31+$0x12CF0];
	v6 =	vmax.f32 v6, v54  }
0x3d6: {  	v6 =	vmax.f32 v6, v7  }
0x3d7: {  	v6 =	vmax.f32 v6, v8  }
0x3d8: {  	v6 =	vmax.f32 v6, v55  }
0x3d9: {  	v6 =	vmax.f32 v6, v56  }
0x3da: {  	s1 =	sadd.s32 $0x10, s8;
	v6 =	vmax.f32 v6, v57  }
0x3db: {  	[tilespmem:s1+$0x0] =	vst v6;
	v5 =	vmax.f32 v5, v6  }
0x3dc: {  	[tilespmem:$0x1A9C0] =	vst v5  }
0x3dd: {  	_ =	swait.ge [sflag:s14], $0x1900  }
0x3de: {  	s11 =	sadd.s32 $0x2EE0, s9;
	[sflag:s14] =	ssyncset.done $0x0  }
0x3df: {  	s3 =	simm.s32 $0x0;
	s31 =	simm.s32 $0x0;
	[sflag:s14] =	ssyncadd.s32 $0xFFFFE700  }
0x3e0: {  	[tilespmem:s28], [sflag:$0x2] =	stream.linear.gather [hbm4b:s11+s3], $0xFA0, $0x38;
	[tilespmem:$0x1D780] =	vst v63  }
0x3e1: {  	v5 =	vld [tilespmem:s31+$0x14510]  }
0x3e2: {  	v6 =	vld [tilespmem:s31+$0x14500]  }
0x3e3: {  	v7 =	vld [tilespmem:s31+$0x14520]  }
0x3e4: {  	v8 =	vld [tilespmem:s31+$0x14530]  }
0x3e5: {  	v58 =	vld [tilespmem:s31+$0x14540]  }
0x3e6: {  	v59 =	vld [tilespmem:s31+$0x14550]  }
0x3e7: {  	v5 =	vmax.f32 v6, v5;
	v6 =	vld [tilespmem:s31+$0x14560]  }
0x3e8: {  	v5 =	vmax.f32 v5, v7;
	v7 =	vld [tilespmem:s31+$0x14570]  }
0x3e9: {  	v5 =	vmax.f32 v5, v8;
	v8 =	vld [tilespmem:s31+$0x14580]  }
0x3ea: {  	v60 =	vld [tilespmem:s31+$0x14590];
	v5 =	vmax.f32 v5, v58  }
0x3eb: {  	v61 =	vld [tilespmem:s31+$0x145A0];
	v5 =	vmax.f32 v5, v59  }
0x3ec: {  	v5 =	vmax.f32 v5, v6;
	v6 =	vld [tilespmem:s31+$0x145B0]  }
0x3ed: {  	v5 =	vmax.f32 v5, v7;
	v7 =	vld [tilespmem:s31+$0x145C0]  }
0x3ee: {  	v5 =	vmax.f32 v5, v8;
	v8 =	vld [tilespmem:s31+$0x145D0]  }
0x3ef: {  	v62 =	vld [tilespmem:s31+$0x145E0];
	v5 =	vmax.f32 v5, v60  }
0x3f0: {  	v63 =	vld [tilespmem:s31+$0x145F0];
	v5 =	vmax.f32 v5, v61  }
0x3f1: {  	v5 =	vmax.f32 v5, v6  }
0x3f2: {  	v5 =	vmax.f32 v5, v7  }
0x3f3: {  	v5 =	vmax.f32 v5, v8  }
0x3f4: {  	v5 =	vmax.f32 v5, v62  }
0x3f5: {  	s8 =	simm.s32 $0x1A450;
	v5 =	vmax.f32 v5, v63  }
0x3f6: {  	s9 =	simm.s32 $0x100;
	v6 =	vimm.f32 $-Inf;
	[tilespmem:s8+$0x0] =	vst v5  }
0x3f7: {  	s1 =	simm.s32 $0x800;
	v5 =	vmax.f32 v6, v5;
	v6 =	vld [tilespmem:s9+$0x14510]  }
.LBB2_31:
0x3f8: {  	p0 =	sne.s32 s1, $0x6000;
	v7 =	vld [tilespmem:s9+$0x14500]  }
0x3f9: {  	v8 =	vld [tilespmem:s9+$0x14520]  }
0x3fa: {  	v9 =	vld [tilespmem:s9+$0x14530]  }
0x3fb: {  	v10 =	vld [tilespmem:s9+$0x14540]  }
0x3fc: {  	v11 =	vld [tilespmem:s9+$0x14550]  }
0x3fd: {  	v6 =	vmax.f32 v7, v6;
	v7 =	vld [tilespmem:s9+$0x14560]  }
0x3fe: {  	v6 =	vmax.f32 v6, v8;
	v8 =	vld [tilespmem:s9+$0x14570]  }
0x3ff: {  	v6 =	vmax.f32 v6, v9;
	v9 =	vld [tilespmem:s9+$0x14580]  }
0x400: {  	v6 =	vmax.f32 v6, v10;
	v10 =	vld [tilespmem:s9+$0x14590]  }
0x401: {  	v6 =	vmax.f32 v6, v11;
	v11 =	vld [tilespmem:s9+$0x145A0]  }
0x402: {  	v6 =	vmax.f32 v6, v7;
	v7 =	vld [tilespmem:s9+$0x145B0]  }
0x403: {  	v6 =	vmax.f32 v6, v8;
	v8 =	vld [tilespmem:s9+$0x145C0]  }
0x404: {  	v6 =	vmax.f32 v6, v9;
	v9 =	vld [tilespmem:s9+$0x145D0]  }
0x405: {  	v6 =	vmax.f32 v6, v10;
	v10 =	vld [tilespmem:s9+$0x145E0]  }
0x406: {  	v6 =	vmax.f32 v6, v11;
	v11 =	vld [tilespmem:s9+$0x145F0]  }
0x407: {  	v6 =	vmax.f32 v6, v7  }
0x408: {  	v6 =	vmax.f32 v6, v8  }
.Ltmp18:
0x409: {  	v6 =	vmax.f32 v6, v9;
	(pc) =	sbr.rel @p0 .LBB2_31-.Ltmp18, $4  }
0x40a: {  	v6 =	vmax.f32 v6, v10  }
0x40b: {  	s8 =	sadd.s32 $0x10, s8;
	v6 =	vmax.f32 v6, v11  }
0x40c: {  	s9 =	sshra.s32 s1, $0x2;
	[tilespmem:s8+$0x0] =	vst v6;
	v5 =	vmax.f32 v5, v6  }
0x40d: {  	s1 =	sadd.s32 $0x400, s1;
	v6 =	vld [tilespmem:s9+$0x14510]  }
0x40e: {  	v7 =	vld [tilespmem:s9+$0x14500]  }
0x40f: {  	v8 =	vld [tilespmem:s9+$0x14520]  }
0x410: {  	v9 =	vld [tilespmem:s9+$0x14530]  }
0x411: {  	v10 =	vld [tilespmem:s9+$0x14540]  }
0x412: {  	v11 =	vld [tilespmem:s9+$0x14550]  }
0x413: {  	v6 =	vmax.f32 v7, v6;
	v7 =	vld [tilespmem:s9+$0x14560]  }
0x414: {  	v6 =	vmax.f32 v6, v8;
	v8 =	vld [tilespmem:s9+$0x14570]  }
0x415: {  	v52 =	vld [tilespmem:s9+$0x14580];
	v6 =	vmax.f32 v6, v9  }
0x416: {  	v53 =	vld [tilespmem:s9+$0x14590];
	v6 =	vmax.f32 v6, v10  }
0x417: {  	v54 =	vld [tilespmem:s9+$0x145A0];
	v6 =	vmax.f32 v6, v11  }
0x418: {  	v6 =	vmax.f32 v6, v7;
	v7 =	vld [tilespmem:s9+$0x145B0]  }
0x419: {  	v6 =	vmax.f32 v6, v8;
	v8 =	vld [tilespmem:s9+$0x145C0]  }
0x41a: {  	v55 =	vld [tilespmem:s9+$0x145D0];
	v6 =	vmax.f32 v6, v52  }
0x41b: {  	v56 =	vld [tilespmem:s9+$0x145E0];
	v6 =	vmax.f32 v6, v53  }
0x41c: {  	v57 =	vld [tilespmem:s9+$0x145F0];
	v6 =	vmax.f32 v6, v54  }
0x41d: {  	v6 =	vmax.f32 v6, v7  }
0x41e: {  	v6 =	vmax.f32 v6, v8  }
0x41f: {  	v6 =	vmax.f32 v6, v55  }
0x420: {  	v6 =	vmax.f32 v6, v56  }
0x421: {  	s1 =	sadd.s32 $0x10, s8;
	v6 =	vmax.f32 v6, v57  }
0x422: {  	[tilespmem:s1+$0x0] =	vst v6;
	v5 =	vmax.f32 v5, v6  }
0x423: {  	[tilespmem:$0x1A9D0] =	vst v5  }
0x424: {  	_ =	swait.ge [sflag:s12], $0x1900  }
0x425: {  	[sflag:s12] =	ssyncset.done $0x0  }
0x426: {  	s31 =	simm.s32 $0x0;
	[sflag:s12] =	ssyncadd.s32 $0xFFFFE700  }
0x427: {  	v5 =	vld [tilespmem:s31+$0x15E10]  }
0x428: {  	v6 =	vld [tilespmem:s31+$0x15E00]  }
0x429: {  	v7 =	vld [tilespmem:s31+$0x15E20]  }
0x42a: {  	v8 =	vld [tilespmem:s31+$0x15E30]  }
0x42b: {  	v58 =	vld [tilespmem:s31+$0x15E40]  }
0x42c: {  	v59 =	vld [tilespmem:s31+$0x15E50]  }
0x42d: {  	v5 =	vmax.f32 v6, v5;
	v6 =	vld [tilespmem:s31+$0x15E60]  }
0x42e: {  	v5 =	vmax.f32 v5, v7;
	v7 =	vld [tilespmem:s31+$0x15E70]  }
0x42f: {  	v5 =	vmax.f32 v5, v8;
	v8 =	vld [tilespmem:s31+$0x15E80]  }
0x430: {  	v60 =	vld [tilespmem:s31+$0x15E90];
	v5 =	vmax.f32 v5, v58  }
0x431: {  	v61 =	vld [tilespmem:s31+$0x15EA0];
	v5 =	vmax.f32 v5, v59  }
0x432: {  	v5 =	vmax.f32 v5, v6;
	v6 =	vld [tilespmem:s31+$0x15EB0]  }
0x433: {  	v5 =	vmax.f32 v5, v7;
	v7 =	vld [tilespmem:s31+$0x15EC0]  }
0x434: {  	v5 =	vmax.f32 v5, v8;
	v8 =	vld [tilespmem:s31+$0x15ED0]  }
0x435: {  	v62 =	vld [tilespmem:s31+$0x15EE0];
	v5 =	vmax.f32 v5, v60  }
0x436: {  	v63 =	vld [tilespmem:s31+$0x15EF0];
	v5 =	vmax.f32 v5, v61  }
0x437: {  	v5 =	vmax.f32 v5, v6  }
0x438: {  	v5 =	vmax.f32 v5, v7  }
0x439: {  	v5 =	vmax.f32 v5, v8  }
0x43a: {  	v5 =	vmax.f32 v5, v62  }
0x43b: {  	s8 =	simm.s32 $0x1A5E0;
	v5 =	vmax.f32 v5, v63  }
0x43c: {  	s9 =	simm.s32 $0x100;
	v6 =	vimm.f32 $-Inf;
	[tilespmem:s8+$0x0] =	vst v5  }
0x43d: {  	s1 =	simm.s32 $0x800;
	v5 =	vmax.f32 v6, v5;
	v6 =	vld [tilespmem:s9+$0x15E10]  }
.LBB2_33:
0x43e: {  	p0 =	sne.s32 s1, $0x6000;
	v7 =	vld [tilespmem:s9+$0x15E00]  }
0x43f: {  	v8 =	vld [tilespmem:s9+$0x15E20]  }
0x440: {  	v9 =	vld [tilespmem:s9+$0x15E30]  }
0x441: {  	v10 =	vld [tilespmem:s9+$0x15E40]  }
0x442: {  	v11 =	vld [tilespmem:s9+$0x15E50]  }
0x443: {  	v6 =	vmax.f32 v7, v6;
	v7 =	vld [tilespmem:s9+$0x15E60]  }
0x444: {  	v6 =	vmax.f32 v6, v8;
	v8 =	vld [tilespmem:s9+$0x15E70]  }
0x445: {  	v6 =	vmax.f32 v6, v9;
	v9 =	vld [tilespmem:s9+$0x15E80]  }
0x446: {  	v6 =	vmax.f32 v6, v10;
	v10 =	vld [tilespmem:s9+$0x15E90]  }
0x447: {  	v6 =	vmax.f32 v6, v11;
	v11 =	vld [tilespmem:s9+$0x15EA0]  }
0x448: {  	v6 =	vmax.f32 v6, v7;
	v7 =	vld [tilespmem:s9+$0x15EB0]  }
0x449: {  	v6 =	vmax.f32 v6, v8;
	v8 =	vld [tilespmem:s9+$0x15EC0]  }
0x44a: {  	v6 =	vmax.f32 v6, v9;
	v9 =	vld [tilespmem:s9+$0x15ED0]  }
0x44b: {  	v6 =	vmax.f32 v6, v10;
	v10 =	vld [tilespmem:s9+$0x15EE0]  }
0x44c: {  	v6 =	vmax.f32 v6, v11;
	v11 =	vld [tilespmem:s9+$0x15EF0]  }
0x44d: {  	v6 =	vmax.f32 v6, v7  }
0x44e: {  	v6 =	vmax.f32 v6, v8  }
.Ltmp19:
0x44f: {  	v6 =	vmax.f32 v6, v9;
	(pc) =	sbr.rel @p0 .LBB2_33-.Ltmp19, $4  }
0x450: {  	v6 =	vmax.f32 v6, v10  }
0x451: {  	s8 =	sadd.s32 $0x10, s8;
	v6 =	vmax.f32 v6, v11  }
0x452: {  	s9 =	sshra.s32 s1, $0x2;
	[tilespmem:s8+$0x0] =	vst v6;
	v5 =	vmax.f32 v5, v6  }
0x453: {  	s1 =	sadd.s32 $0x400, s1;
	v6 =	vld [tilespmem:s9+$0x15E10]  }
0x454: {  	v7 =	vld [tilespmem:s9+$0x15E00]  }
0x455: {  	v8 =	vld [tilespmem:s9+$0x15E20]  }
0x456: {  	v9 =	vld [tilespmem:s9+$0x15E30]  }
0x457: {  	v10 =	vld [tilespmem:s9+$0x15E40]  }
0x458: {  	v11 =	vld [tilespmem:s9+$0x15E50]  }
0x459: {  	v6 =	vmax.f32 v7, v6;
	v7 =	vld [tilespmem:s9+$0x15E60]  }
0x45a: {  	v6 =	vmax.f32 v6, v8;
	v8 =	vld [tilespmem:s9+$0x15E70]  }
0x45b: {  	v52 =	vld [tilespmem:s9+$0x15E80];
	v6 =	vmax.f32 v6, v9  }
0x45c: {  	v53 =	vld [tilespmem:s9+$0x15E90];
	v6 =	vmax.f32 v6, v10  }
0x45d: {  	v54 =	vld [tilespmem:s9+$0x15EA0];
	v6 =	vmax.f32 v6, v11  }
0x45e: {  	v6 =	vmax.f32 v6, v7;
	v7 =	vld [tilespmem:s9+$0x15EB0]  }
0x45f: {  	v6 =	vmax.f32 v6, v8;
	v8 =	vld [tilespmem:s9+$0x15EC0]  }
0x460: {  	v55 =	vld [tilespmem:s9+$0x15ED0];
	v6 =	vmax.f32 v6, v52  }
0x461: {  	v56 =	vld [tilespmem:s9+$0x15EE0];
	v6 =	vmax.f32 v6, v53  }
0x462: {  	v57 =	vld [tilespmem:s9+$0x15EF0];
	v6 =	vmax.f32 v6, v54  }
0x463: {  	v6 =	vmax.f32 v6, v7  }
0x464: {  	v6 =	vmax.f32 v6, v8  }
0x465: {  	v6 =	vmax.f32 v6, v55  }
0x466: {  	v6 =	vmax.f32 v6, v56  }
0x467: {  	s1 =	sadd.s32 $0x10, s8;
	v6 =	vmax.f32 v6, v57  }
0x468: {  	[tilespmem:s1+$0x0] =	vst v6;
	v5 =	vmax.f32 v5, v6  }
0x469: {  	[tilespmem:$0x1A9E0] =	vst v5  }
0x46a: {  	_ =	swait.ge [sflag:s14], $0xFA0  }
0x46b: {  	[sflag:s14] =	ssyncset.done $0x0  }
0x46c: {  	s31 =	simm.s32 $0x0;
	[sflag:s14] =	ssyncadd.s32 $0xFFFFF060  }
0x46d: {  	v5 =	vld [tilespmem:s31+$0x17710]  }
0x46e: {  	v6 =	vld [tilespmem:s31+$0x17700]  }
0x46f: {  	v7 =	vld [tilespmem:s31+$0x17720]  }
0x470: {  	v8 =	vld [tilespmem:s31+$0x17730]  }
0x471: {  	v58 =	vld [tilespmem:s31+$0x17740]  }
0x472: {  	v59 =	vld [tilespmem:s31+$0x17750]  }
0x473: {  	v5 =	vmax.f32 v6, v5;
	v6 =	vld [tilespmem:s31+$0x17760]  }
0x474: {  	v5 =	vmax.f32 v5, v7;
	v7 =	vld [tilespmem:s31+$0x17770]  }
0x475: {  	v5 =	vmax.f32 v5, v8;
	v8 =	vld [tilespmem:s31+$0x17780]  }
0x476: {  	v60 =	vld [tilespmem:s31+$0x17790];
	v5 =	vmax.f32 v5, v58  }
0x477: {  	v61 =	vld [tilespmem:s31+$0x177A0];
	v5 =	vmax.f32 v5, v59  }
0x478: {  	v5 =	vmax.f32 v5, v6;
	v6 =	vld [tilespmem:s31+$0x177B0]  }
0x479: {  	v5 =	vmax.f32 v5, v7;
	v7 =	vld [tilespmem:s31+$0x177C0]  }
0x47a: {  	v5 =	vmax.f32 v5, v8;
	v8 =	vld [tilespmem:s31+$0x177D0]  }
0x47b: {  	v62 =	vld [tilespmem:s31+$0x177E0];
	v5 =	vmax.f32 v5, v60  }
0x47c: {  	v63 =	vld [tilespmem:s31+$0x177F0];
	v5 =	vmax.f32 v5, v61  }
0x47d: {  	v5 =	vmax.f32 v5, v6  }
0x47e: {  	v5 =	vmax.f32 v5, v7  }
0x47f: {  	v5 =	vmax.f32 v5, v8  }
0x480: {  	v5 =	vmax.f32 v5, v62  }
0x481: {  	s8 =	simm.s32 $0x1A770;
	v5 =	vmax.f32 v5, v63  }
0x482: {  	s9 =	simm.s32 $0x100;
	v6 =	vimm.f32 $-Inf;
	[tilespmem:s8+$0x0] =	vst v5  }
0x483: {  	s1 =	simm.s32 $0x800;
	v5 =	vmax.f32 v6, v5;
	v6 =	vld [tilespmem:s9+$0x17710]  }
.LBB2_35:
0x484: {  	p0 =	sne.s32 s1, $0x6000;
	v7 =	vld [tilespmem:s9+$0x17700]  }
0x485: {  	v8 =	vld [tilespmem:s9+$0x17720]  }
0x486: {  	v9 =	vld [tilespmem:s9+$0x17730]  }
0x487: {  	v10 =	vld [tilespmem:s9+$0x17740]  }
0x488: {  	v11 =	vld [tilespmem:s9+$0x17750]  }
0x489: {  	v6 =	vmax.f32 v7, v6;
	v7 =	vld [tilespmem:s9+$0x17760]  }
0x48a: {  	v6 =	vmax.f32 v6, v8;
	v8 =	vld [tilespmem:s9+$0x17770]  }
0x48b: {  	v6 =	vmax.f32 v6, v9;
	v9 =	vld [tilespmem:s9+$0x17780]  }
0x48c: {  	v6 =	vmax.f32 v6, v10;
	v10 =	vld [tilespmem:s9+$0x17790]  }
0x48d: {  	v6 =	vmax.f32 v6, v11;
	v11 =	vld [tilespmem:s9+$0x177A0]  }
0x48e: {  	v6 =	vmax.f32 v6, v7;
	v7 =	vld [tilespmem:s9+$0x177B0]  }
0x48f: {  	v6 =	vmax.f32 v6, v8;
	v8 =	vld [tilespmem:s9+$0x177C0]  }
0x490: {  	v6 =	vmax.f32 v6, v9;
	v9 =	vld [tilespmem:s9+$0x177D0]  }
0x491: {  	v6 =	vmax.f32 v6, v10;
	v10 =	vld [tilespmem:s9+$0x177E0]  }
0x492: {  	v6 =	vmax.f32 v6, v11;
	v11 =	vld [tilespmem:s9+$0x177F0]  }
0x493: {  	v6 =	vmax.f32 v6, v7  }
0x494: {  	v6 =	vmax.f32 v6, v8  }
.Ltmp20:
0x495: {  	v6 =	vmax.f32 v6, v9;
	(pc) =	sbr.rel @p0 .LBB2_35-.Ltmp20, $4  }
0x496: {  	v6 =	vmax.f32 v6, v10  }
0x497: {  	s8 =	sadd.s32 $0x10, s8;
	v6 =	vmax.f32 v6, v11  }
0x498: {  	s9 =	sshra.s32 s1, $0x2;
	[tilespmem:s8+$0x0] =	vst v6;
	v5 =	vmax.f32 v5, v6  }
0x499: {  	s1 =	sadd.s32 $0x400, s1;
	v6 =	vld [tilespmem:s9+$0x17710]  }
0x49a: {  	v7 =	vld [tilespmem:s9+$0x17700]  }
0x49b: {  	v8 =	vld [tilespmem:s9+$0x17720]  }
0x49c: {  	v9 =	vld [tilespmem:s9+$0x17730]  }
0x49d: {  	v10 =	vld [tilespmem:s9+$0x17740]  }
0x49e: {  	v11 =	vld [tilespmem:s9+$0x17750]  }
0x49f: {  	v6 =	vmax.f32 v7, v6;
	v7 =	vld [tilespmem:s9+$0x17760]  }
0x4a0: {  	v6 =	vmax.f32 v6, v8;
	v8 =	vld [tilespmem:s9+$0x17770]  }
0x4a1: {  	v49 =	vld [tilespmem:s9+$0x17780];
	v6 =	vmax.f32 v6, v9  }
0x4a2: {  	v50 =	vld [tilespmem:s9+$0x17790];
	v6 =	vmax.f32 v6, v10  }
0x4a3: {  	v51 =	vld [tilespmem:s9+$0x177A0];
	v6 =	vmax.f32 v6, v11  }
0x4a4: {  	v6 =	vmax.f32 v6, v7;
	v7 =	vld [tilespmem:s9+$0x177B0]  }
0x4a5: {  	v6 =	vmax.f32 v6, v8;
	v8 =	vld [tilespmem:s9+$0x177C0]  }
0x4a6: {  	v52 =	vld [tilespmem:s9+$0x177D0];
	v6 =	vmax.f32 v6, v49  }
0x4a7: {  	v53 =	vld [tilespmem:s9+$0x177E0];
	v6 =	vmax.f32 v6, v50  }
0x4a8: {  	v54 =	vld [tilespmem:s9+$0x177F0];
	v6 =	vmax.f32 v6, v51  }
0x4a9: {  	v6 =	vmax.f32 v6, v7  }
0x4aa: {  	v6 =	vmax.f32 v6, v8  }
0x4ab: {  	v6 =	vmax.f32 v6, v52  }
0x4ac: {  	v6 =	vmax.f32 v6, v53  }
0x4ad: {  	s1 =	sadd.s32 $0x10, s8;
	v6 =	vmax.f32 v6, v54  }
0x4ae: {  	[tilespmem:s1+$0x0] =	vst v6  }
0x4af: {  	v7 =	vld [tilespmem:$0x1A900]  }
0x4b0: {  	v8 =	vld [tilespmem:$0x1A910]  }
0x4b1: {  	v55 =	vld [tilespmem:$0x1A920]  }
0x4b2: {  	v56 =	vld [tilespmem:$0x1A930]  }
0x4b3: {  	v57 =	vld [tilespmem:$0x1A940]  }
0x4b4: {  	(xrf1) =	vsort.ascd.msk.f32 $0xffff, v7, v7;
	v7 =	vld [tilespmem:$0x1A950]  }
0x4b5: {  	(xrf1) =	vsort.ascd.msk.f32 $0xffff, v8, v8;
	v8 =	vld [tilespmem:$0x1A960]  }
0x4b6: {  	v58 =	vld [tilespmem:$0x1A970];
	(xrf1) =	vsort.ascd.msk.f32 $0xffff, v55, v55  }
0x4b7: {  	v59 =	vld [tilespmem:$0x1A980];
	(xrf1) =	vsort.ascd.msk.f32 $0xffff, v56, v56  }
0x4b8: {  	v60 =	vld [tilespmem:$0x1A990];
	(xrf1) =	vsort.ascd.msk.f32 $0xffff, v57, v57  }
0x4b9: {  	(xrf1) =	vsort.ascd.msk.f32 $0xffff, v7, v7;
	v7 =	vld [tilespmem:$0x1A9A0]  }
0x4ba: {  	(xrf1) =	vsort.ascd.msk.f32 $0xffff, v8, v8;
	v8 =	vld [tilespmem:$0x1A9B0]  }
0x4bb: {  	v61 =	vld [tilespmem:$0x1A9C0];
	(xrf1) =	vsort.ascd.msk.f32 $0xffff, v58, v58  }
0x4bc: {  	v62 =	vld [tilespmem:$0x1A9D0];
	(xrf1) =	vsort.ascd.msk.f32 $0xffff, v59, v59  }
0x4bd: {  	v63 =	vld [tilespmem:$0x1A9E0];
	(xrf1) =	vsort.ascd.msk.f32 $0xffff, v60, v60  }
0x4be: {  	(xrf1) =	vsort.ascd.msk.f32 $0xffff, v7, v7  }
0x4bf: {  	(xrf1) =	vsort.ascd.msk.f32 $0xffff, v8, v8  }
0x4c0: {  	(xrf1) =	vsort.ascd.msk.f32 $0xffff, v61, v61  }
0x4c1: {  	(xrf1) =	vsort.ascd.msk.f32 $0xffff, v62, v62  }
0x4c2: {  	v5 =	vmax.f32 v5, v6;
	v6, _, _ =	vpop (xrf1);
	(xrf1) =	vsort.ascd.msk.f32 $0xffff, v63, v63  }
0x4c3: {  	v7, _, _ =	vpop (xrf1);
	(xrf1) =	vsort.ascd.msk.f32 $0xffff, v5, v5  }
0x4c4: {  	v8, _, _ =	vpop (xrf1);
	v6 =	vmin.f32 v6, v7  }
0x4c5: {  	v7, _, _ =	vpop (xrf1);
	v6 =	vmin.f32 v6, v8  }
0x4c6: {  	v8, _, _ =	vpop (xrf1);
	v6 =	vmin.f32 v6, v7  }
0x4c7: {  	v7, _, _ =	vpop (xrf1);
	v6 =	vmin.f32 v6, v8  }
0x4c8: {  	v8, _, _ =	vpop (xrf1);
	v6 =	vmin.f32 v6, v7  }
0x4c9: {  	v7, _, _ =	vpop (xrf1);
	v6 =	vmin.f32 v6, v8  }
0x4ca: {  	v8, _, _ =	vpop (xrf1);
	v6 =	vmin.f32 v6, v7  }
0x4cb: {  	v7, _, _ =	vpop (xrf1);
	v6 =	vmin.f32 v6, v8  }
0x4cc: {  	v8, _, _ =	vpop (xrf1);
	v6 =	vmin.f32 v6, v7  }
0x4cd: {  	v7, _, _ =	vpop (xrf1);
	v6 =	vmin.f32 v6, v8  }
0x4ce: {  	v8, _, _ =	vpop (xrf1);
	v6 =	vmin.f32 v6, v7  }
0x4cf: {  	v7, _, _ =	vpop (xrf1);
	v6 =	vmin.f32 v6, v8  }
0x4d0: {  	v8, _, _ =	vpop (xrf1);
	v6 =	vmin.f32 v6, v7  }
0x4d1: {  	v6 =	vmin.f32 v6, v8;
	v7, _, _ =	vpop (xrf1)  }
0x4d2: {  	s3 =	simm.s32 $0x19000;
	[tilespmem:$0x1A9F0] =	vst v5;
	v6 =	vmin.f32 v6, v7  }
0x4d3: {  	v5 =	vbroadcast v6, $0xC;
	v6 =	vld [tilespmem:s3+$0x0];
	_ =	sdelay $0x4  }
0x4d4: {  	vm1 =	vge.f32 v6, v5  }
0x4d5: {  	v6 =	vmpcnt.ones.xlane vm1;
	_ =	sdelay $0x1  }
0x4d6: {  	(v2sf) =	vpush v6, $0x0;
	_ =	sdelay $0x4  }
0x4d7: {  	s1 =	simm.s32 $0x0  }
0x4d8: {  	v7 =	vor.u32 s1, v1  }
0x4d9: {  	s8 =	simm.s32 $0x19010;
	[tilespmem:s1+$0x1AA00] =	vst.msk vm1, v7  }
0x4da: {  	s4 =	simm.s32 $0x20;
	s3 =	simm.s32 $0x10;
	v6 =	vld [tilespmem:s8+$0x0]  }
.LBB2_37:
0x4db: {  	p0 =	seq.s32 s4, $0x18F0;
	_ =	sdelay $0x3  }
0x4dc: {  	vm1 =	vge.f32 v6, v5  }
0x4dd: {  	v6 =	vmpcnt.ones.xlane vm1  }
0x4de: {  	s9 =	spop (v2sf)  }
0x4df: {  	v7 =	vor.u32 s3, v1;
	s3 =	smov.u32 s4;
	(v2sf) =	vpush v6, $0x0;
	s1 =	sadd.s32 s1, s9  }
0x4e0: {  	[tilespmem:s1+$0x1AA00] =	vst.msk vm1, v7;
	_ =	sdelay $0x2  }
.Ltmp21:
0x4e1: {  	(pc) =	sbr.rel @!p0 .LBB2_37-.Ltmp21, $3  }
0x4e2: {  	_ =	sdelay $0x1  }
0x4e3: {  	s8 =	sadd.s32 $0x10, s8  }
0x4e4: {  	s4 =	sadd.s32 $0x10, s4;
	v6 =	vld [tilespmem:s8+$0x0]  }
0x4e5: {  	_ =	sdelay $0x3  }
0x4e6: {  	vm1 =	vge.f32 v6, v5  }
0x4e7: {  	v6 =	vmpcnt.ones.xlane vm1;
	_ =	sdelay $0x1  }
0x4e8: {  	(v2sf) =	vpush v6, $0x0;
	_ =	sdelay $0xd  }
0x4e9: {  	s4 =	spop (v2sf)  }
0x4ea: {  	v6 =	vor.u32 s3, v1;
	s1 =	sadd.s32 s1, s4;
	s3 =	spop (v2sf)  }
0x4eb: {  	s4 =	sadd.s32 s1, s3  }
0x4ec: {  	p0 =	slt.s32 s4, $0x1  }
.Ltmp22:
0x4ed: {  	_ = 	snop;
	(pc) =	sbr.rel @p0 .LBB2_45-.Ltmp22, $2  }
0x4ee: {  	_ =	sdelay $0x2  }
0x4ef: {  	s9 =	simm.s32 $0x0;
	[tilespmem:s1+$0x1AA00] =	vst.msk vm1, v6;
	s4 =	simm.s32 $0x0  }
0x4f0: {  	s1 =	sadd.s32 s1, s3;
	s31 =	simm.s32 $0x1AA00  }
0x4f1: {  	v6 =	vld [tilespmem:s31+$0x0];
	p1 =	sne.s32 s1, $0x1  }
.Ltmp23:
0x4f2: {  	_ = 	snop;
	(pc) =	sbr.rel @!p1 .LBB2_40-.Ltmp23, $2  }
0x4f3: {  	_ =	sdelay $0x2  }
0x4f4: {  	s8 =	simm.s32 $0x0;
	p0 =	por $0x0, $0x0;
	s3 =	sadd.s32 $0xFFFFFFFF, s1;
	(v2sf) =	vpush v6, $0x0  }
0x4f5: {  	_ =	sdelay $0xd  }
0x4f6: {  	s1 =	spop (v2sf)  }
0x4f7: {  	s4 =	sshll.u32 s1, $0x4  }
0x4f8: {  	v6 =	vmul.u32 $0x10, v1;
	s1 =	sand.u32 $0xF, s1;
	s4 =	sand.u32 $0xFFFFFF00, s4  }
0x4f9: {  	s1 =	sor.u32 s1, s4  }
0x4fa: {  	v7 =	vor.u32 s1, v6;
	_ =	sdelay $0x4  }
0x4fb: {  	v8 =	vld.idx.msk [tilespmem:v7+s5+$0x0], $0xffff;
	_ =	sdelay $0x3  }
0x4fc: {  	p0 =	por $0x1, $0x1;
	vm1 =	vmmov vm0  }
0x4fd: {  	vm1 =	vmneg @p0 vm1;
	vm2 =	vge.f32 v8, v5  }
0x4fe: {  	vm1 =	vmand vm1, vm2  }
0x4ff: {  	v9 =	vmpcnt.ones.xlane vm1;
	[tilespmem:s8+$0x1C380] =	vst.msk vm1, v8  }
0x500: {  	s1 =	simm.s32 $0x1AA01;
	[tilespmem:s8+$0x1CC00] =	vst.msk vm1, v7  }
0x501: {  	(v2sf) =	vpush v9, $0x0;
	v7 =	vld [tilespmem:s1+$0x0];
	_ =	sdelay $0x4  }
0x502: {  	(v2sf) =	vpush v7, $0x0;
	_ =	sdelay $0x4  }
0x503: {  	p1 =	sne.s32 s3, $0x1  }
.Ltmp24:
0x504: {  	_ = 	snop;
	(pc) =	sbr.rel @!p1 .LBB2_42-.Ltmp24, $3  }
0x505: {  	_ =	sdelay $0x1  }
0x506: {  	s3 =	sadd.s32 $0xFFFFFFFF, s3  }
0x507: {  	s31 =	simm.s32 $0x0;
	p0 =	por $0x1, $0x1;
	s4 =	spop (v2sf)  }
.LBB2_43:
0x508: {  	p1 =	sne.s32 s3, $0x1;
	s3 =	sadd.s32 $0xFFFFFFFF, s3;
	s31 =	sadd.s32 s31, s4  }
0x509: {  	p2 =	slt.s32 s31, $0x7F1;
	_ =	sdelay $0x2  }
0x50a: {  	s4 =	spop (v2sf)  }
0x50b: {  	s11 =	sshll.u32 s4, $0x4  }
0x50c: {  	s4 =	sand.u32 $0xF, s4;
	s11 =	sand.u32 $0xFFFFFF00, s11  }
0x50d: {  	s4 =	sor.u32 s4, s11  }
0x50e: {  	v7 =	vor.u32 s4, v6;
	_ =	sdelay $0x4  }
0x50f: {  	v8 =	vld.idx.msk [tilespmem:v7+s5+$0x0], $0xffff;
	_ =	sdelay $0x4  }
0x510: {  	vm2 =	vmmov vm0  }
0x511: {  	vm2 =	vmneg @p2 vm2;
	vm1 =	vge.f32 v8, v5  }
0x512: {  	vm1 =	vmand vm2, vm1  }
0x513: {  	[tilespmem:s31+$0x1C380] =	vst.msk vm1, v8;
	v8 =	vmpcnt.ones.xlane vm1  }
0x514: {  	s1 =	sadd.s32 $0x1, s1;
	[tilespmem:s31+$0x1CC00] =	vst.msk vm1, v7  }
0x515: {  	v7 =	vld [tilespmem:s1+$0x0];
	(v2sf) =	vpush v8, $0x0;
	_ =	sdelay $0x4  }
0x516: {  	(v2sf) =	vpush v7, $0x0;
	_ =	sdelay $0x5  }
.Ltmp25:
0x517: {  	(pc) =	sbr.rel @p1 .LBB2_43-.Ltmp25, $2  }
0x518: {  	_ =	sdelay $0x2  }
0x519: {  	s4 =	spop (v2sf)  }
.LBB2_44:
0x51a: {  	_ =	sdelay $0x3  }
0x51b: {  	s1 =	spop (v2sf)  }
0x51c: {  	s3 =	sshll.u32 s1, $0x4  }
0x51d: {  	v6 =	vmul.u32 $0x10, v1;
	s1 =	sand.u32 $0xF, s1;
	s3 =	sand.u32 $0xFFFFFF00, s3  }
0x51e: {  	s1 =	sor.u32 s1, s3  }
0x51f: {  	v6 =	vor.u32 s1, v6;
	_ =	sdelay $0x4  }
0x520: {  	v7 =	vld.idx.msk [tilespmem:v6+s5+$0x0], $0xffff;
	_ =	sdelay $0x1  }
0x521: {  	s1 =	sadd.s32 @p0 s31, s4  }
0x522: {  	s8 =	smov.u32 @p0 s1  }
0x523: {  	vm1 =	vmmov vm0;
	p0 =	slt.s32 s8, $0x7F1  }
0x524: {  	vm1 =	vmneg @p0 vm1;
	vm2 =	vge.f32 v7, v5  }
0x525: {  	vm1 =	vmand vm1, vm2  }
0x526: {  	v5 =	vmpcnt.ones.xlane vm1;
	_ =	sdelay $0x1  }
0x527: {  	(v2sf) =	vpush v5, $0x0;
	_ =	sdelay $0xe  }
0x528: {  	[tilespmem:s8+$0x1C380] =	vst.msk vm1, v7;
	s31 =	spop (v2sf)  }
0x529: {  	[tilespmem:s8+$0x1CC00] =	vst.msk vm1, v6;
	s4 =	sadd.s32 s8, s31  }
.LBB2_45:
.Ltmp26:
0x52a: {  	(pc) =	sbr.rel .LBB2_46-.Ltmp26, $4  }
0x52b: {  	_ = 	snop  }
0x52c: {  	[tilespmem:s4+$0x1C380] =	vst v0;
	s1 =	sadd.s32 $0xF, s4  }
0x52d: {  	[tilespmem:s4+$0x1CC00] =	vst v3;
	s8 =	sshra.s32 s1, $0x4  }
0x52e: {  	[tilespmem:$0x1D4B0] =	vst v0;
	p0 =	slt.s32 s8, $0x1  }
.LBB2_47:
0x52f: {  	v7 =	vimm.s32 $0x80000000  }
.LBB2_55:
0x530: {  	(xrf0) =	vmax.scan.msk.f32 $0xffff, v6;
	_ =	sdelay $0x5  }
0x531: {  	v8, _, _ =	vpop (xrf0)  }
0x532: {  	v8 =	vbroadcast v8, $0xF;
	_ =	sdelay $0x1  }
0x533: {  	vm1 =	veq.f32 v6, v8;
	v6 =	vxor.u32 $0x80000000, v5  }
0x534: {  	v6 =	vnsel vm1, $0xFFFFFFFF, v6  }
0x535: {  	(xrf0) =	vmin.scan.msk.u32 $0xffff, v6;
	_ =	sdelay $0x5  }
0x536: {  	v6, _, _ =	vpop (xrf0)  }
0x537: {  	(v2sf) =	vpush v6, $0xF;
	_ =	sdelay $0xe  }
0x538: {  	s1 =	spop (v2sf)  }
0x539: {  	s1 =	sxor.u32 $0x80000000, s1  }
0x53a: {  	vm2 =	veq.s32 v5, s1  }
0x53b: {  	vm1 =	vmand vm1, vm2  }
0x53c: {  	v5 =	vnsel vm1, $0x80000000, v7  }
0x53d: {  	(xrf0) =	vmax.scan.msk.u32 $0xffff, v5;
	_ =	sdelay $0x5  }
0x53e: {  	v5, _, _ =	vpop (xrf0)  }
0x53f: {  	(v2sf) =	vpush v5, $0xF;
	_ =	sdelay $0xe  }
0x540: {  	[tilespmem:s9+$0x1D480] =	vst.msk $0x1, v8;
	v5 =	vmov s1;
	s3 =	spop (v2sf)  }
0x541: {  	[tilespmem:s9+$0x1D500] =	vst.msk $0x1, v5;
	s3 =	sshll.u32 s3, $0x4  }
0x542: {  	v5 =	vld [tilespmem:s3+$0x1CC00]  }
0x543: {  	s9 =	sadd.s32 $0x1, s9;
	v6 =	vld [tilespmem:s3+$0x1C380]  }
0x544: {  	p1 =	sne.s32 s9, $0x32  }
.Ltmp27:
0x545: {  	_ = 	snop;
	(pc) =	sbr.rel @!p1 .LBB2_56-.Ltmp27, $4  }
0x546: {  	_ = 	snop  }
0x547: {  	vm1 =	veq.s32 v5, s1  }
0x548: {  	v5 =	vsel vm1, $0xFF800000, v6  }
0x549: {  	[tilespmem:s3+$0x1C380] =	vst v5  }
.LBB2_46:
.Ltmp28:
0x54a: {  	(pc) =	sbr.rel @p0 .LBB2_47-.Ltmp28, $2  }
0x54b: {  	_ =	sdelay $0x2  }
0x54c: {  	v6 =	vimm.f32 $-Inf;
	v5 =	vimm.s32 $0x7FFFFFFF  }
0x54d: {  	s1 =	simm.s32 $0x1C380;
	p2 =	sne.s32 s8, $0x1  }
.Ltmp29:
0x54e: {  	s3 =	simm.s32 $0x1CC00;
	v8 =	vld [tilespmem:s1+$0x0];
	(pc) =	sbr.rel @!p2 .LBB2_49-.Ltmp29, $2  }
0x54f: {  	v9 =	vld [tilespmem:s3+$0x0];
	_ =	sdelay $0x2  }
0x550: {  	s31 =	simm.s32 $0x0;
	v7 =	vimm.s32 $0x0;
	p1 =	por $0x0, $0x0;
	s1 =	simm.s32 $0x1  }
0x551: {  	p2 =	sne.s32 s8, $0x2  }
.Ltmp30:
0x552: {  	_ = 	snop;
	(pc) =	sbr.rel @!p2 .LBB2_51-.Ltmp30, $4  }
0x553: {  	_ = 	snop  }
0x554: {  	vm1 =	veq.f32 v8, v6;
	s3 =	simm.s32 $0x1C390;
	vm2 =	vlt.s32 v9, v5  }
0x555: {  	vm3 =	vgt.f32 v8, v6;
	s4 =	simm.s32 $0x1CC10;
	v10 =	vimm.f32 $-Inf;
	v13 =	vld [tilespmem:s3+$0x0];
	vm1 =	vmand vm1, vm2  }
0x556: {  	s11 =	simm.s32 $0x2;
	p1 =	por $0x1, $0x1;
	v11 =	vimm.s32 $0x7FFFFFFF;
	v12 =	vimm.s32 $0x0;
	v14 =	vld [tilespmem:s4+$0x0];
	vm1 =	vmor vm3, vm1  }
.LBB2_52:
0x557: {  	v12 =	vsel vm1, s31, v12;
	s31 =	smov.u32 s1;
	s1 =	smov.u32 s11;
	s11 =	sadd.s32 $0x1, s11  }
0x558: {  	v10 =	vsel vm1, v8, v10;
	v11 =	vsel vm1, v9, v11;
	p2 =	sne.s32 s8, s11  }
.Ltmp31:
0x559: {  	(pc) =	sbr.rel @p2 .LBB2_52-.Ltmp31, $4  }
0x55a: {  	s3 =	sadd.s32 $0x10, s3;
	v8 =	vmov v13  }
0x55b: {  	s4 =	sadd.s32 $0x10, s4;
	v13 =	vld [tilespmem:s3+$0x0];
	vm1 =	veq.f32 v8, v10;
	vm2 =	vlt.s32 v14, v11;
	v9 =	vmov v14  }
0x55c: {  	vm3 =	vgt.f32 v8, v10;
	v14 =	vld [tilespmem:s4+$0x0];
	vm1 =	vmand vm1, vm2  }
0x55d: {  	vm1 =	vmor vm3, vm1  }
0x55e: {  	_ =	sdelay $0x2  }
0x55f: {  	v15 =	vmovc v8;
	v16 =	vmov v9;
	s3 =	smov.u32 s31;
	s31 =	smov.u32 s1;
	v8 =	vmov v13;
	v9 =	vmov v14  }
.LBB2_54:
0x560: {  	v10 =	vsel @p1 vm1, v15, v10;
	v11 =	vsel @p1 vm1, v16, v11  }
0x561: {  	v6 =	vpsel p1, v10, v6;
	v5 =	vpsel p1, v11, v5  }
.Ltmp32:
0x562: {  	vm2 =	veq.f32 v8, v6;
	vm3 =	vlt.s32 v9, v5;
	(pc) =	sbr.rel .LBB2_55-.Ltmp32, $4  }
0x563: {  	v10 =	vsel @p1 vm1, s3, v12;
	vm1 =	vgt.f32 v8, v6;
	vm2 =	vmand vm2, vm3  }
0x564: {  	v7 =	vpsel p1, v10, v7;
	vm1 =	vmor vm1, vm2  }
0x565: {  	v7 =	vsel vm1, s31, v7  }
0x566: {  	v6 =	vsel vm1, v8, v6;
	v5 =	vsel vm1, v9, v5;
	v7 =	vxor.u32 $0x80000000, v7  }
.LBB2_49:
.Ltmp33:
0x567: {  	(pc) =	sbr.rel .LBB2_54-.Ltmp33, $2  }
0x568: {  	_ =	sdelay $0x2  }
0x569: {  	v10 =	vimm.f32 $-Inf;
	v11 =	vimm.s32 $0x7FFFFFFF;
	v12 =	vimm.s32 $0x0  }
.LBB2_51:
.Ltmp34:
0x56a: {  	_ = 	snop;
	(pc) =	sbr.rel .LBB2_54-.Ltmp34, $3  }
0x56b: {  	_ =	sdelay $0x1  }
0x56c: {  	v15 =	vmov v8;
	v16 =	vmov v9  }
0x56d: {  	v10 =	vimm.f32 $-Inf;
	v11 =	vimm.s32 $0x7FFFFFFF;
	s3 =	simm.s32 $0x0;
	v12 =	vimm.s32 $0x0;
	s31 =	simm.s32 $0x1;
	v8 =	vmovc v13;
	v9 =	vmovc v14  }
.LBB2_40:
.Ltmp35:
0x56e: {  	(pc) =	sbr.rel .LBB2_44-.Ltmp35, $2  }
0x56f: {  	_ =	sdelay $0x2  }
0x570: {  	s31 =	simm.s32 $0x0  }
.LBB2_42:
.Ltmp36:
0x571: {  	(pc) =	sbr.rel .LBB2_44-.Ltmp36, $2  }
0x572: {  	_ =	sdelay $0x2  }
0x573: {  	s31 =	simm.s32 $0x0  }
.LBB2_58:
0x574: {  	_ =	sfence.sel $0x180000  }
0x575: {  	[bflag:$0x0] =	sbarrier.arrive $0xFFFF  }
0x576: {  	_ =	strace $0x90000047  }
0x577: {  	s0 =	stileid.u32;
	[bflag:$0x2] =	sbarrier.arrive $0xFFFF  }
0x578: {  	p0 =	sne.s32 s0, $0x0;
	s0 =	rddreg [dreg:$0x4]  }
0x579: {  	s0 =	sadd.s32 @!p0 $0x100000, s0  }
0x57a: {  	[sflag:s0] =	ssyncadd.tile.s32 @!p0 $0x1;
	_ =	shalt  }
.Lfunc_end2:
_tile_overlayer_lowered:
.L_overlay_start_2:
0x57b: {  	(tag) =	ssettag $0x2  }
0x57c: {  	s0 =	rddreg [dreg:$0x0];
	s2 =	stileid.u32  }
0x57d: {  	s1 =	rddreg [dreg:$0x1];
	p0 =	sne.s32 s2, $0x0  }
0x57e: {  	s3 =	rddreg [dreg:$0x2];
	[bflag:$0x3] =	sbarrier.arrive $0xFFFF;
	s2 =	simm.s32 @!p0 $0x1C03  }
0x57f: {  	[timem:s3], [sflag:s2] =	dma.local @!p0 [hbm:s0], s1  }
0x580: {  	s0 =	simm.s32 @!p0 $0x3  }
0x581: {  	_ =	swait.ge @!p0 [sflag:s0], s1  }
0x582: {  	s1 =	ssub.s32 @!p0 $0x0, s1;
	[sflag:s0] =	ssyncset.done @!p0 $0x0  }
0x583: {  	[sflag:s0] =	ssyncadd.s32 @!p0 s1  }
0x584: {  	[bflag:$0x3] =	sbarrier.arrive $0xFFFF  }
0x585: {  	_ =	shalt  }

</sc_bundles>
